<compile_context>
chip_gen: v7x
topology: tpu7x:2x2x1
jax: 0.10.2.dev20260603
libtpu: 0.0.44.dev20260713+nightly
codegen_flags: <defaults>
</compile_context>

<pallas_src>
import functools
import math

import jax
import jax.numpy as jnp
import numpy as np
from jax import lax
from jax.experimental import pallas as pl
from jax.experimental.pallas import tpu as pltpu
from jax.experimental.pallas import tpu_sc as plsc

KNN = 10
SQRTC = float(np.sqrt(np.float32(1.0 + 1e-5)))
NEG = -3.0e38


def _lrelu(x):
    return jnp.where(x >= 0, x, 0.2 * x)


def _bn(y, g, b):
    return (g * y) / SQRTC + b


def _bf(x):
    return x.astype(jnp.bfloat16)


def _knn_body(xt_ref, xc_ref, idx_ref, *, n, r):
    b = pl.program_id(0)
    xr = xt_ref[0]
    xc = xc_ref[0]
    g = jnp.dot(_bf(xr), _bf(xc), preferred_element_type=jnp.float32)
    xx_r = jnp.sum(xr * xr, axis=1, keepdims=True)
    xx_c = jnp.sum(xc * xc, axis=0, keepdims=True)
    key = -xx_r - (-2.0 * g) - xx_c
    iotaf = lax.broadcasted_iota(jnp.int32, (r, n), 1).astype(jnp.float32)
    cols = []
    for _ in range(KNN):
        m = jnp.max(key, axis=1, keepdims=True)
        c = key >= m
        candf = jnp.where(c, iotaf, float(n))
        cols.append(jnp.min(candf, axis=1, keepdims=True))
        key = jnp.where(c, NEG, key)
    idx = jnp.concatenate(cols, axis=1).astype(jnp.int32)
    idx_ref[0] = idx + b * n


def _knn(xt, xcm, r=256):
    b, n, c = xt.shape
    return pl.pallas_call(
        functools.partial(_knn_body, n=n, r=r),
        grid=(b, n // r),
        in_specs=[
            pl.BlockSpec((1, r, c), lambda i, j: (i, j, 0)),
            pl.BlockSpec((1, c, n), lambda i, j: (i, 0, 0)),
        ],
        out_specs=pl.BlockSpec((1, r, KNN), lambda i, j: (i, j, 0)),
        out_shape=jax.ShapeDtypeStruct((b, n, KNN), jnp.int32),
    )(xt, xcm)


def _sc_gather(table, idx):
    bn_, cw = table.shape
    tot = idx.shape[0]
    nc, ns = 2, 16
    nw = nc * ns
    pw = tot // nw
    ch = 256
    nch = pw // ch
    mesh = plsc.VectorSubcoreMesh(core_axis_name="c", subcore_axis_name="s")

    @functools.partial(
        pl.kernel,
        out_type=jax.ShapeDtypeStruct((tot, cw), jnp.float32),
        mesh=mesh,
        scratch_types=[
            pltpu.VMEM((ch,), jnp.int32),
            pltpu.VMEM((ch, cw), jnp.float32),
            pltpu.SemaphoreType.DMA,
        ],
    )
    def k(tab_hbm, idx_hbm, out_hbm, idx_v, rows_v, sem):
        wid = lax.axis_index("s") * nc + lax.axis_index("c")

        def chunk_body(cix, _):
            base = wid * pw + cix * ch
            pltpu.sync_copy(idx_hbm.at[pl.ds(base, ch)], idx_v)
            pltpu.async_copy(tab_hbm.at[idx_v], rows_v, sem).wait()
            pltpu.sync_copy(rows_v, out_hbm.at[pl.ds(base, ch)])
            return 0

        lax.fori_loop(0, nch, chunk_body, 0)

    return k(table, idx)


def _edge_body(xg_ref, xt_ref, w_ref, g_ref, b_ref, out_ref, *, c):
    xi = xt_ref[...]
    wq = w_ref[...]
    z = None
    for k in range(KNN):
        xj = xg_ref[k][:, :c]
        ef = jnp.concatenate([xj - xi, xi], axis=1)
        y = jnp.dot(_bf(ef), wq, preferred_element_type=jnp.float32)
        t = _lrelu(_bn(y, g_ref[...], b_ref[...]))
        z = t if z is None else jnp.maximum(z, t)
    out_ref[...] = z


def _edge(xg3, xt2, wt, gv, bv, o, r=256):
    kk, bn_, cw = xg3.shape
    c = xt2.shape[1]
    return pl.pallas_call(
        functools.partial(_edge_body, c=c),
        grid=(bn_ // r,),
        in_specs=[
            pl.BlockSpec((kk, r, cw), lambda j: (0, j, 0)),
            pl.BlockSpec((r, c), lambda j: (j, 0)),
            pl.BlockSpec(wt.shape, lambda j: (0, 0)),
            pl.BlockSpec((1, o), lambda j: (0, 0)),
            pl.BlockSpec((1, o), lambda j: (0, 0)),
        ],
        out_specs=pl.BlockSpec((r, o), lambda j: (j, 0)),
        out_shape=jax.ShapeDtypeStruct((bn_, o), jnp.float32),
    )(xg3, xt2, wt, gv, bv)


def _edge_conv(xt, xcm, wt, gv, bv, o):
    b, n, c = xt.shape
    bn_ = b * n
    idx = _knn(xt, xcm)
    idx_nm = jnp.transpose(idx.reshape(bn_, KNN)).reshape(-1)
    cw = max(((c + 127) // 128) * 128, 128)
    x2 = xt.reshape(bn_, c)
    xpad = x2 if cw == c else jnp.pad(x2, ((0, 0), (0, cw - c)))
    xg = _sc_gather(xpad, idx_nm)
    out = _edge(xg.reshape(KNN, bn_, cw), x2, wt, gv, bv, o)
    xt2 = out.reshape(b, n, o)
    return xt2, jnp.transpose(xt2, (0, 2, 1))


def _head_body(x1_ref, x2_ref, x3_ref, x4_ref, w5t_ref, g5_ref, b5_ref,
               fwt_ref, fb_ref, oga_ref, oba_ref, swt_ref, sb_ref,
               f0_ref, f1_ref, f2_ref, f3_ref, sem_ref):
    xc = jnp.concatenate(
        [x1_ref[0], x2_ref[0], x3_ref[0], x4_ref[0]], axis=1)
    h = jnp.dot(_bf(xc), w5t_ref[...], preferred_element_type=jnp.float32)
    x5 = _lrelu(_bn(h, g5_ref[...], b5_ref[...]))
    f = jnp.dot(_bf(x5), fwt_ref[...],
                preferred_element_type=jnp.float32) + fb_ref[...]
    fb_all = _bn(f, oga_ref[...], oba_ref[...])
    f0_ref[0] = fb_all[:, 0:256]
    f1_ref[0] = fb_all[:, 256:512]
    f2_ref[0] = fb_all[:, 512:768]
    f3_ref[0] = fb_all[:, 768:896]
    sem_ref[0] = jnp.dot(_bf(fb_all[:, 768:896]), swt_ref[...],
                         preferred_element_type=jnp.float32) + sb_ref[...]


def _head(x1, x2, x3, x4, w5t, g5, b5, fwt, fb, oga, oba, swt, sb, r=512):
    b, n, _ = x1.shape

    def full(shp):
        return pl.BlockSpec(shp, lambda i, j: tuple(0 for _ in shp))

    return pl.pallas_call(
        _head_body,
        grid=(b, n // r),
        in_specs=[
            pl.BlockSpec((1, r, 64), lambda i, j: (i, j, 0)),
            pl.BlockSpec((1, r, 64), lambda i, j: (i, j, 0)),
            pl.BlockSpec((1, r, 128), lambda i, j: (i, j, 0)),
            pl.BlockSpec((1, r, 256), lambda i, j: (i, j, 0)),
            full((512, 512)), full((1, 512)), full((1, 512)),
            full((512, 896)), full((1, 896)), full((1, 896)), full((1, 896)),
            full((128, 20)), full((1, 20)),
        ],
        out_specs=[
            pl.BlockSpec((1, r, 256), lambda i, j: (i, j, 0)),
            pl.BlockSpec((1, r, 256), lambda i, j: (i, j, 0)),
            pl.BlockSpec((1, r, 256), lambda i, j: (i, j, 0)),
            pl.BlockSpec((1, r, 128), lambda i, j: (i, j, 0)),
            pl.BlockSpec((1, r, 20), lambda i, j: (i, j, 0)),
        ],
        out_shape=[
            jax.ShapeDtypeStruct((b, n, 256), jnp.float32),
            jax.ShapeDtypeStruct((b, n, 256), jnp.float32),
            jax.ShapeDtypeStruct((b, n, 256), jnp.float32),
            jax.ShapeDtypeStruct((b, n, 128), jnp.float32),
            jax.ShapeDtypeStruct((b, n, 20), jnp.float32),
        ],
    )(x1, x2, x3, x4, w5t, g5, b5, fwt, fb, oga, oba, swt, sb)


def _pipeline(x, wt1, ga1, ba1, wt2, ga2, ba2, wt3, ga3, ba3, wt4, ga4, ba4,
              w5t, g5r, b5r, fwt, fb, oga, oba, swt, sbr):
    b, _, n = x.shape
    xcm = jnp.concatenate([x, jnp.zeros((b, 5, n), jnp.float32)], axis=1)
    xt = jnp.transpose(xcm, (0, 2, 1))

    x1t, x1c = _edge_conv(xt, xcm, wt1, ga1, ba1, 64)
    x2t, x2c = _edge_conv(x1t, x1c, wt2, ga2, ba2, 64)
    x3t, x3c = _edge_conv(x2t, x2c, wt3, ga3, ba3, 128)
    x4t, _ = _edge_conv(x3t, x3c, wt4, ga4, ba4, 256)

    f0, f1, f2, f3, sem = _head(
        x1t, x2t, x3t, x4t, w5t, g5r, b5r, fwt, fb, oga, oba, swt, sbr)
    tr = lambda v: jnp.transpose(v, (0, 2, 1))
    return (tr(f0), tr(f1), tr(f2), tr(f3), sem)


def kernel(x, W1, g1, b1, W2, g2, b2, W3, g3, b3, W4, g4, b4, W5, g5, b5,
           Fw0, Fb0, og0, ob0, Fw1, Fb1, og1, ob1, Fw2, Fb2, og2, ob2,
           Fw3, Fb3, og3, ob3, SW, Sb):
    row = lambda v: v.reshape(1, -1)
    z5 = jnp.zeros((64, 5), jnp.float32)
    w1p = jnp.concatenate(
        [jnp.concatenate([W1[:, :3], z5], axis=1),
         jnp.concatenate([W1[:, 3:], z5], axis=1)], axis=1)
    fwt = jnp.concatenate([Fw0, Fw1, Fw2, Fw3], axis=0).T
    args = (x,
            _bf(w1p.T), row(g1), row(b1),
            _bf(W2.T), row(g2), row(b2),
            _bf(W3.T), row(g3), row(b3),
            _bf(W4.T), row(g4), row(b4),
            _bf(W5.T), row(g5), row(b5),
            _bf(fwt), row(jnp.concatenate([Fb0, Fb1, Fb2, Fb3])),
            row(jnp.concatenate([og0, og1, og2, og3])),
            row(jnp.concatenate([ob0, ob1, ob2, ob3])),
            _bf(SW.T), row(Sb))
    return _pipeline(*args)

# --- scband reference (transcript-rebuilt; emitter-appended) ---
"""Pipeline reference for scband-efficient-dgcnnbackbone-28518582845516 (READ-ONLY COPY).

The authoritative reference and input builder live on the scoring server;
editing this copy changes nothing except your own understanding.
"""

import jax, jax.numpy as jnp
import numpy as np

K = 10

def knn_idx(x, k):
    inner = -2.0 * jnp.einsum('bcn,bcm->bnm', x, x)
    xx = jnp.sum(x * x, axis=1)
    pd = -xx[:, :, None] - inner - xx[:, None, :]
    return jax.lax.top_k(pd, k)[1]

def graph_feature(x, k):
    B, C, N = x.shape
    idx = knn_idx(x, k)
    xt = jnp.transpose(x, (0, 2, 1))
    feat = jax.vmap(lambda xb, ib: xb[ib])(xt, idx)
    xc = jnp.broadcast_to(xt[:, :, None, :], (B, N, k, C))
    out = jnp.concatenate([feat - xc, xc], axis=-1)
    return jnp.transpose(out, (0, 3, 1, 2))

def bn(x, g, b):
    shape = [1] * x.ndim
    shape[1] = -1
    return g.reshape(shape) * x / jnp.sqrt(1.0 + 1e-5) + b.reshape(shape)

def lrelu(x):
    return jnp.where(x >= 0, x, 0.2 * x)

def edge_conv(x, W, g, b, k):
    ef = graph_feature(x, k)
    y = jnp.einsum('oc,bcnk->bonk', W, ef)
    y = lrelu(bn(y, g, b))
    return jnp.max(y, axis=-1)

def setup_inputs(seed: int = 0):
    key = jax.random.key(seed)
    ks = jax.random.split(key, 16)
    B, N = 2, 4096
    chans = [256, 256, 256, 128]
    inp = {}
    inp['x'] = jax.random.normal(ks[0], (B, 3, N), dtype=jnp.float32)
    def w(k_, o, i):
        return jax.random.normal(k_, (o, i), dtype=jnp.float32) * (2.0 / i) ** 0.5
    inp['W1'] = w(ks[1], 64, 6); inp['g1'] = jnp.ones((64,), jnp.float32); inp['b1'] = jnp.zeros((64,), jnp.float32)
    inp['W2'] = w(ks[2], 64, 128); inp['g2'] = jnp.ones((64,), jnp.float32); inp['b2'] = jnp.zeros((64,), jnp.float32)
    inp['W3'] = w(ks[3], 128, 128); inp['g3'] = jnp.ones((128,), jnp.float32); inp['b3'] = jnp.zeros((128,), jnp.float32)
    inp['W4'] = w(ks[4], 256, 256); inp['g4'] = jnp.ones((256,), jnp.float32); inp['b4'] = jnp.zeros((256,), jnp.float32)
    inp['W5'] = w(ks[5], 512, 512); inp['g5'] = jnp.ones((512,), jnp.float32); inp['b5'] = jnp.zeros((512,), jnp.float32)
    for i, c in enumerate(chans):
        inp['Fw%d' % i] = w(ks[6 + i], c, 512)
        inp['Fb%d' % i] = jnp.zeros((c,), jnp.float32)
        inp['og%d' % i] = jnp.ones((c,), jnp.float32)
        inp['ob%d' % i] = jnp.zeros((c,), jnp.float32)
    inp['SW'] = jax.random.normal(ks[10], (20, 128), dtype=jnp.float32) * 0.01
    inp['Sb'] = jnp.zeros((20,), jnp.float32)
    return inp

def reference(x, W1, g1, b1, W2, g2, b2, W3, g3, b3, W4, g4, b4, W5, g5, b5, Fw0, Fb0, og0, ob0, Fw1, Fb1, og1, ob1, Fw2, Fb2, og2, ob2, Fw3, Fb3, og3, ob3, SW, Sb):
    k = K
    x1 = edge_conv(x, W1, g1, b1, k)
    x2 = edge_conv(x1, W2, g2, b2, k)
    x3 = edge_conv(x2, W3, g3, b3, k)
    x4 = edge_conv(x3, W4, g4, b4, k)
    xc = jnp.concatenate([x1, x2, x3, x4], axis=1)
    x5 = lrelu(bn(jnp.einsum('oc,bcn->bon', W5, xc), g5, b5))
    feats = []
    for Fw, Fb, og, ob in ((Fw0, Fb0, og0, ob0), (Fw1, Fb1, og1, ob1), (Fw2, Fb2, og2, ob2), (Fw3, Fb3, og3, ob3)):
        f = jnp.einsum('oc,bcn->bon', Fw, x5) + Fb[None, :, None]
        feats.append(bn(f, og, ob))
    sem = jnp.einsum('oc,bcn->bno', SW, feats[3]) + Sb
    return (feats[0], feats[1], feats[2], feats[3], sem)

if __name__ == "__main__":
    import jax
    _d = setup_inputs()
    print(jax.jit(kernel)(*tuple(_d.values())))

</pallas_src>

<mosaic_0001>
#map = affine_map<(d0, d1) -> (0, 0)>
#map1 = affine_map<(d0, d1) -> (0)>
module attributes {stable_mosaic.version = 14 : i64} {
  func.func @k(%arg0: i32, %arg1: i32, %arg2: memref<8192x128xf32, #tpu.memory_space<hbm>>, %arg3: memref<81920xi32, #tpu.memory_space<hbm>>, %arg4: memref<81920x128xf32, #tpu.memory_space<hbm>>, %arg5: memref<256xi32, #tpu.memory_space<vmem>>, %arg6: memref<256x128xf32, #tpu.memory_space<vmem>>, %arg7: memref<!tpu.dma_semaphore, #tpu.memory_space<semaphore_mem>>) attributes {dimension_semantics = [#tpu.dimension_semantics<core_parallel>, #tpu.dimension_semantics<subcore_parallel>], iteration_bounds = array<i64: 2, 16>, scalar_prefetch = 0 : i64, scratch_operands = 3 : i64, tpu.core_type = #tpu.core_type<sc_vector_subcore>, window_params = [{transform_indices = #map}, {transform_indices = #map1}, {transform_indices = #map}]} {
    %mul3A = arith.constant 2 : i32
    %mul3A_0 = arith.muli %arg1, %mul3A : i32
    %add3A = arith.addi %mul3A_0, %arg0 : i32
    %scan3A = arith.constant 0 : i32
    %scan3A_1 = arith.constant 0 : i32
    %scan3A_2 = arith.constant 10 : i32
    %scan3A_3 = arith.addi %scan3A_1, %scan3A_2 : i32
    %scan3A_4 = arith.constant 1 : i32
    %scan3A_5 = scf.for %scan3A_7 = %scan3A_1 to %scan3A_3 step %scan3A_4 iter_args(%scan3A_8 = %scan3A) -> (i32)  : i32 {
      %mul3A_9 = arith.constant 2560 : i32
      %mul3A_10 = arith.muli %add3A, %mul3A_9 : i32
      %mul3A_11 = arith.constant 256 : i32
      %mul3A_12 = arith.muli %scan3A_7, %mul3A_11 : i32
      %add3A_13 = arith.addi %mul3A_10, %mul3A_12 : i32
      "tpu.region"() ({
        %run_scoped3A = tpu.sem_alloc : memref<!tpu.dma_semaphore, #tpu.memory_space<semaphore_mem>>
        %dma_start3A_19 = tpu.memref_slice %arg3[%add3A_13] : memref<81920xi32, #tpu.memory_space<hbm>> -> memref<256xi32, #tpu.memory_space<hbm>>
        %dma_start3A_20 = tpu.memref_slice %arg3[%add3A_13] : memref<81920xi32, #tpu.memory_space<hbm>> -> memref<256xi32, #tpu.memory_space<hbm>>
        tpu.enqueue_dma source(%dma_start3A_20 : memref<256xi32, #tpu.memory_space<hbm>>) target(%arg5 : memref<256xi32, #tpu.memory_space<vmem>>) target_semaphore(%run_scoped3A : memref<!tpu.dma_semaphore, #tpu.memory_space<semaphore_mem>>)
        %dma_wait3A_21 = tpu.memref_slice %arg3[%add3A_13] : memref<81920xi32, #tpu.memory_space<hbm>> -> memref<256xi32, #tpu.memory_space<hbm>>
        %dma_wait3A_22 = tpu.memref_slice %arg3[%add3A_13] : memref<81920xi32, #tpu.memory_space<hbm>> -> memref<256xi32, #tpu.memory_space<hbm>>
        tpu.wait_dma2 semaphore(%run_scoped3A : memref<!tpu.dma_semaphore, #tpu.memory_space<semaphore_mem>>) src(%dma_wait3A_22 : memref<256xi32, #tpu.memory_space<hbm>>) dst(%arg5 : memref<256xi32, #tpu.memory_space<vmem>>)
        tpu.yield
      }) : () -> ()
      %dma_start3A = arith.constant 0 : i32
      %dma_start3A_14 = arith.constant 0 : i32
      %dma_start3A_15 = tpu.memref_slice %arg2[%dma_start3A, %dma_start3A_14] : memref<8192x128xf32, #tpu.memory_space<hbm>> -> memref<8192x128xf32, #tpu.memory_space<hbm>>
      tpu.enqueue_indirect_dma source(%dma_start3A_15 : memref<8192x128xf32, #tpu.memory_space<hbm>>) target(%arg6 : memref<256x128xf32, #tpu.memory_space<vmem>>) offsets(%arg5 : memref<256xi32, #tpu.memory_space<vmem>>) semaphore(%arg7 : memref<!tpu.dma_semaphore, #tpu.memory_space<semaphore_mem>>)
      %dma_wait3A = arith.constant 0 : i32
      %dma_wait3A_16 = arith.constant 0 : i32
      %dma_wait3A_17 = tpu.memref_slice %arg2[%dma_wait3A, %dma_wait3A_16] : memref<8192x128xf32, #tpu.memory_space<hbm>> -> memref<8192x128xf32, #tpu.memory_space<hbm>>
      tpu.wait_indirect_dma semaphore(%arg7 : memref<!tpu.dma_semaphore, #tpu.memory_space<semaphore_mem>>) src(%dma_wait3A_17 : memref<8192x128xf32, #tpu.memory_space<hbm>>) dst(%arg6 : memref<256x128xf32, #tpu.memory_space<vmem>>)
      "tpu.region"() ({
        %run_scoped3A = tpu.sem_alloc : memref<!tpu.dma_semaphore, #tpu.memory_space<semaphore_mem>>
        %dma_start3A_19 = arith.constant 0 : i32
        %dma_start3A_20 = tpu.memref_slice %arg4[%add3A_13, %dma_start3A_19] : memref<81920x128xf32, #tpu.memory_space<hbm>> -> memref<256x128xf32, #tpu.memory_space<hbm>>
        %dma_start3A_21 = arith.constant 0 : i32
        %dma_start3A_22 = tpu.memref_slice %arg4[%add3A_13, %dma_start3A_21] : memref<81920x128xf32, #tpu.memory_space<hbm>> -> memref<256x128xf32, #tpu.memory_space<hbm>>
        tpu.enqueue_dma source(%arg6 : memref<256x128xf32, #tpu.memory_space<vmem>>) target(%dma_start3A_22 : memref<256x128xf32, #tpu.memory_space<hbm>>) target_semaphore(%run_scoped3A : memref<!tpu.dma_semaphore, #tpu.memory_space<semaphore_mem>>)
        %dma_wait3A_23 = arith.constant 0 : i32
        %dma_wait3A_24 = tpu.memref_slice %arg4[%add3A_13, %dma_wait3A_23] : memref<81920x128xf32, #tpu.memory_space<hbm>> -> memref<256x128xf32, #tpu.memory_space<hbm>>
        %dma_wait3A_25 = arith.constant 0 : i32
        %dma_wait3A_26 = tpu.memref_slice %arg4[%add3A_13, %dma_wait3A_25] : memref<81920x128xf32, #tpu.memory_space<hbm>> -> memref<256x128xf32, #tpu.memory_space<hbm>>
        tpu.wait_dma2 semaphore(%run_scoped3A : memref<!tpu.dma_semaphore, #tpu.memory_space<semaphore_mem>>) src(%arg6 : memref<256x128xf32, #tpu.memory_space<vmem>>) dst(%dma_wait3A_26 : memref<256x128xf32, #tpu.memory_space<hbm>>)
        tpu.yield
      }) : () -> ()
      %scan3A_18 = arith.constant 0 : i32
      scf.yield %scan3A_18 : i32
    }
    %scan3A_6 = arith.constant 10 : i32
    return
  }
}

#map = affine_map<(d0, d1) -> (0, 0)>
#map1 = affine_map<(d0, d1) -> (0)>
module attributes {stable_mosaic.version = 14 : i64} {
  func.func @k(%arg0: i32, %arg1: i32, %arg2: memref<8192x128xf32, #tpu.memory_space<hbm>>, %arg3: memref<81920xi32, #tpu.memory_space<hbm>>, %arg4: memref<81920x128xf32, #tpu.memory_space<hbm>>, %arg5: memref<256xi32, #tpu.memory_space<vmem>>, %arg6: memref<256x128xf32, #tpu.memory_space<vmem>>, %arg7: memref<!tpu.dma_semaphore, #tpu.memory_space<semaphore_mem>>) attributes {dimension_semantics = [#tpu.dimension_semantics<core_parallel>, #tpu.dimension_semantics<subcore_parallel>], iteration_bounds = array<i64: 2, 16>, scalar_prefetch = 0 : i64, scratch_operands = 3 : i64, tpu.core_type = #tpu.core_type<sc_vector_subcore>, window_params = [{transform_indices = #map}, {transform_indices = #map1}, {transform_indices = #map}]} {
    %mul3A = arith.constant 2 : i32
    %mul3A_0 = arith.muli %arg1, %mul3A : i32
    %add3A = arith.addi %mul3A_0, %arg0 : i32
    %scan3A = arith.constant 0 : i32
    %scan3A_1 = arith.constant 0 : i32
    %scan3A_2 = arith.constant 10 : i32
    %scan3A_3 = arith.addi %scan3A_1, %scan3A_2 : i32
    %scan3A_4 = arith.constant 1 : i32
    %scan3A_5 = scf.for %scan3A_7 = %scan3A_1 to %scan3A_3 step %scan3A_4 iter_args(%scan3A_8 = %scan3A) -> (i32)  : i32 {
      %mul3A_9 = arith.constant 2560 : i32
      %mul3A_10 = arith.muli %add3A, %mul3A_9 : i32
      %mul3A_11 = arith.constant 256 : i32
      %mul3A_12 = arith.muli %scan3A_7, %mul3A_11 : i32
      %add3A_13 = arith.addi %mul3A_10, %mul3A_12 : i32
      "tpu.region"() ({
        %run_scoped3A = tpu.sem_alloc : memref<!tpu.dma_semaphore, #tpu.memory_space<semaphore_mem>>
        %dma_start3A_19 = tpu.memref_slice %arg3[%add3A_13] : memref<81920xi32, #tpu.memory_space<hbm>> -> memref<256xi32, #tpu.memory_space<hbm>>
        %dma_start3A_20 = tpu.memref_slice %arg3[%add3A_13] : memref<81920xi32, #tpu.memory_space<hbm>> -> memref<256xi32, #tpu.memory_space<hbm>>
        tpu.enqueue_dma source(%dma_start3A_20 : memref<256xi32, #tpu.memory_space<hbm>>) target(%arg5 : memref<256xi32, #tpu.memory_space<vmem>>) target_semaphore(%run_scoped3A : memref<!tpu.dma_semaphore, #tpu.memory_space<semaphore_mem>>)
        %dma_wait3A_21 = tpu.memref_slice %arg3[%add3A_13] : memref<81920xi32, #tpu.memory_space<hbm>> -> memref<256xi32, #tpu.memory_space<hbm>>
        %dma_wait3A_22 = tpu.memref_slice %arg3[%add3A_13] : memref<81920xi32, #tpu.memory_space<hbm>> -> memref<256xi32, #tpu.memory_space<hbm>>
        tpu.wait_dma2 semaphore(%run_scoped3A : memref<!tpu.dma_semaphore, #tpu.memory_space<semaphore_mem>>) src(%dma_wait3A_22 : memref<256xi32, #tpu.memory_space<hbm>>) dst(%arg5 : memref<256xi32, #tpu.memory_space<vmem>>)
        tpu.yield
      }) : () -> ()
      %dma_start3A = arith.constant 0 : i32
      %dma_start3A_14 = arith.constant 0 : i32
      %dma_start3A_15 = tpu.memref_slice %arg2[%dma_start3A, %dma_start3A_14] : memref<8192x128xf32, #tpu.memory_space<hbm>> -> memref<8192x128xf32, #tpu.memory_space<hbm>>
      tpu.enqueue_indirect_dma source(%dma_start3A_15 : memref<8192x128xf32, #tpu.memory_space<hbm>>) target(%arg6 : memref<256x128xf32, #tpu.memory_space<vmem>>) offsets(%arg5 : memref<256xi32, #tpu.memory_space<vmem>>) semaphore(%arg7 : memref<!tpu.dma_semaphore, #tpu.memory_space<semaphore_mem>>)
      %dma_wait3A = arith.constant 0 : i32
      %dma_wait3A_16 = arith.constant 0 : i32
      %dma_wait3A_17 = tpu.memref_slice %arg2[%dma_wait3A, %dma_wait3A_16] : memref<8192x128xf32, #tpu.memory_space<hbm>> -> memref<8192x128xf32, #tpu.memory_space<hbm>>
      tpu.wait_indirect_dma semaphore(%arg7 : memref<!tpu.dma_semaphore, #tpu.memory_space<semaphore_mem>>) src(%dma_wait3A_17 : memref<8192x128xf32, #tpu.memory_space<hbm>>) dst(%arg6 : memref<256x128xf32, #tpu.memory_space<vmem>>)
      "tpu.region"() ({
        %run_scoped3A = tpu.sem_alloc : memref<!tpu.dma_semaphore, #tpu.memory_space<semaphore_mem>>
        %dma_start3A_19 = arith.constant 0 : i32
        %dma_start3A_20 = tpu.memref_slice %arg4[%add3A_13, %dma_start3A_19] : memref<81920x128xf32, #tpu.memory_space<hbm>> -> memref<256x128xf32, #tpu.memory_space<hbm>>
        %dma_start3A_21 = arith.constant 0 : i32
        %dma_start3A_22 = tpu.memref_slice %arg4[%add3A_13, %dma_start3A_21] : memref<81920x128xf32, #tpu.memory_space<hbm>> -> memref<256x128xf32, #tpu.memory_space<hbm>>
        tpu.enqueue_dma source(%arg6 : memref<256x128xf32, #tpu.memory_space<vmem>>) target(%dma_start3A_22 : memref<256x128xf32, #tpu.memory_space<hbm>>) target_semaphore(%run_scoped3A : memref<!tpu.dma_semaphore, #tpu.memory_space<semaphore_mem>>)
        %dma_wait3A_23 = arith.constant 0 : i32
        %dma_wait3A_24 = tpu.memref_slice %arg4[%add3A_13, %dma_wait3A_23] : memref<81920x128xf32, #tpu.memory_space<hbm>> -> memref<256x128xf32, #tpu.memory_space<hbm>>
        %dma_wait3A_25 = arith.constant 0 : i32
        %dma_wait3A_26 = tpu.memref_slice %arg4[%add3A_13, %dma_wait3A_25] : memref<81920x128xf32, #tpu.memory_space<hbm>> -> memref<256x128xf32, #tpu.memory_space<hbm>>
        tpu.wait_dma2 semaphore(%run_scoped3A : memref<!tpu.dma_semaphore, #tpu.memory_space<semaphore_mem>>) src(%arg6 : memref<256x128xf32, #tpu.memory_space<vmem>>) dst(%dma_wait3A_26 : memref<256x128xf32, #tpu.memory_space<hbm>>)
        tpu.yield
      }) : () -> ()
      %scan3A_18 = arith.constant 0 : i32
      scf.yield %scan3A_18 : i32
    }
    %scan3A_6 = arith.constant 10 : i32
    return
  }
}

#map = affine_map<(d0, d1) -> (0, 0)>
#map1 = affine_map<(d0, d1) -> (0)>
module attributes {stable_mosaic.version = 14 : i64} {
  func.func @k(%arg0: i32, %arg1: i32, %arg2: memref<8192x128xf32, #tpu.memory_space<hbm>>, %arg3: memref<81920xi32, #tpu.memory_space<hbm>>, %arg4: memref<81920x128xf32, #tpu.memory_space<hbm>>, %arg5: memref<256xi32, #tpu.memory_space<vmem>>, %arg6: memref<256x128xf32, #tpu.memory_space<vmem>>, %arg7: memref<!tpu.dma_semaphore, #tpu.memory_space<semaphore_mem>>) attributes {dimension_semantics = [#tpu.dimension_semantics<core_parallel>, #tpu.dimension_semantics<subcore_parallel>], iteration_bounds = array<i64: 2, 16>, scalar_prefetch = 0 : i64, scratch_operands = 3 : i64, tpu.core_type = #tpu.core_type<sc_vector_subcore>, window_params = [{transform_indices = #map}, {transform_indices = #map1}, {transform_indices = #map}]} {
    %mul3A = arith.constant 2 : i32
    %mul3A_0 = arith.muli %arg1, %mul3A : i32
    %add3A = arith.addi %mul3A_0, %arg0 : i32
    %scan3A = arith.constant 0 : i32
    %scan3A_1 = arith.constant 0 : i32
    %scan3A_2 = arith.constant 10 : i32
    %scan3A_3 = arith.addi %scan3A_1, %scan3A_2 : i32
    %scan3A_4 = arith.constant 1 : i32
    %scan3A_5 = scf.for %scan3A_7 = %scan3A_1 to %scan3A_3 step %scan3A_4 iter_args(%scan3A_8 = %scan3A) -> (i32)  : i32 {
      %mul3A_9 = arith.constant 2560 : i32
      %mul3A_10 = arith.muli %add3A, %mul3A_9 : i32
      %mul3A_11 = arith.constant 256 : i32
      %mul3A_12 = arith.muli %scan3A_7, %mul3A_11 : i32
      %add3A_13 = arith.addi %mul3A_10, %mul3A_12 : i32
      "tpu.region"() ({
        %run_scoped3A = tpu.sem_alloc : memref<!tpu.dma_semaphore, #tpu.memory_space<semaphore_mem>>
        %dma_start3A_19 = tpu.memref_slice %arg3[%add3A_13] : memref<81920xi32, #tpu.memory_space<hbm>> -> memref<256xi32, #tpu.memory_space<hbm>>
        %dma_start3A_20 = tpu.memref_slice %arg3[%add3A_13] : memref<81920xi32, #tpu.memory_space<hbm>> -> memref<256xi32, #tpu.memory_space<hbm>>
        tpu.enqueue_dma source(%dma_start3A_20 : memref<256xi32, #tpu.memory_space<hbm>>) target(%arg5 : memref<256xi32, #tpu.memory_space<vmem>>) target_semaphore(%run_scoped3A : memref<!tpu.dma_semaphore, #tpu.memory_space<semaphore_mem>>)
        %dma_wait3A_21 = tpu.memref_slice %arg3[%add3A_13] : memref<81920xi32, #tpu.memory_space<hbm>> -> memref<256xi32, #tpu.memory_space<hbm>>
        %dma_wait3A_22 = tpu.memref_slice %arg3[%add3A_13] : memref<81920xi32, #tpu.memory_space<hbm>> -> memref<256xi32, #tpu.memory_space<hbm>>
        tpu.wait_dma2 semaphore(%run_scoped3A : memref<!tpu.dma_semaphore, #tpu.memory_space<semaphore_mem>>) src(%dma_wait3A_22 : memref<256xi32, #tpu.memory_space<hbm>>) dst(%arg5 : memref<256xi32, #tpu.memory_space<vmem>>)
        tpu.yield
      }) : () -> ()
      %dma_start3A = arith.constant 0 : i32
      %dma_start3A_14 = arith.constant 0 : i32
      %dma_start3A_15 = tpu.memref_slice %arg2[%dma_start3A, %dma_start3A_14] : memref<8192x128xf32, #tpu.memory_space<hbm>> -> memref<8192x128xf32, #tpu.memory_space<hbm>>
      tpu.enqueue_indirect_dma source(%dma_start3A_15 : memref<8192x128xf32, #tpu.memory_space<hbm>>) target(%arg6 : memref<256x128xf32, #tpu.memory_space<vmem>>) offsets(%arg5 : memref<256xi32, #tpu.memory_space<vmem>>) semaphore(%arg7 : memref<!tpu.dma_semaphore, #tpu.memory_space<semaphore_mem>>)
      %dma_wait3A = arith.constant 0 : i32
      %dma_wait3A_16 = arith.constant 0 : i32
      %dma_wait3A_17 = tpu.memref_slice %arg2[%dma_wait3A, %dma_wait3A_16] : memref<8192x128xf32, #tpu.memory_space<hbm>> -> memref<8192x128xf32, #tpu.memory_space<hbm>>
      tpu.wait_indirect_dma semaphore(%arg7 : memref<!tpu.dma_semaphore, #tpu.memory_space<semaphore_mem>>) src(%dma_wait3A_17 : memref<8192x128xf32, #tpu.memory_space<hbm>>) dst(%arg6 : memref<256x128xf32, #tpu.memory_space<vmem>>)
      "tpu.region"() ({
        %run_scoped3A = tpu.sem_alloc : memref<!tpu.dma_semaphore, #tpu.memory_space<semaphore_mem>>
        %dma_start3A_19 = arith.constant 0 : i32
        %dma_start3A_20 = tpu.memref_slice %arg4[%add3A_13, %dma_start3A_19] : memref<81920x128xf32, #tpu.memory_space<hbm>> -> memref<256x128xf32, #tpu.memory_space<hbm>>
        %dma_start3A_21 = arith.constant 0 : i32
        %dma_start3A_22 = tpu.memref_slice %arg4[%add3A_13, %dma_start3A_21] : memref<81920x128xf32, #tpu.memory_space<hbm>> -> memref<256x128xf32, #tpu.memory_space<hbm>>
        tpu.enqueue_dma source(%arg6 : memref<256x128xf32, #tpu.memory_space<vmem>>) target(%dma_start3A_22 : memref<256x128xf32, #tpu.memory_space<hbm>>) target_semaphore(%run_scoped3A : memref<!tpu.dma_semaphore, #tpu.memory_space<semaphore_mem>>)
        %dma_wait3A_23 = arith.constant 0 : i32
        %dma_wait3A_24 = tpu.memref_slice %arg4[%add3A_13, %dma_wait3A_23] : memref<81920x128xf32, #tpu.memory_space<hbm>> -> memref<256x128xf32, #tpu.memory_space<hbm>>
        %dma_wait3A_25 = arith.constant 0 : i32
        %dma_wait3A_26 = tpu.memref_slice %arg4[%add3A_13, %dma_wait3A_25] : memref<81920x128xf32, #tpu.memory_space<hbm>> -> memref<256x128xf32, #tpu.memory_space<hbm>>
        tpu.wait_dma2 semaphore(%run_scoped3A : memref<!tpu.dma_semaphore, #tpu.memory_space<semaphore_mem>>) src(%arg6 : memref<256x128xf32, #tpu.memory_space<vmem>>) dst(%dma_wait3A_26 : memref<256x128xf32, #tpu.memory_space<hbm>>)
        tpu.yield
      }) : () -> ()
      %scan3A_18 = arith.constant 0 : i32
      scf.yield %scan3A_18 : i32
    }
    %scan3A_6 = arith.constant 10 : i32
    return
  }
}

#map = affine_map<(d0, d1) -> (0, 0)>
#map1 = affine_map<(d0, d1) -> (0)>
module attributes {stable_mosaic.version = 14 : i64} {
  func.func @k(%arg0: i32, %arg1: i32, %arg2: memref<8192x128xf32, #tpu.memory_space<hbm>>, %arg3: memref<81920xi32, #tpu.memory_space<hbm>>, %arg4: memref<81920x128xf32, #tpu.memory_space<hbm>>, %arg5: memref<256xi32, #tpu.memory_space<vmem>>, %arg6: memref<256x128xf32, #tpu.memory_space<vmem>>, %arg7: memref<!tpu.dma_semaphore, #tpu.memory_space<semaphore_mem>>) attributes {dimension_semantics = [#tpu.dimension_semantics<core_parallel>, #tpu.dimension_semantics<subcore_parallel>], iteration_bounds = array<i64: 2, 16>, scalar_prefetch = 0 : i64, scratch_operands = 3 : i64, tpu.core_type = #tpu.core_type<sc_vector_subcore>, window_params = [{transform_indices = #map}, {transform_indices = #map1}, {transform_indices = #map}]} {
    %mul3A = arith.constant 2 : i32
    %mul3A_0 = arith.muli %arg1, %mul3A : i32
    %add3A = arith.addi %mul3A_0, %arg0 : i32
    %scan3A = arith.constant 0 : i32
    %scan3A_1 = arith.constant 0 : i32
    %scan3A_2 = arith.constant 10 : i32
    %scan3A_3 = arith.addi %scan3A_1, %scan3A_2 : i32
    %scan3A_4 = arith.constant 1 : i32
    %scan3A_5 = scf.for %scan3A_7 = %scan3A_1 to %scan3A_3 step %scan3A_4 iter_args(%scan3A_8 = %scan3A) -> (i32)  : i32 {
      %mul3A_9 = arith.constant 2560 : i32
      %mul3A_10 = arith.muli %add3A, %mul3A_9 : i32
      %mul3A_11 = arith.constant 256 : i32
      %mul3A_12 = arith.muli %scan3A_7, %mul3A_11 : i32
      %add3A_13 = arith.addi %mul3A_10, %mul3A_12 : i32
      "tpu.region"() ({
        %run_scoped3A = tpu.sem_alloc : memref<!tpu.dma_semaphore, #tpu.memory_space<semaphore_mem>>
        %dma_start3A_19 = tpu.memref_slice %arg3[%add3A_13] : memref<81920xi32, #tpu.memory_space<hbm>> -> memref<256xi32, #tpu.memory_space<hbm>>
        %dma_start3A_20 = tpu.memref_slice %arg3[%add3A_13] : memref<81920xi32, #tpu.memory_space<hbm>> -> memref<256xi32, #tpu.memory_space<hbm>>
        tpu.enqueue_dma source(%dma_start3A_20 : memref<256xi32, #tpu.memory_space<hbm>>) target(%arg5 : memref<256xi32, #tpu.memory_space<vmem>>) target_semaphore(%run_scoped3A : memref<!tpu.dma_semaphore, #tpu.memory_space<semaphore_mem>>)
        %dma_wait3A_21 = tpu.memref_slice %arg3[%add3A_13] : memref<81920xi32, #tpu.memory_space<hbm>> -> memref<256xi32, #tpu.memory_space<hbm>>
        %dma_wait3A_22 = tpu.memref_slice %arg3[%add3A_13] : memref<81920xi32, #tpu.memory_space<hbm>> -> memref<256xi32, #tpu.memory_space<hbm>>
        tpu.wait_dma2 semaphore(%run_scoped3A : memref<!tpu.dma_semaphore, #tpu.memory_space<semaphore_mem>>) src(%dma_wait3A_22 : memref<256xi32, #tpu.memory_space<hbm>>) dst(%arg5 : memref<256xi32, #tpu.memory_space<vmem>>)
        tpu.yield
      }) : () -> ()
      %dma_start3A = arith.constant 0 : i32
      %dma_start3A_14 = arith.constant 0 : i32
      %dma_start3A_15 = tpu.memref_slice %arg2[%dma_start3A, %dma_start3A_14] : memref<8192x128xf32, #tpu.memory_space<hbm>> -> memref<8192x128xf32, #tpu.memory_space<hbm>>
      tpu.enqueue_indirect_dma source(%dma_start3A_15 : memref<8192x128xf32, #tpu.memory_space<hbm>>) target(%arg6 : memref<256x128xf32, #tpu.memory_space<vmem>>) offsets(%arg5 : memref<256xi32, #tpu.memory_space<vmem>>) semaphore(%arg7 : memref<!tpu.dma_semaphore, #tpu.memory_space<semaphore_mem>>)
      %dma_wait3A = arith.constant 0 : i32
      %dma_wait3A_16 = arith.constant 0 : i32
      %dma_wait3A_17 = tpu.memref_slice %arg2[%dma_wait3A, %dma_wait3A_16] : memref<8192x128xf32, #tpu.memory_space<hbm>> -> memref<8192x128xf32, #tpu.memory_space<hbm>>
      tpu.wait_indirect_dma semaphore(%arg7 : memref<!tpu.dma_semaphore, #tpu.memory_space<semaphore_mem>>) src(%dma_wait3A_17 : memref<8192x128xf32, #tpu.memory_space<hbm>>) dst(%arg6 : memref<256x128xf32, #tpu.memory_space<vmem>>)
      "tpu.region"() ({
        %run_scoped3A = tpu.sem_alloc : memref<!tpu.dma_semaphore, #tpu.memory_space<semaphore_mem>>
        %dma_start3A_19 = arith.constant 0 : i32
        %dma_start3A_20 = tpu.memref_slice %arg4[%add3A_13, %dma_start3A_19] : memref<81920x128xf32, #tpu.memory_space<hbm>> -> memref<256x128xf32, #tpu.memory_space<hbm>>
        %dma_start3A_21 = arith.constant 0 : i32
        %dma_start3A_22 = tpu.memref_slice %arg4[%add3A_13, %dma_start3A_21] : memref<81920x128xf32, #tpu.memory_space<hbm>> -> memref<256x128xf32, #tpu.memory_space<hbm>>
        tpu.enqueue_dma source(%arg6 : memref<256x128xf32, #tpu.memory_space<vmem>>) target(%dma_start3A_22 : memref<256x128xf32, #tpu.memory_space<hbm>>) target_semaphore(%run_scoped3A : memref<!tpu.dma_semaphore, #tpu.memory_space<semaphore_mem>>)
        %dma_wait3A_23 = arith.constant 0 : i32
        %dma_wait3A_24 = tpu.memref_slice %arg4[%add3A_13, %dma_wait3A_23] : memref<81920x128xf32, #tpu.memory_space<hbm>> -> memref<256x128xf32, #tpu.memory_space<hbm>>
        %dma_wait3A_25 = arith.constant 0 : i32
        %dma_wait3A_26 = tpu.memref_slice %arg4[%add3A_13, %dma_wait3A_25] : memref<81920x128xf32, #tpu.memory_space<hbm>> -> memref<256x128xf32, #tpu.memory_space<hbm>>
        tpu.wait_dma2 semaphore(%run_scoped3A : memref<!tpu.dma_semaphore, #tpu.memory_space<semaphore_mem>>) src(%arg6 : memref<256x128xf32, #tpu.memory_space<vmem>>) dst(%dma_wait3A_26 : memref<256x128xf32, #tpu.memory_space<hbm>>)
        tpu.yield
      }) : () -> ()
      %scan3A_18 = arith.constant 0 : i32
      scf.yield %scan3A_18 : i32
    }
    %scan3A_6 = arith.constant 10 : i32
    return
  }
}

module attributes {stable_mosaic.version = 14 : i64} {
  func.func @_knn_body(%arg0: i32, %arg1: i32, %arg2: memref<1x256x8xf32, #tpu.memory_space<vmem>>, %arg3: memref<1x8x4096xf32, #tpu.memory_space<vmem>>, %arg4: memref<1x256x10xi32, #tpu.memory_space<vmem>>) attributes {dimension_semantics = [#tpu.dimension_semantics<arbitrary>, #tpu.dimension_semantics<arbitrary>], iteration_bounds = array<i64: 2, 16>, scalar_prefetch = 0 : i64, scratch_operands = 0 : i64, tpu.core_type = #tpu.core_type<tc>, window_params = [{transform_indices = @transform_0, window_bounds = array<i64: 1, 256, 8>}, {transform_indices = @transform_1, window_bounds = array<i64: 1, 8, 4096>}, {transform_indices = @transform_2, window_bounds = array<i64: 1, 256, 10>}]} {
    %get3A = arith.constant 0 : index
    %get3A_0 = arith.constant 0 : index
    %get3A_1 = arith.constant 0 : index
    %get3A_2 = vector.load %arg2[%get3A, %get3A_0, %get3A_1] : memref<1x256x8xf32, #tpu.memory_space<vmem>>, vector<1x256x8xf32>
    %get3A_3 = vector.shape_cast %get3A_2 : vector<1x256x8xf32> to vector<256x8xf32>
    %get3A_4 = arith.constant 0 : index
    %get3A_5 = arith.constant 0 : index
    %get3A_6 = arith.constant 0 : index
    %get3A_7 = vector.load %arg3[%get3A_4, %get3A_5, %get3A_6] : memref<1x8x4096xf32, #tpu.memory_space<vmem>>, vector<1x8x4096xf32>
    %get3A_8 = vector.shape_cast %get3A_7 : vector<1x8x4096xf32> to vector<8x4096xf32>
    %convert_element_type3A = arith.truncf %get3A_3 : vector<256x8xf32> to vector<256x8xbf16>
    %convert_element_type3A_9 = arith.truncf %get3A_8 : vector<8x4096xf32> to vector<8x4096xbf16>
    %dot_general3A = arith.constant dense<0.000000e+00> : vector<256x4096xf32>
    %dot_general3A_10 = tpu.matmul %convert_element_type3A, %convert_element_type3A_9, %dot_general3A {dimension_numbers = #tpu.dot_dimension_numbers<[1], [0], [0], [1], [0, 0, 1, 1], [], []>, transpose_lhs_hint = false} : vector<256x8xbf16>, vector<8x4096xbf16>, vector<256x4096xf32> -> vector<256x4096xf32>
    %mul3A = arith.mulf %get3A_3, %get3A_3 : vector<256x8xf32>
    %reduce_sum3A = arith.constant dense<0.000000e+00> : vector<256xf32>
    %reduce_sum3A_11 = vector.multi_reduction <add>, %mul3A, %reduce_sum3A [1] : vector<256x8xf32> to vector<256xf32>
    %broadcast_in_dim3A = vector.shape_cast %reduce_sum3A_11 : vector<256xf32> to vector<256x1xf32>
    %mul3A_12 = arith.mulf %get3A_8, %get3A_8 : vector<8x4096xf32>
    %reduce_sum3A_13 = arith.constant dense<0.000000e+00> : vector<4096xf32>
    %reduce_sum3A_14 = vector.multi_reduction <add>, %mul3A_12, %reduce_sum3A_13 [0] : vector<8x4096xf32> to vector<4096xf32>
    %broadcast_in_dim3A_15 = vector.shape_cast %reduce_sum3A_14 : vector<4096xf32> to vector<1x4096xf32>
    %neg3A = arith.constant 0.000000e+00 : f32
    %neg3A_16 = vector.broadcast %neg3A : f32 to vector<256x1xf32>
    %neg3A_17 = arith.subf %neg3A_16, %broadcast_in_dim3A : vector<256x1xf32>
    %mul3A_18 = arith.constant -2.000000e+00 : f32
    %mul3A_19 = vector.broadcast %mul3A_18 : f32 to vector<256x4096xf32>
    %mul3A_20 = arith.mulf %mul3A_19, %dot_general3A_10 : vector<256x4096xf32>
    %sub3A = vector.broadcast %neg3A_17 : vector<256x1xf32> to vector<256x4096xf32>
    %sub3A_21 = arith.subf %sub3A, %mul3A_20 : vector<256x4096xf32>
    %sub3A_22 = vector.broadcast %broadcast_in_dim3A_15 : vector<1x4096xf32> to vector<256x4096xf32>
    %sub3A_23 = arith.subf %sub3A_21, %sub3A_22 : vector<256x4096xf32>
    %iota3A = tpu.iota {dimensions = array<i32: 1>} : vector<256x4096xi32>
    %convert_element_type3A_24 = arith.sitofp %iota3A : vector<256x4096xi32> to vector<256x4096xf32>
    %reduce_max3A = arith.constant dense<0xFF800000> : vector<256xf32>
    %reduce_max3A_25 = vector.multi_reduction <maximumf>, %sub3A_23, %reduce_max3A [1] : vector<256x4096xf32> to vector<256xf32>
    %broadcast_in_dim3A_26 = vector.shape_cast %reduce_max3A_25 : vector<256xf32> to vector<256x1xf32>
    %ge3A = vector.broadcast %broadcast_in_dim3A_26 : vector<256x1xf32> to vector<256x4096xf32>
    %ge3A_27 = arith.cmpf oge, %sub3A_23, %ge3A : vector<256x4096xf32>
    %jit3A = arith.constant 4.096000e+03 : f32
    %broadcast_in_dim3A_28 = vector.broadcast %jit3A : f32 to vector<256x4096xf32>
    %select_n3A = arith.select %ge3A_27, %convert_element_type3A_24, %broadcast_in_dim3A_28 : vector<256x4096xi1>, vector<256x4096xf32>
    %reduce_min3A = arith.constant dense<0x7F800000> : vector<256xf32>
    %reduce_min3A_29 = vector.multi_reduction <minimumf>, %select_n3A, %reduce_min3A [1] : vector<256x4096xf32> to vector<256xf32>
    %broadcast_in_dim3A_30 = vector.shape_cast %reduce_min3A_29 : vector<256xf32> to vector<256x1xf32>
    %jit3A_31 = arith.constant -3.000000e+38 : f32
    %broadcast_in_dim3A_32 = vector.broadcast %jit3A_31 : f32 to vector<256x4096xf32>
    %select_n3A_33 = arith.select %ge3A_27, %broadcast_in_dim3A_32, %sub3A_23 : vector<256x4096xi1>, vector<256x4096xf32>
    %reduce_max3A_34 = arith.constant dense<0xFF800000> : vector<256xf32>
    %reduce_max3A_35 = vector.multi_reduction <maximumf>, %select_n3A_33, %reduce_max3A_34 [1] : vector<256x4096xf32> to vector<256xf32>
    %broadcast_in_dim3A_36 = vector.shape_cast %reduce_max3A_35 : vector<256xf32> to vector<256x1xf32>
    %ge3A_37 = vector.broadcast %broadcast_in_dim3A_36 : vector<256x1xf32> to vector<256x4096xf32>
    %ge3A_38 = arith.cmpf oge, %select_n3A_33, %ge3A_37 : vector<256x4096xf32>
    %jit3A_39 = arith.constant 4.096000e+03 : f32
    %broadcast_in_dim3A_40 = vector.broadcast %jit3A_39 : f32 to vector<256x4096xf32>
    %select_n3A_41 = arith.select %ge3A_38, %convert_element_type3A_24, %broadcast_in_dim3A_40 : vector<256x4096xi1>, vector<256x4096xf32>
    %reduce_min3A_42 = arith.constant dense<0x7F800000> : vector<256xf32>
    %reduce_min3A_43 = vector.multi_reduction <minimumf>, %select_n3A_41, %reduce_min3A_42 [1] : vector<256x4096xf32> to vector<256xf32>
    %broadcast_in_dim3A_44 = vector.shape_cast %reduce_min3A_43 : vector<256xf32> to vector<256x1xf32>
    %jit3A_45 = arith.constant -3.000000e+38 : f32
    %broadcast_in_dim3A_46 = vector.broadcast %jit3A_45 : f32 to vector<256x4096xf32>
    %select_n3A_47 = arith.select %ge3A_38, %broadcast_in_dim3A_46, %select_n3A_33 : vector<256x4096xi1>, vector<256x4096xf32>
    %reduce_max3A_48 = arith.constant dense<0xFF800000> : vector<256xf32>
    %reduce_max3A_49 = vector.multi_reduction <maximumf>, %select_n3A_47, %reduce_max3A_48 [1] : vector<256x4096xf32> to vector<256xf32>
    %broadcast_in_dim3A_50 = vector.shape_cast %reduce_max3A_49 : vector<256xf32> to vector<256x1xf32>
    %ge3A_51 = vector.broadcast %broadcast_in_dim3A_50 : vector<256x1xf32> to vector<256x4096xf32>
    %ge3A_52 = arith.cmpf oge, %select_n3A_47, %ge3A_51 : vector<256x4096xf32>
    %jit3A_53 = arith.constant 4.096000e+03 : f32
    %broadcast_in_dim3A_54 = vector.broadcast %jit3A_53 : f32 to vector<256x4096xf32>
    %select_n3A_55 = arith.select %ge3A_52, %convert_element_type3A_24, %broadcast_in_dim3A_54 : vector<256x4096xi1>, vector<256x4096xf32>
    %reduce_min3A_56 = arith.constant dense<0x7F800000> : vector<256xf32>
    %reduce_min3A_57 = vector.multi_reduction <minimumf>, %select_n3A_55, %reduce_min3A_56 [1] : vector<256x4096xf32> to vector<256xf32>
    %broadcast_in_dim3A_58 = vector.shape_cast %reduce_min3A_57 : vector<256xf32> to vector<256x1xf32>
    %jit3A_59 = arith.constant -3.000000e+38 : f32
    %broadcast_in_dim3A_60 = vector.broadcast %jit3A_59 : f32 to vector<256x4096xf32>
    %select_n3A_61 = arith.select %ge3A_52, %broadcast_in_dim3A_60, %select_n3A_47 : vector<256x4096xi1>, vector<256x4096xf32>
    %reduce_max3A_62 = arith.constant dense<0xFF800000> : vector<256xf32>
    %reduce_max3A_63 = vector.multi_reduction <maximumf>, %select_n3A_61, %reduce_max3A_62 [1] : vector<256x4096xf32> to vector<256xf32>
    %broadcast_in_dim3A_64 = vector.shape_cast %reduce_max3A_63 : vector<256xf32> to vector<256x1xf32>
    %ge3A_65 = vector.broadcast %broadcast_in_dim3A_64 : vector<256x1xf32> to vector<256x4096xf32>
    %ge3A_66 = arith.cmpf oge, %select_n3A_61, %ge3A_65 : vector<256x4096xf32>
    %jit3A_67 = arith.constant 4.096000e+03 : f32
    %broadcast_in_dim3A_68 = vector.broadcast %jit3A_67 : f32 to vector<256x4096xf32>
    %select_n3A_69 = arith.select %ge3A_66, %convert_element_type3A_24, %broadcast_in_dim3A_68 : vector<256x4096xi1>, vector<256x4096xf32>
    %reduce_min3A_70 = arith.constant dense<0x7F800000> : vector<256xf32>
    %reduce_min3A_71 = vector.multi_reduction <minimumf>, %select_n3A_69, %reduce_min3A_70 [1] : vector<256x4096xf32> to vector<256xf32>
    %broadcast_in_dim3A_72 = vector.shape_cast %reduce_min3A_71 : vector<256xf32> to vector<256x1xf32>
    %jit3A_73 = arith.constant -3.000000e+38 : f32
    %broadcast_in_dim3A_74 = vector.broadcast %jit3A_73 : f32 to vector<256x4096xf32>
    %select_n3A_75 = arith.select %ge3A_66, %broadcast_in_dim3A_74, %select_n3A_61 : vector<256x4096xi1>, vector<256x4096xf32>
    %reduce_max3A_76 = arith.constant dense<0xFF800000> : vector<256xf32>
    %reduce_max3A_77 = vector.multi_reduction <maximumf>, %select_n3A_75, %reduce_max3A_76 [1] : vector<256x4096xf32> to vector<256xf32>
    %broadcast_in_dim3A_78 = vector.shape_cast %reduce_max3A_77 : vector<256xf32> to vector<256x1xf32>
    %ge3A_79 = vector.broadcast %broadcast_in_dim3A_78 : vector<256x1xf32> to vector<256x4096xf32>
    %ge3A_80 = arith.cmpf oge, %select_n3A_75, %ge3A_79 : vector<256x4096xf32>
    %jit3A_81 = arith.constant 4.096000e+03 : f32
    %broadcast_in_dim3A_82 = vector.broadcast %jit3A_81 : f32 to vector<256x4096xf32>
    %select_n3A_83 = arith.select %ge3A_80, %convert_element_type3A_24, %broadcast_in_dim3A_82 : vector<256x4096xi1>, vector<256x4096xf32>
    %reduce_min3A_84 = arith.constant dense<0x7F800000> : vector<256xf32>
    %reduce_min3A_85 = vector.multi_reduction <minimumf>, %select_n3A_83, %reduce_min3A_84 [1] : vector<256x4096xf32> to vector<256xf32>
    %broadcast_in_dim3A_86 = vector.shape_cast %reduce_min3A_85 : vector<256xf32> to vector<256x1xf32>
    %jit3A_87 = arith.constant -3.000000e+38 : f32
    %broadcast_in_dim3A_88 = vector.broadcast %jit3A_87 : f32 to vector<256x4096xf32>
    %select_n3A_89 = arith.select %ge3A_80, %broadcast_in_dim3A_88, %select_n3A_75 : vector<256x4096xi1>, vector<256x4096xf32>
    %reduce_max3A_90 = arith.constant dense<0xFF800000> : vector<256xf32>
    %reduce_max3A_91 = vector.multi_reduction <maximumf>, %select_n3A_89, %reduce_max3A_90 [1] : vector<256x4096xf32> to vector<256xf32>
    %broadcast_in_dim3A_92 = vector.shape_cast %reduce_max3A_91 : vector<256xf32> to vector<256x1xf32>
    %ge3A_93 = vector.broadcast %broadcast_in_dim3A_92 : vector<256x1xf32> to vector<256x4096xf32>
    %ge3A_94 = arith.cmpf oge, %select_n3A_89, %ge3A_93 : vector<256x4096xf32>
    %jit3A_95 = arith.constant 4.096000e+03 : f32
    %broadcast_in_dim3A_96 = vector.broadcast %jit3A_95 : f32 to vector<256x4096xf32>
    %select_n3A_97 = arith.select %ge3A_94, %convert_element_type3A_24, %broadcast_in_dim3A_96 : vector<256x4096xi1>, vector<256x4096xf32>
    %reduce_min3A_98 = arith.constant dense<0x7F800000> : vector<256xf32>
    %reduce_min3A_99 = vector.multi_reduction <minimumf>, %select_n3A_97, %reduce_min3A_98 [1] : vector<256x4096xf32> to vector<256xf32>
    %broadcast_in_dim3A_100 = vector.shape_cast %reduce_min3A_99 : vector<256xf32> to vector<256x1xf32>
    %jit3A_101 = arith.constant -3.000000e+38 : f32
    %broadcast_in_dim3A_102 = vector.broadcast %jit3A_101 : f32 to vector<256x4096xf32>
    %select_n3A_103 = arith.select %ge3A_94, %broadcast_in_dim3A_102, %select_n3A_89 : vector<256x4096xi1>, vector<256x4096xf32>
    %reduce_max3A_104 = arith.constant dense<0xFF800000> : vector<256xf32>
    %reduce_max3A_105 = vector.multi_reduction <maximumf>, %select_n3A_103, %reduce_max3A_104 [1] : vector<256x4096xf32> to vector<256xf32>
    %broadcast_in_dim3A_106 = vector.shape_cast %reduce_max3A_105 : vector<256xf32> to vector<256x1xf32>
    %ge3A_107 = vector.broadcast %broadcast_in_dim3A_106 : vector<256x1xf32> to vector<256x4096xf32>
    %ge3A_108 = arith.cmpf oge, %select_n3A_103, %ge3A_107 : vector<256x4096xf32>
    %jit3A_109 = arith.constant 4.096000e+03 : f32
    %broadcast_in_dim3A_110 = vector.broadcast %jit3A_109 : f32 to vector<256x4096xf32>
    %select_n3A_111 = arith.select %ge3A_108, %convert_element_type3A_24, %broadcast_in_dim3A_110 : vector<256x4096xi1>, vector<256x4096xf32>
    %reduce_min3A_112 = arith.constant dense<0x7F800000> : vector<256xf32>
    %reduce_min3A_113 = vector.multi_reduction <minimumf>, %select_n3A_111, %reduce_min3A_112 [1] : vector<256x4096xf32> to vector<256xf32>
    %broadcast_in_dim3A_114 = vector.shape_cast %reduce_min3A_113 : vector<256xf32> to vector<256x1xf32>
    %jit3A_115 = arith.constant -3.000000e+38 : f32
    %broadcast_in_dim3A_116 = vector.broadcast %jit3A_115 : f32 to vector<256x4096xf32>
    %select_n3A_117 = arith.select %ge3A_108, %broadcast_in_dim3A_116, %select_n3A_103 : vector<256x4096xi1>, vector<256x4096xf32>
    %reduce_max3A_118 = arith.constant dense<0xFF800000> : vector<256xf32>
    %reduce_max3A_119 = vector.multi_reduction <maximumf>, %select_n3A_117, %reduce_max3A_118 [1] : vector<256x4096xf32> to vector<256xf32>
    %broadcast_in_dim3A_120 = vector.shape_cast %reduce_max3A_119 : vector<256xf32> to vector<256x1xf32>
    %ge3A_121 = vector.broadcast %broadcast_in_dim3A_120 : vector<256x1xf32> to vector<256x4096xf32>
    %ge3A_122 = arith.cmpf oge, %select_n3A_117, %ge3A_121 : vector<256x4096xf32>
    %jit3A_123 = arith.constant 4.096000e+03 : f32
    %broadcast_in_dim3A_124 = vector.broadcast %jit3A_123 : f32 to vector<256x4096xf32>
    %select_n3A_125 = arith.select %ge3A_122, %convert_element_type3A_24, %broadcast_in_dim3A_124 : vector<256x4096xi1>, vector<256x4096xf32>
    %reduce_min3A_126 = arith.constant dense<0x7F800000> : vector<256xf32>
    %reduce_min3A_127 = vector.multi_reduction <minimumf>, %select_n3A_125, %reduce_min3A_126 [1] : vector<256x4096xf32> to vector<256xf32>
    %broadcast_in_dim3A_128 = vector.shape_cast %reduce_min3A_127 : vector<256xf32> to vector<256x1xf32>
    %jit3A_129 = arith.constant -3.000000e+38 : f32
    %broadcast_in_dim3A_130 = vector.broadcast %jit3A_129 : f32 to vector<256x4096xf32>
    %select_n3A_131 = arith.select %ge3A_122, %broadcast_in_dim3A_130, %select_n3A_117 : vector<256x4096xi1>, vector<256x4096xf32>
    %reduce_max3A_132 = arith.constant dense<0xFF800000> : vector<256xf32>
    %reduce_max3A_133 = vector.multi_reduction <maximumf>, %select_n3A_131, %reduce_max3A_132 [1] : vector<256x4096xf32> to vector<256xf32>
    %broadcast_in_dim3A_134 = vector.shape_cast %reduce_max3A_133 : vector<256xf32> to vector<256x1xf32>
    %ge3A_135 = vector.broadcast %broadcast_in_dim3A_134 : vector<256x1xf32> to vector<256x4096xf32>
    %ge3A_136 = arith.cmpf oge, %select_n3A_131, %ge3A_135 : vector<256x4096xf32>
    %jit3A_137 = arith.constant 4.096000e+03 : f32
    %broadcast_in_dim3A_138 = vector.broadcast %jit3A_137 : f32 to vector<256x4096xf32>
    %select_n3A_139 = arith.select %ge3A_136, %convert_element_type3A_24, %broadcast_in_dim3A_138 : vector<256x4096xi1>, vector<256x4096xf32>
    %reduce_min3A_140 = arith.constant dense<0x7F800000> : vector<256xf32>
    %reduce_min3A_141 = vector.multi_reduction <minimumf>, %select_n3A_139, %reduce_min3A_140 [1] : vector<256x4096xf32> to vector<256xf32>
    %broadcast_in_dim3A_142 = vector.shape_cast %reduce_min3A_141 : vector<256xf32> to vector<256x1xf32>
    %jit3A_143 = arith.constant -3.000000e+38 : f32
    %broadcast_in_dim3A_144 = vector.broadcast %jit3A_143 : f32 to vector<256x4096xf32>
    %select_n3A_145 = arith.select %ge3A_136, %broadcast_in_dim3A_144, %select_n3A_131 : vector<256x4096xi1>, vector<256x4096xf32>
    %reduce_max3A_146 = arith.constant dense<0xFF800000> : vector<256xf32>
    %reduce_max3A_147 = vector.multi_reduction <maximumf>, %select_n3A_145, %reduce_max3A_146 [1] : vector<256x4096xf32> to vector<256xf32>
    %broadcast_in_dim3A_148 = vector.shape_cast %reduce_max3A_147 : vector<256xf32> to vector<256x1xf32>
    %ge3A_149 = vector.broadcast %broadcast_in_dim3A_148 : vector<256x1xf32> to vector<256x4096xf32>
    %ge3A_150 = arith.cmpf oge, %select_n3A_145, %ge3A_149 : vector<256x4096xf32>
    %jit3A_151 = arith.constant 4.096000e+03 : f32
    %broadcast_in_dim3A_152 = vector.broadcast %jit3A_151 : f32 to vector<256x4096xf32>
    %select_n3A_153 = arith.select %ge3A_150, %convert_element_type3A_24, %broadcast_in_dim3A_152 : vector<256x4096xi1>, vector<256x4096xf32>
    %reduce_min3A_154 = arith.constant dense<0x7F800000> : vector<256xf32>
    %reduce_min3A_155 = vector.multi_reduction <minimumf>, %select_n3A_153, %reduce_min3A_154 [1] : vector<256x4096xf32> to vector<256xf32>
    %broadcast_in_dim3A_156 = vector.shape_cast %reduce_min3A_155 : vector<256xf32> to vector<256x1xf32>
    %concatenate3A = tpu.concatenate %broadcast_in_dim3A_30, %broadcast_in_dim3A_44, %broadcast_in_dim3A_58, %broadcast_in_dim3A_72, %broadcast_in_dim3A_86, %broadcast_in_dim3A_100, %broadcast_in_dim3A_114, %broadcast_in_dim3A_128, %broadcast_in_dim3A_142, %broadcast_in_dim3A_156 in 1 : vector<256x1xf32>, vector<256x1xf32>, vector<256x1xf32>, vector<256x1xf32>, vector<256x1xf32>, vector<256x1xf32>, vector<256x1xf32>, vector<256x1xf32>, vector<256x1xf32>, vector<256x1xf32> -> vector<256x10xf32>
    %convert_element_type3A_157 = arith.fptosi %concatenate3A : vector<256x10xf32> to vector<256x10xi32>
    %mul3A_158 = arith.constant 4096 : i32
    %mul3A_159 = arith.muli %arg0, %mul3A_158 : i32
    %add3A = vector.broadcast %mul3A_159 : i32 to vector<256x10xi32>
    %add3A_160 = arith.addi %convert_element_type3A_157, %add3A : vector<256x10xi32>
    %swap3A = arith.constant 0 : index
    %swap3A_161 = arith.constant 0 : index
    %swap3A_162 = arith.constant 0 : index
    %swap3A_163 = vector.load %arg4[%swap3A, %swap3A_161, %swap3A_162] : memref<1x256x10xi32, #tpu.memory_space<vmem>>, vector<1x256x10xi32>
    %swap3A_164 = vector.shape_cast %swap3A_163 : vector<1x256x10xi32> to vector<256x10xi32>
    %swap3A_165 = vector.shape_cast %add3A_160 : vector<256x10xi32> to vector<1x256x10xi32>
    tpu.vector_store %arg4[%swap3A, %swap3A_161, %swap3A_162], %swap3A_165 {strides = array<i32>} : memref<1x256x10xi32, #tpu.memory_space<vmem>>, vector<1x256x10xi32>,
    return
  }
  func.func @transform_0(%arg0: i32, %arg1: i32) -> (i32, i32, i32) {
    %c0_i32 = arith.constant 0 : i32
    %c0_i32_0 = arith.constant 0 : i32
    return %arg0, %arg1, %c0_i32 : i32, i32, i32
  }
  func.func @transform_1(%arg0: i32, %arg1: i32) -> (i32, i32, i32) {
    %c0_i32 = arith.constant 0 : i32
    %c0_i32_0 = arith.constant 0 : i32
    %c0_i32_1 = arith.constant 0 : i32
    return %arg0, %c0_i32, %c0_i32_0 : i32, i32, i32
  }
  func.func @transform_2(%arg0: i32, %arg1: i32) -> (i32, i32, i32) {
    %c0_i32 = arith.constant 0 : i32
    %c0_i32_0 = arith.constant 0 : i32
    return %arg0, %arg1, %c0_i32 : i32, i32, i32
  }
}

module attributes {stable_mosaic.version = 14 : i64} {
  func.func @_edge_body(%arg0: i32, %arg1: memref<10x256x128xf32, #tpu.memory_space<vmem>>, %arg2: memref<256x8xf32, #tpu.memory_space<vmem>>, %arg3: memref<16x64xbf16, #tpu.memory_space<vmem>>, %arg4: memref<1x64xf32, #tpu.memory_space<vmem>>, %arg5: memref<1x64xf32, #tpu.memory_space<vmem>>, %arg6: memref<256x64xf32, #tpu.memory_space<vmem>>) attributes {dimension_semantics = [#tpu.dimension_semantics<arbitrary>], iteration_bounds = array<i64: 32>, scalar_prefetch = 0 : i64, scratch_operands = 0 : i64, tpu.core_type = #tpu.core_type<tc>, window_params = [{transform_indices = @transform_0, window_bounds = array<i64: 10, 256, 128>}, {transform_indices = @transform_1, window_bounds = array<i64: 256, 8>}, {pipeline_mode = #tpu.pipeline_mode<synchronous>, transform_indices = @transform_2, window_bounds = array<i64: 16, 64>}, {pipeline_mode = #tpu.pipeline_mode<synchronous>, transform_indices = @transform_3, window_bounds = array<i64: 1, 64>}, {pipeline_mode = #tpu.pipeline_mode<synchronous>, transform_indices = @transform_4, window_bounds = array<i64: 1, 64>}, {transform_indices = @transform_5, window_bounds = array<i64: 256, 64>}]} {
    %get3A = arith.constant 0 : index
    %get3A_0 = arith.constant 0 : index
    %get3A_1 = vector.load %arg2[%get3A, %get3A_0] : memref<256x8xf32, #tpu.memory_space<vmem>>, vector<256x8xf32>
    %get3A_2 = arith.constant 0 : index
    %get3A_3 = arith.constant 0 : index
    %get3A_4 = vector.load %arg3[%get3A_2, %get3A_3] : memref<16x64xbf16, #tpu.memory_space<vmem>>, vector<16x64xbf16>
    %get3A_5 = arith.constant 0 : index
    %get3A_6 = arith.constant 0 : index
    %get3A_7 = arith.constant 0 : index
    %get3A_8 = vector.load %arg1[%get3A_5, %get3A_6, %get3A_7] : memref<10x256x128xf32, #tpu.memory_space<vmem>>, vector<1x256x128xf32>
    %get3A_9 = vector.shape_cast %get3A_8 : vector<1x256x128xf32> to vector<256x128xf32>
    %slice3A = vector.extract_strided_slice %get3A_9 {offsets = [0, 0], sizes = [256, 8], strides = [1, 1]} : vector<256x128xf32> to vector<256x8xf32>
    %sub3A = arith.subf %slice3A, %get3A_1 : vector<256x8xf32>
    %concatenate3A = tpu.concatenate %sub3A, %get3A_1 in 1 : vector<256x8xf32>, vector<256x8xf32> -> vector<256x16xf32>
    %convert_element_type3A = arith.truncf %concatenate3A : vector<256x16xf32> to vector<256x16xbf16>
    %dot_general3A = arith.constant dense<0.000000e+00> : vector<256x64xf32>
    %dot_general3A_10 = tpu.matmul %convert_element_type3A, %get3A_4, %dot_general3A {dimension_numbers = #tpu.dot_dimension_numbers<[1], [0], [0], [1], [0, 0, 1, 1], [], []>, transpose_lhs_hint = false} : vector<256x16xbf16>, vector<16x64xbf16>, vector<256x64xf32> -> vector<256x64xf32>
    %get3A_11 = arith.constant 0 : index
    %get3A_12 = arith.constant 0 : index
    %get3A_13 = vector.load %arg4[%get3A_11, %get3A_12] : memref<1x64xf32, #tpu.memory_space<vmem>>, vector<1x64xf32>
    %get3A_14 = arith.constant 0 : index
    %get3A_15 = arith.constant 0 : index
    %get3A_16 = vector.load %arg5[%get3A_14, %get3A_15] : memref<1x64xf32, #tpu.memory_space<vmem>>, vector<1x64xf32>
    %mul3A = vector.broadcast %get3A_13 : vector<1x64xf32> to vector<256x64xf32>
    %mul3A_17 = arith.mulf %mul3A, %dot_general3A_10 : vector<256x64xf32>
    %div3A = arith.constant 1.00000501 : f32
    %div3A_18 = vector.broadcast %div3A : f32 to vector<256x64xf32>
    %div3A_19 = arith.divf %mul3A_17, %div3A_18 : vector<256x64xf32>
    %add3A = vector.broadcast %get3A_16 : vector<1x64xf32> to vector<256x64xf32>
    %add3A_20 = arith.addf %div3A_19, %add3A : vector<256x64xf32>
    %ge3A = arith.constant 0.000000e+00 : f32
    %ge3A_21 = vector.broadcast %ge3A : f32 to vector<256x64xf32>
    %ge3A_22 = arith.cmpf oge, %add3A_20, %ge3A_21 : vector<256x64xf32>
    %mul3A_23 = arith.constant 2.000000e-01 : f32
    %mul3A_24 = vector.broadcast %mul3A_23 : f32 to vector<256x64xf32>
    %mul3A_25 = arith.mulf %mul3A_24, %add3A_20 : vector<256x64xf32>
    %select_n3A = arith.select %ge3A_22, %add3A_20, %mul3A_25 : vector<256x64xi1>, vector<256x64xf32>
    %get3A_26 = arith.constant 1 : index
    %get3A_27 = arith.constant 0 : index
    %get3A_28 = arith.constant 0 : index
    %get3A_29 = vector.load %arg1[%get3A_26, %get3A_27, %get3A_28] : memref<10x256x128xf32, #tpu.memory_space<vmem>>, vector<1x256x128xf32>
    %get3A_30 = vector.shape_cast %get3A_29 : vector<1x256x128xf32> to vector<256x128xf32>
    %slice3A_31 = vector.extract_strided_slice %get3A_30 {offsets = [0, 0], sizes = [256, 8], strides = [1, 1]} : vector<256x128xf32> to vector<256x8xf32>
    %sub3A_32 = arith.subf %slice3A_31, %get3A_1 : vector<256x8xf32>
    %concatenate3A_33 = tpu.concatenate %sub3A_32, %get3A_1 in 1 : vector<256x8xf32>, vector<256x8xf32> -> vector<256x16xf32>
    %convert_element_type3A_34 = arith.truncf %concatenate3A_33 : vector<256x16xf32> to vector<256x16xbf16>
    %dot_general3A_35 = arith.constant dense<0.000000e+00> : vector<256x64xf32>
    %dot_general3A_36 = tpu.matmul %convert_element_type3A_34, %get3A_4, %dot_general3A_35 {dimension_numbers = #tpu.dot_dimension_numbers<[1], [0], [0], [1], [0, 0, 1, 1], [], []>, transpose_lhs_hint = false} : vector<256x16xbf16>, vector<16x64xbf16>, vector<256x64xf32> -> vector<256x64xf32>
    %get3A_37 = arith.constant 0 : index
    %get3A_38 = arith.constant 0 : index
    %get3A_39 = vector.load %arg4[%get3A_37, %get3A_38] : memref<1x64xf32, #tpu.memory_space<vmem>>, vector<1x64xf32>
    %get3A_40 = arith.constant 0 : index
    %get3A_41 = arith.constant 0 : index
    %get3A_42 = vector.load %arg5[%get3A_40, %get3A_41] : memref<1x64xf32, #tpu.memory_space<vmem>>, vector<1x64xf32>
    %mul3A_43 = vector.broadcast %get3A_39 : vector<1x64xf32> to vector<256x64xf32>
    %mul3A_44 = arith.mulf %mul3A_43, %dot_general3A_36 : vector<256x64xf32>
    %div3A_45 = arith.constant 1.00000501 : f32
    %div3A_46 = vector.broadcast %div3A_45 : f32 to vector<256x64xf32>
    %div3A_47 = arith.divf %mul3A_44, %div3A_46 : vector<256x64xf32>
    %add3A_48 = vector.broadcast %get3A_42 : vector<1x64xf32> to vector<256x64xf32>
    %add3A_49 = arith.addf %div3A_47, %add3A_48 : vector<256x64xf32>
    %ge3A_50 = arith.constant 0.000000e+00 : f32
    %ge3A_51 = vector.broadcast %ge3A_50 : f32 to vector<256x64xf32>
    %ge3A_52 = arith.cmpf oge, %add3A_49, %ge3A_51 : vector<256x64xf32>
    %mul3A_53 = arith.constant 2.000000e-01 : f32
    %mul3A_54 = vector.broadcast %mul3A_53 : f32 to vector<256x64xf32>
    %mul3A_55 = arith.mulf %mul3A_54, %add3A_49 : vector<256x64xf32>
    %select_n3A_56 = arith.select %ge3A_52, %add3A_49, %mul3A_55 : vector<256x64xi1>, vector<256x64xf32>
    %max3A = arith.maximumf %select_n3A, %select_n3A_56 : vector<256x64xf32>
    %get3A_57 = arith.constant 2 : index
    %get3A_58 = arith.constant 0 : index
    %get3A_59 = arith.constant 0 : index
    %get3A_60 = vector.load %arg1[%get3A_57, %get3A_58, %get3A_59] : memref<10x256x128xf32, #tpu.memory_space<vmem>>, vector<1x256x128xf32>
    %get3A_61 = vector.shape_cast %get3A_60 : vector<1x256x128xf32> to vector<256x128xf32>
    %slice3A_62 = vector.extract_strided_slice %get3A_61 {offsets = [0, 0], sizes = [256, 8], strides = [1, 1]} : vector<256x128xf32> to vector<256x8xf32>
    %sub3A_63 = arith.subf %slice3A_62, %get3A_1 : vector<256x8xf32>
    %concatenate3A_64 = tpu.concatenate %sub3A_63, %get3A_1 in 1 : vector<256x8xf32>, vector<256x8xf32> -> vector<256x16xf32>
    %convert_element_type3A_65 = arith.truncf %concatenate3A_64 : vector<256x16xf32> to vector<256x16xbf16>
    %dot_general3A_66 = arith.constant dense<0.000000e+00> : vector<256x64xf32>
    %dot_general3A_67 = tpu.matmul %convert_element_type3A_65, %get3A_4, %dot_general3A_66 {dimension_numbers = #tpu.dot_dimension_numbers<[1], [0], [0], [1], [0, 0, 1, 1], [], []>, transpose_lhs_hint = false} : vector<256x16xbf16>, vector<16x64xbf16>, vector<256x64xf32> -> vector<256x64xf32>
    %get3A_68 = arith.constant 0 : index
    %get3A_69 = arith.constant 0 : index
    %get3A_70 = vector.load %arg4[%get3A_68, %get3A_69] : memref<1x64xf32, #tpu.memory_space<vmem>>, vector<1x64xf32>
    %get3A_71 = arith.constant 0 : index
    %get3A_72 = arith.constant 0 : index
    %get3A_73 = vector.load %arg5[%get3A_71, %get3A_72] : memref<1x64xf32, #tpu.memory_space<vmem>>, vector<1x64xf32>
    %mul3A_74 = vector.broadcast %get3A_70 : vector<1x64xf32> to vector<256x64xf32>
    %mul3A_75 = arith.mulf %mul3A_74, %dot_general3A_67 : vector<256x64xf32>
    %div3A_76 = arith.constant 1.00000501 : f32
    %div3A_77 = vector.broadcast %div3A_76 : f32 to vector<256x64xf32>
    %div3A_78 = arith.divf %mul3A_75, %div3A_77 : vector<256x64xf32>
    %add3A_79 = vector.broadcast %get3A_73 : vector<1x64xf32> to vector<256x64xf32>
    %add3A_80 = arith.addf %div3A_78, %add3A_79 : vector<256x64xf32>
    %ge3A_81 = arith.constant 0.000000e+00 : f32
    %ge3A_82 = vector.broadcast %ge3A_81 : f32 to vector<256x64xf32>
    %ge3A_83 = arith.cmpf oge, %add3A_80, %ge3A_82 : vector<256x64xf32>
    %mul3A_84 = arith.constant 2.000000e-01 : f32
    %mul3A_85 = vector.broadcast %mul3A_84 : f32 to vector<256x64xf32>
    %mul3A_86 = arith.mulf %mul3A_85, %add3A_80 : vector<256x64xf32>
    %select_n3A_87 = arith.select %ge3A_83, %add3A_80, %mul3A_86 : vector<256x64xi1>, vector<256x64xf32>
    %max3A_88 = arith.maximumf %max3A, %select_n3A_87 : vector<256x64xf32>
    %get3A_89 = arith.constant 3 : index
    %get3A_90 = arith.constant 0 : index
    %get3A_91 = arith.constant 0 : index
    %get3A_92 = vector.load %arg1[%get3A_89, %get3A_90, %get3A_91] : memref<10x256x128xf32, #tpu.memory_space<vmem>>, vector<1x256x128xf32>
    %get3A_93 = vector.shape_cast %get3A_92 : vector<1x256x128xf32> to vector<256x128xf32>
    %slice3A_94 = vector.extract_strided_slice %get3A_93 {offsets = [0, 0], sizes = [256, 8], strides = [1, 1]} : vector<256x128xf32> to vector<256x8xf32>
    %sub3A_95 = arith.subf %slice3A_94, %get3A_1 : vector<256x8xf32>
    %concatenate3A_96 = tpu.concatenate %sub3A_95, %get3A_1 in 1 : vector<256x8xf32>, vector<256x8xf32> -> vector<256x16xf32>
    %convert_element_type3A_97 = arith.truncf %concatenate3A_96 : vector<256x16xf32> to vector<256x16xbf16>
    %dot_general3A_98 = arith.constant dense<0.000000e+00> : vector<256x64xf32>
    %dot_general3A_99 = tpu.matmul %convert_element_type3A_97, %get3A_4, %dot_general3A_98 {dimension_numbers = #tpu.dot_dimension_numbers<[1], [0], [0], [1], [0, 0, 1, 1], [], []>, transpose_lhs_hint = false} : vector<256x16xbf16>, vector<16x64xbf16>, vector<256x64xf32> -> vector<256x64xf32>
    %get3A_100 = arith.constant 0 : index
    %get3A_101 = arith.constant 0 : index
    %get3A_102 = vector.load %arg4[%get3A_100, %get3A_101] : memref<1x64xf32, #tpu.memory_space<vmem>>, vector<1x64xf32>
    %get3A_103 = arith.constant 0 : index
    %get3A_104 = arith.constant 0 : index
    %get3A_105 = vector.load %arg5[%get3A_103, %get3A_104] : memref<1x64xf32, #tpu.memory_space<vmem>>, vector<1x64xf32>
    %mul3A_106 = vector.broadcast %get3A_102 : vector<1x64xf32> to vector<256x64xf32>
    %mul3A_107 = arith.mulf %mul3A_106, %dot_general3A_99 : vector<256x64xf32>
    %div3A_108 = arith.constant 1.00000501 : f32
    %div3A_109 = vector.broadcast %div3A_108 : f32 to vector<256x64xf32>
    %div3A_110 = arith.divf %mul3A_107, %div3A_109 : vector<256x64xf32>
    %add3A_111 = vector.broadcast %get3A_105 : vector<1x64xf32> to vector<256x64xf32>
    %add3A_112 = arith.addf %div3A_110, %add3A_111 : vector<256x64xf32>
    %ge3A_113 = arith.constant 0.000000e+00 : f32
    %ge3A_114 = vector.broadcast %ge3A_113 : f32 to vector<256x64xf32>
    %ge3A_115 = arith.cmpf oge, %add3A_112, %ge3A_114 : vector<256x64xf32>
    %mul3A_116 = arith.constant 2.000000e-01 : f32
    %mul3A_117 = vector.broadcast %mul3A_116 : f32 to vector<256x64xf32>
    %mul3A_118 = arith.mulf %mul3A_117, %add3A_112 : vector<256x64xf32>
    %select_n3A_119 = arith.select %ge3A_115, %add3A_112, %mul3A_118 : vector<256x64xi1>, vector<256x64xf32>
    %max3A_120 = arith.maximumf %max3A_88, %select_n3A_119 : vector<256x64xf32>
    %get3A_121 = arith.constant 4 : index
    %get3A_122 = arith.constant 0 : index
    %get3A_123 = arith.constant 0 : index
    %get3A_124 = vector.load %arg1[%get3A_121, %get3A_122, %get3A_123] : memref<10x256x128xf32, #tpu.memory_space<vmem>>, vector<1x256x128xf32>
    %get3A_125 = vector.shape_cast %get3A_124 : vector<1x256x128xf32> to vector<256x128xf32>
    %slice3A_126 = vector.extract_strided_slice %get3A_125 {offsets = [0, 0], sizes = [256, 8], strides = [1, 1]} : vector<256x128xf32> to vector<256x8xf32>
    %sub3A_127 = arith.subf %slice3A_126, %get3A_1 : vector<256x8xf32>
    %concatenate3A_128 = tpu.concatenate %sub3A_127, %get3A_1 in 1 : vector<256x8xf32>, vector<256x8xf32> -> vector<256x16xf32>
    %convert_element_type3A_129 = arith.truncf %concatenate3A_128 : vector<256x16xf32> to vector<256x16xbf16>
    %dot_general3A_130 = arith.constant dense<0.000000e+00> : vector<256x64xf32>
    %dot_general3A_131 = tpu.matmul %convert_element_type3A_129, %get3A_4, %dot_general3A_130 {dimension_numbers = #tpu.dot_dimension_numbers<[1], [0], [0], [1], [0, 0, 1, 1], [], []>, transpose_lhs_hint = false} : vector<256x16xbf16>, vector<16x64xbf16>, vector<256x64xf32> -> vector<256x64xf32>
    %get3A_132 = arith.constant 0 : index
    %get3A_133 = arith.constant 0 : index
    %get3A_134 = vector.load %arg4[%get3A_132, %get3A_133] : memref<1x64xf32, #tpu.memory_space<vmem>>, vector<1x64xf32>
    %get3A_135 = arith.constant 0 : index
    %get3A_136 = arith.constant 0 : index
    %get3A_137 = vector.load %arg5[%get3A_135, %get3A_136] : memref<1x64xf32, #tpu.memory_space<vmem>>, vector<1x64xf32>
    %mul3A_138 = vector.broadcast %get3A_134 : vector<1x64xf32> to vector<256x64xf32>
    %mul3A_139 = arith.mulf %mul3A_138, %dot_general3A_131 : vector<256x64xf32>
    %div3A_140 = arith.constant 1.00000501 : f32
    %div3A_141 = vector.broadcast %div3A_140 : f32 to vector<256x64xf32>
    %div3A_142 = arith.divf %mul3A_139, %div3A_141 : vector<256x64xf32>
    %add3A_143 = vector.broadcast %get3A_137 : vector<1x64xf32> to vector<256x64xf32>
    %add3A_144 = arith.addf %div3A_142, %add3A_143 : vector<256x64xf32>
    %ge3A_145 = arith.constant 0.000000e+00 : f32
    %ge3A_146 = vector.broadcast %ge3A_145 : f32 to vector<256x64xf32>
    %ge3A_147 = arith.cmpf oge, %add3A_144, %ge3A_146 : vector<256x64xf32>
    %mul3A_148 = arith.constant 2.000000e-01 : f32
    %mul3A_149 = vector.broadcast %mul3A_148 : f32 to vector<256x64xf32>
    %mul3A_150 = arith.mulf %mul3A_149, %add3A_144 : vector<256x64xf32>
    %select_n3A_151 = arith.select %ge3A_147, %add3A_144, %mul3A_150 : vector<256x64xi1>, vector<256x64xf32>
    %max3A_152 = arith.maximumf %max3A_120, %select_n3A_151 : vector<256x64xf32>
    %get3A_153 = arith.constant 5 : index
    %get3A_154 = arith.constant 0 : index
    %get3A_155 = arith.constant 0 : index
    %get3A_156 = vector.load %arg1[%get3A_153, %get3A_154, %get3A_155] : memref<10x256x128xf32, #tpu.memory_space<vmem>>, vector<1x256x128xf32>
    %get3A_157 = vector.shape_cast %get3A_156 : vector<1x256x128xf32> to vector<256x128xf32>
    %slice3A_158 = vector.extract_strided_slice %get3A_157 {offsets = [0, 0], sizes = [256, 8], strides = [1, 1]} : vector<256x128xf32> to vector<256x8xf32>
    %sub3A_159 = arith.subf %slice3A_158, %get3A_1 : vector<256x8xf32>
    %concatenate3A_160 = tpu.concatenate %sub3A_159, %get3A_1 in 1 : vector<256x8xf32>, vector<256x8xf32> -> vector<256x16xf32>
    %convert_element_type3A_161 = arith.truncf %concatenate3A_160 : vector<256x16xf32> to vector<256x16xbf16>
    %dot_general3A_162 = arith.constant dense<0.000000e+00> : vector<256x64xf32>
    %dot_general3A_163 = tpu.matmul %convert_element_type3A_161, %get3A_4, %dot_general3A_162 {dimension_numbers = #tpu.dot_dimension_numbers<[1], [0], [0], [1], [0, 0, 1, 1], [], []>, transpose_lhs_hint = false} : vector<256x16xbf16>, vector<16x64xbf16>, vector<256x64xf32> -> vector<256x64xf32>
    %get3A_164 = arith.constant 0 : index
    %get3A_165 = arith.constant 0 : index
    %get3A_166 = vector.load %arg4[%get3A_164, %get3A_165] : memref<1x64xf32, #tpu.memory_space<vmem>>, vector<1x64xf32>
    %get3A_167 = arith.constant 0 : index
    %get3A_168 = arith.constant 0 : index
    %get3A_169 = vector.load %arg5[%get3A_167, %get3A_168] : memref<1x64xf32, #tpu.memory_space<vmem>>, vector<1x64xf32>
    %mul3A_170 = vector.broadcast %get3A_166 : vector<1x64xf32> to vector<256x64xf32>
    %mul3A_171 = arith.mulf %mul3A_170, %dot_general3A_163 : vector<256x64xf32>
    %div3A_172 = arith.constant 1.00000501 : f32
    %div3A_173 = vector.broadcast %div3A_172 : f32 to vector<256x64xf32>
    %div3A_174 = arith.divf %mul3A_171, %div3A_173 : vector<256x64xf32>
    %add3A_175 = vector.broadcast %get3A_169 : vector<1x64xf32> to vector<256x64xf32>
    %add3A_176 = arith.addf %div3A_174, %add3A_175 : vector<256x64xf32>
    %ge3A_177 = arith.constant 0.000000e+00 : f32
    %ge3A_178 = vector.broadcast %ge3A_177 : f32 to vector<256x64xf32>
    %ge3A_179 = arith.cmpf oge, %add3A_176, %ge3A_178 : vector<256x64xf32>
    %mul3A_180 = arith.constant 2.000000e-01 : f32
    %mul3A_181 = vector.broadcast %mul3A_180 : f32 to vector<256x64xf32>
    %mul3A_182 = arith.mulf %mul3A_181, %add3A_176 : vector<256x64xf32>
    %select_n3A_183 = arith.select %ge3A_179, %add3A_176, %mul3A_182 : vector<256x64xi1>, vector<256x64xf32>
    %max3A_184 = arith.maximumf %max3A_152, %select_n3A_183 : vector<256x64xf32>
    %get3A_185 = arith.constant 6 : index
    %get3A_186 = arith.constant 0 : index
    %get3A_187 = arith.constant 0 : index
    %get3A_188 = vector.load %arg1[%get3A_185, %get3A_186, %get3A_187] : memref<10x256x128xf32, #tpu.memory_space<vmem>>, vector<1x256x128xf32>
    %get3A_189 = vector.shape_cast %get3A_188 : vector<1x256x128xf32> to vector<256x128xf32>
    %slice3A_190 = vector.extract_strided_slice %get3A_189 {offsets = [0, 0], sizes = [256, 8], strides = [1, 1]} : vector<256x128xf32> to vector<256x8xf32>
    %sub3A_191 = arith.subf %slice3A_190, %get3A_1 : vector<256x8xf32>
    %concatenate3A_192 = tpu.concatenate %sub3A_191, %get3A_1 in 1 : vector<256x8xf32>, vector<256x8xf32> -> vector<256x16xf32>
    %convert_element_type3A_193 = arith.truncf %concatenate3A_192 : vector<256x16xf32> to vector<256x16xbf16>
    %dot_general3A_194 = arith.constant dense<0.000000e+00> : vector<256x64xf32>
    %dot_general3A_195 = tpu.matmul %convert_element_type3A_193, %get3A_4, %dot_general3A_194 {dimension_numbers = #tpu.dot_dimension_numbers<[1], [0], [0], [1], [0, 0, 1, 1], [], []>, transpose_lhs_hint = false} : vector<256x16xbf16>, vector<16x64xbf16>, vector<256x64xf32> -> vector<256x64xf32>
    %get3A_196 = arith.constant 0 : index
    %get3A_197 = arith.constant 0 : index
    %get3A_198 = vector.load %arg4[%get3A_196, %get3A_197] : memref<1x64xf32, #tpu.memory_space<vmem>>, vector<1x64xf32>
    %get3A_199 = arith.constant 0 : index
    %get3A_200 = arith.constant 0 : index
    %get3A_201 = vector.load %arg5[%get3A_199, %get3A_200] : memref<1x64xf32, #tpu.memory_space<vmem>>, vector<1x64xf32>
    %mul3A_202 = vector.broadcast %get3A_198 : vector<1x64xf32> to vector<256x64xf32>
    %mul3A_203 = arith.mulf %mul3A_202, %dot_general3A_195 : vector<256x64xf32>
    %div3A_204 = arith.constant 1.00000501 : f32
    %div3A_205 = vector.broadcast %div3A_204 : f32 to vector<256x64xf32>
    %div3A_206 = arith.divf %mul3A_203, %div3A_205 : vector<256x64xf32>
    %add3A_207 = vector.broadcast %get3A_201 : vector<1x64xf32> to vector<256x64xf32>
    %add3A_208 = arith.addf %div3A_206, %add3A_207 : vector<256x64xf32>
    %ge3A_209 = arith.constant 0.000000e+00 : f32
    %ge3A_210 = vector.broadcast %ge3A_209 : f32 to vector<256x64xf32>
    %ge3A_211 = arith.cmpf oge, %add3A_208, %ge3A_210 : vector<256x64xf32>
    %mul3A_212 = arith.constant 2.000000e-01 : f32
    %mul3A_213 = vector.broadcast %mul3A_212 : f32 to vector<256x64xf32>
    %mul3A_214 = arith.mulf %mul3A_213, %add3A_208 : vector<256x64xf32>
    %select_n3A_215 = arith.select %ge3A_211, %add3A_208, %mul3A_214 : vector<256x64xi1>, vector<256x64xf32>
    %max3A_216 = arith.maximumf %max3A_184, %select_n3A_215 : vector<256x64xf32>
    %get3A_217 = arith.constant 7 : index
    %get3A_218 = arith.constant 0 : index
    %get3A_219 = arith.constant 0 : index
    %get3A_220 = vector.load %arg1[%get3A_217, %get3A_218, %get3A_219] : memref<10x256x128xf32, #tpu.memory_space<vmem>>, vector<1x256x128xf32>
    %get3A_221 = vector.shape_cast %get3A_220 : vector<1x256x128xf32> to vector<256x128xf32>
    %slice3A_222 = vector.extract_strided_slice %get3A_221 {offsets = [0, 0], sizes = [256, 8], strides = [1, 1]} : vector<256x128xf32> to vector<256x8xf32>
    %sub3A_223 = arith.subf %slice3A_222, %get3A_1 : vector<256x8xf32>
    %concatenate3A_224 = tpu.concatenate %sub3A_223, %get3A_1 in 1 : vector<256x8xf32>, vector<256x8xf32> -> vector<256x16xf32>
    %convert_element_type3A_225 = arith.truncf %concatenate3A_224 : vector<256x16xf32> to vector<256x16xbf16>
    %dot_general3A_226 = arith.constant dense<0.000000e+00> : vector<256x64xf32>
    %dot_general3A_227 = tpu.matmul %convert_element_type3A_225, %get3A_4, %dot_general3A_226 {dimension_numbers = #tpu.dot_dimension_numbers<[1], [0], [0], [1], [0, 0, 1, 1], [], []>, transpose_lhs_hint = false} : vector<256x16xbf16>, vector<16x64xbf16>, vector<256x64xf32> -> vector<256x64xf32>
    %get3A_228 = arith.constant 0 : index
    %get3A_229 = arith.constant 0 : index
    %get3A_230 = vector.load %arg4[%get3A_228, %get3A_229] : memref<1x64xf32, #tpu.memory_space<vmem>>, vector<1x64xf32>
    %get3A_231 = arith.constant 0 : index
    %get3A_232 = arith.constant 0 : index
    %get3A_233 = vector.load %arg5[%get3A_231, %get3A_232] : memref<1x64xf32, #tpu.memory_space<vmem>>, vector<1x64xf32>
    %mul3A_234 = vector.broadcast %get3A_230 : vector<1x64xf32> to vector<256x64xf32>
    %mul3A_235 = arith.mulf %mul3A_234, %dot_general3A_227 : vector<256x64xf32>
    %div3A_236 = arith.constant 1.00000501 : f32
    %div3A_237 = vector.broadcast %div3A_236 : f32 to vector<256x64xf32>
    %div3A_238 = arith.divf %mul3A_235, %div3A_237 : vector<256x64xf32>
    %add3A_239 = vector.broadcast %get3A_233 : vector<1x64xf32> to vector<256x64xf32>
    %add3A_240 = arith.addf %div3A_238, %add3A_239 : vector<256x64xf32>
    %ge3A_241 = arith.constant 0.000000e+00 : f32
    %ge3A_242 = vector.broadcast %ge3A_241 : f32 to vector<256x64xf32>
    %ge3A_243 = arith.cmpf oge, %add3A_240, %ge3A_242 : vector<256x64xf32>
    %mul3A_244 = arith.constant 2.000000e-01 : f32
    %mul3A_245 = vector.broadcast %mul3A_244 : f32 to vector<256x64xf32>
    %mul3A_246 = arith.mulf %mul3A_245, %add3A_240 : vector<256x64xf32>
    %select_n3A_247 = arith.select %ge3A_243, %add3A_240, %mul3A_246 : vector<256x64xi1>, vector<256x64xf32>
    %max3A_248 = arith.maximumf %max3A_216, %select_n3A_247 : vector<256x64xf32>
    %get3A_249 = arith.constant 8 : index
    %get3A_250 = arith.constant 0 : index
    %get3A_251 = arith.constant 0 : index
    %get3A_252 = vector.load %arg1[%get3A_249, %get3A_250, %get3A_251] : memref<10x256x128xf32, #tpu.memory_space<vmem>>, vector<1x256x128xf32>
    %get3A_253 = vector.shape_cast %get3A_252 : vector<1x256x128xf32> to vector<256x128xf32>
    %slice3A_254 = vector.extract_strided_slice %get3A_253 {offsets = [0, 0], sizes = [256, 8], strides = [1, 1]} : vector<256x128xf32> to vector<256x8xf32>
    %sub3A_255 = arith.subf %slice3A_254, %get3A_1 : vector<256x8xf32>
    %concatenate3A_256 = tpu.concatenate %sub3A_255, %get3A_1 in 1 : vector<256x8xf32>, vector<256x8xf32> -> vector<256x16xf32>
    %convert_element_type3A_257 = arith.truncf %concatenate3A_256 : vector<256x16xf32> to vector<256x16xbf16>
    %dot_general3A_258 = arith.constant dense<0.000000e+00> : vector<256x64xf32>
    %dot_general3A_259 = tpu.matmul %convert_element_type3A_257, %get3A_4, %dot_general3A_258 {dimension_numbers = #tpu.dot_dimension_numbers<[1], [0], [0], [1], [0, 0, 1, 1], [], []>, transpose_lhs_hint = false} : vector<256x16xbf16>, vector<16x64xbf16>, vector<256x64xf32> -> vector<256x64xf32>
    %get3A_260 = arith.constant 0 : index
    %get3A_261 = arith.constant 0 : index
    %get3A_262 = vector.load %arg4[%get3A_260, %get3A_261] : memref<1x64xf32, #tpu.memory_space<vmem>>, vector<1x64xf32>
    %get3A_263 = arith.constant 0 : index
    %get3A_264 = arith.constant 0 : index
    %get3A_265 = vector.load %arg5[%get3A_263, %get3A_264] : memref<1x64xf32, #tpu.memory_space<vmem>>, vector<1x64xf32>
    %mul3A_266 = vector.broadcast %get3A_262 : vector<1x64xf32> to vector<256x64xf32>
    %mul3A_267 = arith.mulf %mul3A_266, %dot_general3A_259 : vector<256x64xf32>
    %div3A_268 = arith.constant 1.00000501 : f32
    %div3A_269 = vector.broadcast %div3A_268 : f32 to vector<256x64xf32>
    %div3A_270 = arith.divf %mul3A_267, %div3A_269 : vector<256x64xf32>
    %add3A_271 = vector.broadcast %get3A_265 : vector<1x64xf32> to vector<256x64xf32>
    %add3A_272 = arith.addf %div3A_270, %add3A_271 : vector<256x64xf32>
    %ge3A_273 = arith.constant 0.000000e+00 : f32
    %ge3A_274 = vector.broadcast %ge3A_273 : f32 to vector<256x64xf32>
    %ge3A_275 = arith.cmpf oge, %add3A_272, %ge3A_274 : vector<256x64xf32>
    %mul3A_276 = arith.constant 2.000000e-01 : f32
    %mul3A_277 = vector.broadcast %mul3A_276 : f32 to vector<256x64xf32>
    %mul3A_278 = arith.mulf %mul3A_277, %add3A_272 : vector<256x64xf32>
    %select_n3A_279 = arith.select %ge3A_275, %add3A_272, %mul3A_278 : vector<256x64xi1>, vector<256x64xf32>
    %max3A_280 = arith.maximumf %max3A_248, %select_n3A_279 : vector<256x64xf32>
    %get3A_281 = arith.constant 9 : index
    %get3A_282 = arith.constant 0 : index
    %get3A_283 = arith.constant 0 : index
    %get3A_284 = vector.load %arg1[%get3A_281, %get3A_282, %get3A_283] : memref<10x256x128xf32, #tpu.memory_space<vmem>>, vector<1x256x128xf32>
    %get3A_285 = vector.shape_cast %get3A_284 : vector<1x256x128xf32> to vector<256x128xf32>
    %slice3A_286 = vector.extract_strided_slice %get3A_285 {offsets = [0, 0], sizes = [256, 8], strides = [1, 1]} : vector<256x128xf32> to vector<256x8xf32>
    %sub3A_287 = arith.subf %slice3A_286, %get3A_1 : vector<256x8xf32>
    %concatenate3A_288 = tpu.concatenate %sub3A_287, %get3A_1 in 1 : vector<256x8xf32>, vector<256x8xf32> -> vector<256x16xf32>
    %convert_element_type3A_289 = arith.truncf %concatenate3A_288 : vector<256x16xf32> to vector<256x16xbf16>
    %dot_general3A_290 = arith.constant dense<0.000000e+00> : vector<256x64xf32>
    %dot_general3A_291 = tpu.matmul %convert_element_type3A_289, %get3A_4, %dot_general3A_290 {dimension_numbers = #tpu.dot_dimension_numbers<[1], [0], [0], [1], [0, 0, 1, 1], [], []>, transpose_lhs_hint = false} : vector<256x16xbf16>, vector<16x64xbf16>, vector<256x64xf32> -> vector<256x64xf32>
    %get3A_292 = arith.constant 0 : index
    %get3A_293 = arith.constant 0 : index
    %get3A_294 = vector.load %arg4[%get3A_292, %get3A_293] : memref<1x64xf32, #tpu.memory_space<vmem>>, vector<1x64xf32>
    %get3A_295 = arith.constant 0 : index
    %get3A_296 = arith.constant 0 : index
    %get3A_297 = vector.load %arg5[%get3A_295, %get3A_296] : memref<1x64xf32, #tpu.memory_space<vmem>>, vector<1x64xf32>
    %mul3A_298 = vector.broadcast %get3A_294 : vector<1x64xf32> to vector<256x64xf32>
    %mul3A_299 = arith.mulf %mul3A_298, %dot_general3A_291 : vector<256x64xf32>
    %div3A_300 = arith.constant 1.00000501 : f32
    %div3A_301 = vector.broadcast %div3A_300 : f32 to vector<256x64xf32>
    %div3A_302 = arith.divf %mul3A_299, %div3A_301 : vector<256x64xf32>
    %add3A_303 = vector.broadcast %get3A_297 : vector<1x64xf32> to vector<256x64xf32>
    %add3A_304 = arith.addf %div3A_302, %add3A_303 : vector<256x64xf32>
    %ge3A_305 = arith.constant 0.000000e+00 : f32
    %ge3A_306 = vector.broadcast %ge3A_305 : f32 to vector<256x64xf32>
    %ge3A_307 = arith.cmpf oge, %add3A_304, %ge3A_306 : vector<256x64xf32>
    %mul3A_308 = arith.constant 2.000000e-01 : f32
    %mul3A_309 = vector.broadcast %mul3A_308 : f32 to vector<256x64xf32>
    %mul3A_310 = arith.mulf %mul3A_309, %add3A_304 : vector<256x64xf32>
    %select_n3A_311 = arith.select %ge3A_307, %add3A_304, %mul3A_310 : vector<256x64xi1>, vector<256x64xf32>
    %max3A_312 = arith.maximumf %max3A_280, %select_n3A_311 : vector<256x64xf32>
    %swap3A = arith.constant 0 : index
    %swap3A_313 = arith.constant 0 : index
    %swap3A_314 = vector.load %arg6[%swap3A, %swap3A_313] : memref<256x64xf32, #tpu.memory_space<vmem>>, vector<256x64xf32>
    tpu.vector_store %arg6[%swap3A, %swap3A_313], %max3A_312 {strides = array<i32>} : memref<256x64xf32, #tpu.memory_space<vmem>>, vector<256x64xf32>,
    return
  }
  func.func @transform_0(%arg0: i32) -> (i32, i32, i32) {
    %c0_i32 = arith.constant 0 : i32
    %c0_i32_0 = arith.constant 0 : i32
    %c0_i32_1 = arith.constant 0 : i32
    return %c0_i32, %arg0, %c0_i32_0 : i32, i32, i32
  }
  func.func @transform_1(%arg0: i32) -> (i32, i32) {
    %c0_i32 = arith.constant 0 : i32
    %c0_i32_0 = arith.constant 0 : i32
    return %arg0, %c0_i32 : i32, i32
  }
  func.func @transform_2(%arg0: i32) -> (i32, i32) {
    %c0_i32 = arith.constant 0 : i32
    %c0_i32_0 = arith.constant 0 : i32
    %c0_i32_1 = arith.constant 0 : i32
    return %c0_i32, %c0_i32_0 : i32, i32
  }
  func.func @transform_3(%arg0: i32) -> (i32, i32) {
    %c0_i32 = arith.constant 0 : i32
    %c0_i32_0 = arith.constant 0 : i32
    %c0_i32_1 = arith.constant 0 : i32
    return %c0_i32, %c0_i32_0 : i32, i32
  }
  func.func @transform_4(%arg0: i32) -> (i32, i32) {
    %c0_i32 = arith.constant 0 : i32
    %c0_i32_0 = arith.constant 0 : i32
    %c0_i32_1 = arith.constant 0 : i32
    return %c0_i32, %c0_i32_0 : i32, i32
  }
  func.func @transform_5(%arg0: i32) -> (i32, i32) {
    %c0_i32 = arith.constant 0 : i32
    %c0_i32_0 = arith.constant 0 : i32
    return %arg0, %c0_i32 : i32, i32
  }
}

module attributes {stable_mosaic.version = 14 : i64} {
  func.func @_knn_body(%arg0: i32, %arg1: i32, %arg2: memref<1x256x64xf32, #tpu.memory_space<vmem>>, %arg3: memref<1x64x4096xf32, #tpu.memory_space<vmem>>, %arg4: memref<1x256x10xi32, #tpu.memory_space<vmem>>) attributes {dimension_semantics = [#tpu.dimension_semantics<arbitrary>, #tpu.dimension_semantics<arbitrary>], iteration_bounds = array<i64: 2, 16>, scalar_prefetch = 0 : i64, scratch_operands = 0 : i64, tpu.core_type = #tpu.core_type<tc>, window_params = [{transform_indices = @transform_0, window_bounds = array<i64: 1, 256, 64>}, {transform_indices = @transform_1, window_bounds = array<i64: 1, 64, 4096>}, {transform_indices = @transform_2, window_bounds = array<i64: 1, 256, 10>}]} {
    %get3A = arith.constant 0 : index
    %get3A_0 = arith.constant 0 : index
    %get3A_1 = arith.constant 0 : index
    %get3A_2 = vector.load %arg2[%get3A, %get3A_0, %get3A_1] : memref<1x256x64xf32, #tpu.memory_space<vmem>>, vector<1x256x64xf32>
    %get3A_3 = vector.shape_cast %get3A_2 : vector<1x256x64xf32> to vector<256x64xf32>
    %get3A_4 = arith.constant 0 : index
    %get3A_5 = arith.constant 0 : index
    %get3A_6 = arith.constant 0 : index
    %get3A_7 = vector.load %arg3[%get3A_4, %get3A_5, %get3A_6] : memref<1x64x4096xf32, #tpu.memory_space<vmem>>, vector<1x64x4096xf32>
    %get3A_8 = vector.shape_cast %get3A_7 : vector<1x64x4096xf32> to vector<64x4096xf32>
    %convert_element_type3A = arith.truncf %get3A_3 : vector<256x64xf32> to vector<256x64xbf16>
    %convert_element_type3A_9 = arith.truncf %get3A_8 : vector<64x4096xf32> to vector<64x4096xbf16>
    %dot_general3A = arith.constant dense<0.000000e+00> : vector<256x4096xf32>
    %dot_general3A_10 = tpu.matmul %convert_element_type3A, %convert_element_type3A_9, %dot_general3A {dimension_numbers = #tpu.dot_dimension_numbers<[1], [0], [0], [1], [0, 0, 1, 1], [], []>, transpose_lhs_hint = false} : vector<256x64xbf16>, vector<64x4096xbf16>, vector<256x4096xf32> -> vector<256x4096xf32>
    %mul3A = arith.mulf %get3A_3, %get3A_3 : vector<256x64xf32>
    %reduce_sum3A = arith.constant dense<0.000000e+00> : vector<256xf32>
    %reduce_sum3A_11 = vector.multi_reduction <add>, %mul3A, %reduce_sum3A [1] : vector<256x64xf32> to vector<256xf32>
    %broadcast_in_dim3A = vector.shape_cast %reduce_sum3A_11 : vector<256xf32> to vector<256x1xf32>
    %mul3A_12 = arith.mulf %get3A_8, %get3A_8 : vector<64x4096xf32>
    %reduce_sum3A_13 = arith.constant dense<0.000000e+00> : vector<4096xf32>
    %reduce_sum3A_14 = vector.multi_reduction <add>, %mul3A_12, %reduce_sum3A_13 [0] : vector<64x4096xf32> to vector<4096xf32>
    %broadcast_in_dim3A_15 = vector.shape_cast %reduce_sum3A_14 : vector<4096xf32> to vector<1x4096xf32>
    %neg3A = arith.constant 0.000000e+00 : f32
    %neg3A_16 = vector.broadcast %neg3A : f32 to vector<256x1xf32>
    %neg3A_17 = arith.subf %neg3A_16, %broadcast_in_dim3A : vector<256x1xf32>
    %mul3A_18 = arith.constant -2.000000e+00 : f32
    %mul3A_19 = vector.broadcast %mul3A_18 : f32 to vector<256x4096xf32>
    %mul3A_20 = arith.mulf %mul3A_19, %dot_general3A_10 : vector<256x4096xf32>
    %sub3A = vector.broadcast %neg3A_17 : vector<256x1xf32> to vector<256x4096xf32>
    %sub3A_21 = arith.subf %sub3A, %mul3A_20 : vector<256x4096xf32>
    %sub3A_22 = vector.broadcast %broadcast_in_dim3A_15 : vector<1x4096xf32> to vector<256x4096xf32>
    %sub3A_23 = arith.subf %sub3A_21, %sub3A_22 : vector<256x4096xf32>
    %iota3A = tpu.iota {dimensions = array<i32: 1>} : vector<256x4096xi32>
    %convert_element_type3A_24 = arith.sitofp %iota3A : vector<256x4096xi32> to vector<256x4096xf32>
    %reduce_max3A = arith.constant dense<0xFF800000> : vector<256xf32>
    %reduce_max3A_25 = vector.multi_reduction <maximumf>, %sub3A_23, %reduce_max3A [1] : vector<256x4096xf32> to vector<256xf32>
    %broadcast_in_dim3A_26 = vector.shape_cast %reduce_max3A_25 : vector<256xf32> to vector<256x1xf32>
    %ge3A = vector.broadcast %broadcast_in_dim3A_26 : vector<256x1xf32> to vector<256x4096xf32>
    %ge3A_27 = arith.cmpf oge, %sub3A_23, %ge3A : vector<256x4096xf32>
    %jit3A = arith.constant 4.096000e+03 : f32
    %broadcast_in_dim3A_28 = vector.broadcast %jit3A : f32 to vector<256x4096xf32>
    %select_n3A = arith.select %ge3A_27, %convert_element_type3A_24, %broadcast_in_dim3A_28 : vector<256x4096xi1>, vector<256x4096xf32>
    %reduce_min3A = arith.constant dense<0x7F800000> : vector<256xf32>
    %reduce_min3A_29 = vector.multi_reduction <minimumf>, %select_n3A, %reduce_min3A [1] : vector<256x4096xf32> to vector<256xf32>
    %broadcast_in_dim3A_30 = vector.shape_cast %reduce_min3A_29 : vector<256xf32> to vector<256x1xf32>
    %jit3A_31 = arith.constant -3.000000e+38 : f32
    %broadcast_in_dim3A_32 = vector.broadcast %jit3A_31 : f32 to vector<256x4096xf32>
    %select_n3A_33 = arith.select %ge3A_27, %broadcast_in_dim3A_32, %sub3A_23 : vector<256x4096xi1>, vector<256x4096xf32>
    %reduce_max3A_34 = arith.constant dense<0xFF800000> : vector<256xf32>
    %reduce_max3A_35 = vector.multi_reduction <maximumf>, %select_n3A_33, %reduce_max3A_34 [1] : vector<256x4096xf32> to vector<256xf32>
    %broadcast_in_dim3A_36 = vector.shape_cast %reduce_max3A_35 : vector<256xf32> to vector<256x1xf32>
    %ge3A_37 = vector.broadcast %broadcast_in_dim3A_36 : vector<256x1xf32> to vector<256x4096xf32>
    %ge3A_38 = arith.cmpf oge, %select_n3A_33, %ge3A_37 : vector<256x4096xf32>
    %jit3A_39 = arith.constant 4.096000e+03 : f32
    %broadcast_in_dim3A_40 = vector.broadcast %jit3A_39 : f32 to vector<256x4096xf32>
    %select_n3A_41 = arith.select %ge3A_38, %convert_element_type3A_24, %broadcast_in_dim3A_40 : vector<256x4096xi1>, vector<256x4096xf32>
    %reduce_min3A_42 = arith.constant dense<0x7F800000> : vector<256xf32>
    %reduce_min3A_43 = vector.multi_reduction <minimumf>, %select_n3A_41, %reduce_min3A_42 [1] : vector<256x4096xf32> to vector<256xf32>
    %broadcast_in_dim3A_44 = vector.shape_cast %reduce_min3A_43 : vector<256xf32> to vector<256x1xf32>
    %jit3A_45 = arith.constant -3.000000e+38 : f32
    %broadcast_in_dim3A_46 = vector.broadcast %jit3A_45 : f32 to vector<256x4096xf32>
    %select_n3A_47 = arith.select %ge3A_38, %broadcast_in_dim3A_46, %select_n3A_33 : vector<256x4096xi1>, vector<256x4096xf32>
    %reduce_max3A_48 = arith.constant dense<0xFF800000> : vector<256xf32>
    %reduce_max3A_49 = vector.multi_reduction <maximumf>, %select_n3A_47, %reduce_max3A_48 [1] : vector<256x4096xf32> to vector<256xf32>
    %broadcast_in_dim3A_50 = vector.shape_cast %reduce_max3A_49 : vector<256xf32> to vector<256x1xf32>
    %ge3A_51 = vector.broadcast %broadcast_in_dim3A_50 : vector<256x1xf32> to vector<256x4096xf32>
    %ge3A_52 = arith.cmpf oge, %select_n3A_47, %ge3A_51 : vector<256x4096xf32>
    %jit3A_53 = arith.constant 4.096000e+03 : f32
    %broadcast_in_dim3A_54 = vector.broadcast %jit3A_53 : f32 to vector<256x4096xf32>
    %select_n3A_55 = arith.select %ge3A_52, %convert_element_type3A_24, %broadcast_in_dim3A_54 : vector<256x4096xi1>, vector<256x4096xf32>
    %reduce_min3A_56 = arith.constant dense<0x7F800000> : vector<256xf32>
    %reduce_min3A_57 = vector.multi_reduction <minimumf>, %select_n3A_55, %reduce_min3A_56 [1] : vector<256x4096xf32> to vector<256xf32>
    %broadcast_in_dim3A_58 = vector.shape_cast %reduce_min3A_57 : vector<256xf32> to vector<256x1xf32>
    %jit3A_59 = arith.constant -3.000000e+38 : f32
    %broadcast_in_dim3A_60 = vector.broadcast %jit3A_59 : f32 to vector<256x4096xf32>
    %select_n3A_61 = arith.select %ge3A_52, %broadcast_in_dim3A_60, %select_n3A_47 : vector<256x4096xi1>, vector<256x4096xf32>
    %reduce_max3A_62 = arith.constant dense<0xFF800000> : vector<256xf32>
    %reduce_max3A_63 = vector.multi_reduction <maximumf>, %select_n3A_61, %reduce_max3A_62 [1] : vector<256x4096xf32> to vector<256xf32>
    %broadcast_in_dim3A_64 = vector.shape_cast %reduce_max3A_63 : vector<256xf32> to vector<256x1xf32>
    %ge3A_65 = vector.broadcast %broadcast_in_dim3A_64 : vector<256x1xf32> to vector<256x4096xf32>
    %ge3A_66 = arith.cmpf oge, %select_n3A_61, %ge3A_65 : vector<256x4096xf32>
    %jit3A_67 = arith.constant 4.096000e+03 : f32
    %broadcast_in_dim3A_68 = vector.broadcast %jit3A_67 : f32 to vector<256x4096xf32>
    %select_n3A_69 = arith.select %ge3A_66, %convert_element_type3A_24, %broadcast_in_dim3A_68 : vector<256x4096xi1>, vector<256x4096xf32>
    %reduce_min3A_70 = arith.constant dense<0x7F800000> : vector<256xf32>
    %reduce_min3A_71 = vector.multi_reduction <minimumf>, %select_n3A_69, %reduce_min3A_70 [1] : vector<256x4096xf32> to vector<256xf32>
    %broadcast_in_dim3A_72 = vector.shape_cast %reduce_min3A_71 : vector<256xf32> to vector<256x1xf32>
    %jit3A_73 = arith.constant -3.000000e+38 : f32
    %broadcast_in_dim3A_74 = vector.broadcast %jit3A_73 : f32 to vector<256x4096xf32>
    %select_n3A_75 = arith.select %ge3A_66, %broadcast_in_dim3A_74, %select_n3A_61 : vector<256x4096xi1>, vector<256x4096xf32>
    %reduce_max3A_76 = arith.constant dense<0xFF800000> : vector<256xf32>
    %reduce_max3A_77 = vector.multi_reduction <maximumf>, %select_n3A_75, %reduce_max3A_76 [1] : vector<256x4096xf32> to vector<256xf32>
    %broadcast_in_dim3A_78 = vector.shape_cast %reduce_max3A_77 : vector<256xf32> to vector<256x1xf32>
    %ge3A_79 = vector.broadcast %broadcast_in_dim3A_78 : vector<256x1xf32> to vector<256x4096xf32>
    %ge3A_80 = arith.cmpf oge, %select_n3A_75, %ge3A_79 : vector<256x4096xf32>
    %jit3A_81 = arith.constant 4.096000e+03 : f32
    %broadcast_in_dim3A_82 = vector.broadcast %jit3A_81 : f32 to vector<256x4096xf32>
    %select_n3A_83 = arith.select %ge3A_80, %convert_element_type3A_24, %broadcast_in_dim3A_82 : vector<256x4096xi1>, vector<256x4096xf32>
    %reduce_min3A_84 = arith.constant dense<0x7F800000> : vector<256xf32>
    %reduce_min3A_85 = vector.multi_reduction <minimumf>, %select_n3A_83, %reduce_min3A_84 [1] : vector<256x4096xf32> to vector<256xf32>
    %broadcast_in_dim3A_86 = vector.shape_cast %reduce_min3A_85 : vector<256xf32> to vector<256x1xf32>
    %jit3A_87 = arith.constant -3.000000e+38 : f32
    %broadcast_in_dim3A_88 = vector.broadcast %jit3A_87 : f32 to vector<256x4096xf32>
    %select_n3A_89 = arith.select %ge3A_80, %broadcast_in_dim3A_88, %select_n3A_75 : vector<256x4096xi1>, vector<256x4096xf32>
    %reduce_max3A_90 = arith.constant dense<0xFF800000> : vector<256xf32>
    %reduce_max3A_91 = vector.multi_reduction <maximumf>, %select_n3A_89, %reduce_max3A_90 [1] : vector<256x4096xf32> to vector<256xf32>
    %broadcast_in_dim3A_92 = vector.shape_cast %reduce_max3A_91 : vector<256xf32> to vector<256x1xf32>
    %ge3A_93 = vector.broadcast %broadcast_in_dim3A_92 : vector<256x1xf32> to vector<256x4096xf32>
    %ge3A_94 = arith.cmpf oge, %select_n3A_89, %ge3A_93 : vector<256x4096xf32>
    %jit3A_95 = arith.constant 4.096000e+03 : f32
    %broadcast_in_dim3A_96 = vector.broadcast %jit3A_95 : f32 to vector<256x4096xf32>
    %select_n3A_97 = arith.select %ge3A_94, %convert_element_type3A_24, %broadcast_in_dim3A_96 : vector<256x4096xi1>, vector<256x4096xf32>
    %reduce_min3A_98 = arith.constant dense<0x7F800000> : vector<256xf32>
    %reduce_min3A_99 = vector.multi_reduction <minimumf>, %select_n3A_97, %reduce_min3A_98 [1] : vector<256x4096xf32> to vector<256xf32>
    %broadcast_in_dim3A_100 = vector.shape_cast %reduce_min3A_99 : vector<256xf32> to vector<256x1xf32>
    %jit3A_101 = arith.constant -3.000000e+38 : f32
    %broadcast_in_dim3A_102 = vector.broadcast %jit3A_101 : f32 to vector<256x4096xf32>
    %select_n3A_103 = arith.select %ge3A_94, %broadcast_in_dim3A_102, %select_n3A_89 : vector<256x4096xi1>, vector<256x4096xf32>
    %reduce_max3A_104 = arith.constant dense<0xFF800000> : vector<256xf32>
    %reduce_max3A_105 = vector.multi_reduction <maximumf>, %select_n3A_103, %reduce_max3A_104 [1] : vector<256x4096xf32> to vector<256xf32>
    %broadcast_in_dim3A_106 = vector.shape_cast %reduce_max3A_105 : vector<256xf32> to vector<256x1xf32>
    %ge3A_107 = vector.broadcast %broadcast_in_dim3A_106 : vector<256x1xf32> to vector<256x4096xf32>
    %ge3A_108 = arith.cmpf oge, %select_n3A_103, %ge3A_107 : vector<256x4096xf32>
    %jit3A_109 = arith.constant 4.096000e+03 : f32
    %broadcast_in_dim3A_110 = vector.broadcast %jit3A_109 : f32 to vector<256x4096xf32>
    %select_n3A_111 = arith.select %ge3A_108, %convert_element_type3A_24, %broadcast_in_dim3A_110 : vector<256x4096xi1>, vector<256x4096xf32>
    %reduce_min3A_112 = arith.constant dense<0x7F800000> : vector<256xf32>
    %reduce_min3A_113 = vector.multi_reduction <minimumf>, %select_n3A_111, %reduce_min3A_112 [1] : vector<256x4096xf32> to vector<256xf32>
    %broadcast_in_dim3A_114 = vector.shape_cast %reduce_min3A_113 : vector<256xf32> to vector<256x1xf32>
    %jit3A_115 = arith.constant -3.000000e+38 : f32
    %broadcast_in_dim3A_116 = vector.broadcast %jit3A_115 : f32 to vector<256x4096xf32>
    %select_n3A_117 = arith.select %ge3A_108, %broadcast_in_dim3A_116, %select_n3A_103 : vector<256x4096xi1>, vector<256x4096xf32>
    %reduce_max3A_118 = arith.constant dense<0xFF800000> : vector<256xf32>
    %reduce_max3A_119 = vector.multi_reduction <maximumf>, %select_n3A_117, %reduce_max3A_118 [1] : vector<256x4096xf32> to vector<256xf32>
    %broadcast_in_dim3A_120 = vector.shape_cast %reduce_max3A_119 : vector<256xf32> to vector<256x1xf32>
    %ge3A_121 = vector.broadcast %broadcast_in_dim3A_120 : vector<256x1xf32> to vector<256x4096xf32>
    %ge3A_122 = arith.cmpf oge, %select_n3A_117, %ge3A_121 : vector<256x4096xf32>
    %jit3A_123 = arith.constant 4.096000e+03 : f32
    %broadcast_in_dim3A_124 = vector.broadcast %jit3A_123 : f32 to vector<256x4096xf32>
    %select_n3A_125 = arith.select %ge3A_122, %convert_element_type3A_24, %broadcast_in_dim3A_124 : vector<256x4096xi1>, vector<256x4096xf32>
    %reduce_min3A_126 = arith.constant dense<0x7F800000> : vector<256xf32>
    %reduce_min3A_127 = vector.multi_reduction <minimumf>, %select_n3A_125, %reduce_min3A_126 [1] : vector<256x4096xf32> to vector<256xf32>
    %broadcast_in_dim3A_128 = vector.shape_cast %reduce_min3A_127 : vector<256xf32> to vector<256x1xf32>
    %jit3A_129 = arith.constant -3.000000e+38 : f32
    %broadcast_in_dim3A_130 = vector.broadcast %jit3A_129 : f32 to vector<256x4096xf32>
    %select_n3A_131 = arith.select %ge3A_122, %broadcast_in_dim3A_130, %select_n3A_117 : vector<256x4096xi1>, vector<256x4096xf32>
    %reduce_max3A_132 = arith.constant dense<0xFF800000> : vector<256xf32>
    %reduce_max3A_133 = vector.multi_reduction <maximumf>, %select_n3A_131, %reduce_max3A_132 [1] : vector<256x4096xf32> to vector<256xf32>
    %broadcast_in_dim3A_134 = vector.shape_cast %reduce_max3A_133 : vector<256xf32> to vector<256x1xf32>
    %ge3A_135 = vector.broadcast %broadcast_in_dim3A_134 : vector<256x1xf32> to vector<256x4096xf32>
    %ge3A_136 = arith.cmpf oge, %select_n3A_131, %ge3A_135 : vector<256x4096xf32>
    %jit3A_137 = arith.constant 4.096000e+03 : f32
    %broadcast_in_dim3A_138 = vector.broadcast %jit3A_137 : f32 to vector<256x4096xf32>
    %select_n3A_139 = arith.select %ge3A_136, %convert_element_type3A_24, %broadcast_in_dim3A_138 : vector<256x4096xi1>, vector<256x4096xf32>
    %reduce_min3A_140 = arith.constant dense<0x7F800000> : vector<256xf32>
    %reduce_min3A_141 = vector.multi_reduction <minimumf>, %select_n3A_139, %reduce_min3A_140 [1] : vector<256x4096xf32> to vector<256xf32>
    %broadcast_in_dim3A_142 = vector.shape_cast %reduce_min3A_141 : vector<256xf32> to vector<256x1xf32>
    %jit3A_143 = arith.constant -3.000000e+38 : f32
    %broadcast_in_dim3A_144 = vector.broadcast %jit3A_143 : f32 to vector<256x4096xf32>
    %select_n3A_145 = arith.select %ge3A_136, %broadcast_in_dim3A_144, %select_n3A_131 : vector<256x4096xi1>, vector<256x4096xf32>
    %reduce_max3A_146 = arith.constant dense<0xFF800000> : vector<256xf32>
    %reduce_max3A_147 = vector.multi_reduction <maximumf>, %select_n3A_145, %reduce_max3A_146 [1] : vector<256x4096xf32> to vector<256xf32>
    %broadcast_in_dim3A_148 = vector.shape_cast %reduce_max3A_147 : vector<256xf32> to vector<256x1xf32>
    %ge3A_149 = vector.broadcast %broadcast_in_dim3A_148 : vector<256x1xf32> to vector<256x4096xf32>
    %ge3A_150 = arith.cmpf oge, %select_n3A_145, %ge3A_149 : vector<256x4096xf32>
    %jit3A_151 = arith.constant 4.096000e+03 : f32
    %broadcast_in_dim3A_152 = vector.broadcast %jit3A_151 : f32 to vector<256x4096xf32>
    %select_n3A_153 = arith.select %ge3A_150, %convert_element_type3A_24, %broadcast_in_dim3A_152 : vector<256x4096xi1>, vector<256x4096xf32>
    %reduce_min3A_154 = arith.constant dense<0x7F800000> : vector<256xf32>
    %reduce_min3A_155 = vector.multi_reduction <minimumf>, %select_n3A_153, %reduce_min3A_154 [1] : vector<256x4096xf32> to vector<256xf32>
    %broadcast_in_dim3A_156 = vector.shape_cast %reduce_min3A_155 : vector<256xf32> to vector<256x1xf32>
    %concatenate3A = tpu.concatenate %broadcast_in_dim3A_30, %broadcast_in_dim3A_44, %broadcast_in_dim3A_58, %broadcast_in_dim3A_72, %broadcast_in_dim3A_86, %broadcast_in_dim3A_100, %broadcast_in_dim3A_114, %broadcast_in_dim3A_128, %broadcast_in_dim3A_142, %broadcast_in_dim3A_156 in 1 : vector<256x1xf32>, vector<256x1xf32>, vector<256x1xf32>, vector<256x1xf32>, vector<256x1xf32>, vector<256x1xf32>, vector<256x1xf32>, vector<256x1xf32>, vector<256x1xf32>, vector<256x1xf32> -> vector<256x10xf32>
    %convert_element_type3A_157 = arith.fptosi %concatenate3A : vector<256x10xf32> to vector<256x10xi32>
    %mul3A_158 = arith.constant 4096 : i32
    %mul3A_159 = arith.muli %arg0, %mul3A_158 : i32
    %add3A = vector.broadcast %mul3A_159 : i32 to vector<256x10xi32>
    %add3A_160 = arith.addi %convert_element_type3A_157, %add3A : vector<256x10xi32>
    %swap3A = arith.constant 0 : index
    %swap3A_161 = arith.constant 0 : index
    %swap3A_162 = arith.constant 0 : index
    %swap3A_163 = vector.load %arg4[%swap3A, %swap3A_161, %swap3A_162] : memref<1x256x10xi32, #tpu.memory_space<vmem>>, vector<1x256x10xi32>
    %swap3A_164 = vector.shape_cast %swap3A_163 : vector<1x256x10xi32> to vector<256x10xi32>
    %swap3A_165 = vector.shape_cast %add3A_160 : vector<256x10xi32> to vector<1x256x10xi32>
    tpu.vector_store %arg4[%swap3A, %swap3A_161, %swap3A_162], %swap3A_165 {strides = array<i32>} : memref<1x256x10xi32, #tpu.memory_space<vmem>>, vector<1x256x10xi32>,
    return
  }
  func.func @transform_0(%arg0: i32, %arg1: i32) -> (i32, i32, i32) {
    %c0_i32 = arith.constant 0 : i32
    %c0_i32_0 = arith.constant 0 : i32
    return %arg0, %arg1, %c0_i32 : i32, i32, i32
  }
  func.func @transform_1(%arg0: i32, %arg1: i32) -> (i32, i32, i32) {
    %c0_i32 = arith.constant 0 : i32
    %c0_i32_0 = arith.constant 0 : i32
    %c0_i32_1 = arith.constant 0 : i32
    return %arg0, %c0_i32, %c0_i32_0 : i32, i32, i32
  }
  func.func @transform_2(%arg0: i32, %arg1: i32) -> (i32, i32, i32) {
    %c0_i32 = arith.constant 0 : i32
    %c0_i32_0 = arith.constant 0 : i32
    return %arg0, %arg1, %c0_i32 : i32, i32, i32
  }
}

module attributes {stable_mosaic.version = 14 : i64} {
  func.func @_edge_body(%arg0: i32, %arg1: memref<10x256x128xf32, #tpu.memory_space<vmem>>, %arg2: memref<256x64xf32, #tpu.memory_space<vmem>>, %arg3: memref<128x64xbf16, #tpu.memory_space<vmem>>, %arg4: memref<1x64xf32, #tpu.memory_space<vmem>>, %arg5: memref<1x64xf32, #tpu.memory_space<vmem>>, %arg6: memref<256x64xf32, #tpu.memory_space<vmem>>) attributes {dimension_semantics = [#tpu.dimension_semantics<arbitrary>], iteration_bounds = array<i64: 32>, scalar_prefetch = 0 : i64, scratch_operands = 0 : i64, tpu.core_type = #tpu.core_type<tc>, window_params = [{transform_indices = @transform_0, window_bounds = array<i64: 10, 256, 128>}, {transform_indices = @transform_1, window_bounds = array<i64: 256, 64>}, {pipeline_mode = #tpu.pipeline_mode<synchronous>, transform_indices = @transform_2, window_bounds = array<i64: 128, 64>}, {pipeline_mode = #tpu.pipeline_mode<synchronous>, transform_indices = @transform_3, window_bounds = array<i64: 1, 64>}, {pipeline_mode = #tpu.pipeline_mode<synchronous>, transform_indices = @transform_4, window_bounds = array<i64: 1, 64>}, {transform_indices = @transform_5, window_bounds = array<i64: 256, 64>}]} {
    %get3A = arith.constant 0 : index
    %get3A_0 = arith.constant 0 : index
    %get3A_1 = vector.load %arg2[%get3A, %get3A_0] : memref<256x64xf32, #tpu.memory_space<vmem>>, vector<256x64xf32>
    %get3A_2 = arith.constant 0 : index
    %get3A_3 = arith.constant 0 : index
    %get3A_4 = vector.load %arg3[%get3A_2, %get3A_3] : memref<128x64xbf16, #tpu.memory_space<vmem>>, vector<128x64xbf16>
    %get3A_5 = arith.constant 0 : index
    %get3A_6 = arith.constant 0 : index
    %get3A_7 = arith.constant 0 : index
    %get3A_8 = vector.load %arg1[%get3A_5, %get3A_6, %get3A_7] : memref<10x256x128xf32, #tpu.memory_space<vmem>>, vector<1x256x128xf32>
    %get3A_9 = vector.shape_cast %get3A_8 : vector<1x256x128xf32> to vector<256x128xf32>
    %slice3A = vector.extract_strided_slice %get3A_9 {offsets = [0, 0], sizes = [256, 64], strides = [1, 1]} : vector<256x128xf32> to vector<256x64xf32>
    %sub3A = arith.subf %slice3A, %get3A_1 : vector<256x64xf32>
    %concatenate3A = tpu.concatenate %sub3A, %get3A_1 in 1 : vector<256x64xf32>, vector<256x64xf32> -> vector<256x128xf32>
    %convert_element_type3A = arith.truncf %concatenate3A : vector<256x128xf32> to vector<256x128xbf16>
    %dot_general3A = arith.constant dense<0.000000e+00> : vector<256x64xf32>
    %dot_general3A_10 = tpu.matmul %convert_element_type3A, %get3A_4, %dot_general3A {dimension_numbers = #tpu.dot_dimension_numbers<[1], [0], [0], [1], [0, 0, 1, 1], [], []>, transpose_lhs_hint = false} : vector<256x128xbf16>, vector<128x64xbf16>, vector<256x64xf32> -> vector<256x64xf32>
    %get3A_11 = arith.constant 0 : index
    %get3A_12 = arith.constant 0 : index
    %get3A_13 = vector.load %arg4[%get3A_11, %get3A_12] : memref<1x64xf32, #tpu.memory_space<vmem>>, vector<1x64xf32>
    %get3A_14 = arith.constant 0 : index
    %get3A_15 = arith.constant 0 : index
    %get3A_16 = vector.load %arg5[%get3A_14, %get3A_15] : memref<1x64xf32, #tpu.memory_space<vmem>>, vector<1x64xf32>
    %mul3A = vector.broadcast %get3A_13 : vector<1x64xf32> to vector<256x64xf32>
    %mul3A_17 = arith.mulf %mul3A, %dot_general3A_10 : vector<256x64xf32>
    %div3A = arith.constant 1.00000501 : f32
    %div3A_18 = vector.broadcast %div3A : f32 to vector<256x64xf32>
    %div3A_19 = arith.divf %mul3A_17, %div3A_18 : vector<256x64xf32>
    %add3A = vector.broadcast %get3A_16 : vector<1x64xf32> to vector<256x64xf32>
    %add3A_20 = arith.addf %div3A_19, %add3A : vector<256x64xf32>
    %ge3A = arith.constant 0.000000e+00 : f32
    %ge3A_21 = vector.broadcast %ge3A : f32 to vector<256x64xf32>
    %ge3A_22 = arith.cmpf oge, %add3A_20, %ge3A_21 : vector<256x64xf32>
    %mul3A_23 = arith.constant 2.000000e-01 : f32
    %mul3A_24 = vector.broadcast %mul3A_23 : f32 to vector<256x64xf32>
    %mul3A_25 = arith.mulf %mul3A_24, %add3A_20 : vector<256x64xf32>
    %select_n3A = arith.select %ge3A_22, %add3A_20, %mul3A_25 : vector<256x64xi1>, vector<256x64xf32>
    %get3A_26 = arith.constant 1 : index
    %get3A_27 = arith.constant 0 : index
    %get3A_28 = arith.constant 0 : index
    %get3A_29 = vector.load %arg1[%get3A_26, %get3A_27, %get3A_28] : memref<10x256x128xf32, #tpu.memory_space<vmem>>, vector<1x256x128xf32>
    %get3A_30 = vector.shape_cast %get3A_29 : vector<1x256x128xf32> to vector<256x128xf32>
    %slice3A_31 = vector.extract_strided_slice %get3A_30 {offsets = [0, 0], sizes = [256, 64], strides = [1, 1]} : vector<256x128xf32> to vector<256x64xf32>
    %sub3A_32 = arith.subf %slice3A_31, %get3A_1 : vector<256x64xf32>
    %concatenate3A_33 = tpu.concatenate %sub3A_32, %get3A_1 in 1 : vector<256x64xf32>, vector<256x64xf32> -> vector<256x128xf32>
    %convert_element_type3A_34 = arith.truncf %concatenate3A_33 : vector<256x128xf32> to vector<256x128xbf16>
    %dot_general3A_35 = arith.constant dense<0.000000e+00> : vector<256x64xf32>
    %dot_general3A_36 = tpu.matmul %convert_element_type3A_34, %get3A_4, %dot_general3A_35 {dimension_numbers = #tpu.dot_dimension_numbers<[1], [0], [0], [1], [0, 0, 1, 1], [], []>, transpose_lhs_hint = false} : vector<256x128xbf16>, vector<128x64xbf16>, vector<256x64xf32> -> vector<256x64xf32>
    %get3A_37 = arith.constant 0 : index
    %get3A_38 = arith.constant 0 : index
    %get3A_39 = vector.load %arg4[%get3A_37, %get3A_38] : memref<1x64xf32, #tpu.memory_space<vmem>>, vector<1x64xf32>
    %get3A_40 = arith.constant 0 : index
    %get3A_41 = arith.constant 0 : index
    %get3A_42 = vector.load %arg5[%get3A_40, %get3A_41] : memref<1x64xf32, #tpu.memory_space<vmem>>, vector<1x64xf32>
    %mul3A_43 = vector.broadcast %get3A_39 : vector<1x64xf32> to vector<256x64xf32>
    %mul3A_44 = arith.mulf %mul3A_43, %dot_general3A_36 : vector<256x64xf32>
    %div3A_45 = arith.constant 1.00000501 : f32
    %div3A_46 = vector.broadcast %div3A_45 : f32 to vector<256x64xf32>
    %div3A_47 = arith.divf %mul3A_44, %div3A_46 : vector<256x64xf32>
    %add3A_48 = vector.broadcast %get3A_42 : vector<1x64xf32> to vector<256x64xf32>
    %add3A_49 = arith.addf %div3A_47, %add3A_48 : vector<256x64xf32>
    %ge3A_50 = arith.constant 0.000000e+00 : f32
    %ge3A_51 = vector.broadcast %ge3A_50 : f32 to vector<256x64xf32>
    %ge3A_52 = arith.cmpf oge, %add3A_49, %ge3A_51 : vector<256x64xf32>
    %mul3A_53 = arith.constant 2.000000e-01 : f32
    %mul3A_54 = vector.broadcast %mul3A_53 : f32 to vector<256x64xf32>
    %mul3A_55 = arith.mulf %mul3A_54, %add3A_49 : vector<256x64xf32>
    %select_n3A_56 = arith.select %ge3A_52, %add3A_49, %mul3A_55 : vector<256x64xi1>, vector<256x64xf32>
    %max3A = arith.maximumf %select_n3A, %select_n3A_56 : vector<256x64xf32>
    %get3A_57 = arith.constant 2 : index
    %get3A_58 = arith.constant 0 : index
    %get3A_59 = arith.constant 0 : index
    %get3A_60 = vector.load %arg1[%get3A_57, %get3A_58, %get3A_59] : memref<10x256x128xf32, #tpu.memory_space<vmem>>, vector<1x256x128xf32>
    %get3A_61 = vector.shape_cast %get3A_60 : vector<1x256x128xf32> to vector<256x128xf32>
    %slice3A_62 = vector.extract_strided_slice %get3A_61 {offsets = [0, 0], sizes = [256, 64], strides = [1, 1]} : vector<256x128xf32> to vector<256x64xf32>
    %sub3A_63 = arith.subf %slice3A_62, %get3A_1 : vector<256x64xf32>
    %concatenate3A_64 = tpu.concatenate %sub3A_63, %get3A_1 in 1 : vector<256x64xf32>, vector<256x64xf32> -> vector<256x128xf32>
    %convert_element_type3A_65 = arith.truncf %concatenate3A_64 : vector<256x128xf32> to vector<256x128xbf16>
    %dot_general3A_66 = arith.constant dense<0.000000e+00> : vector<256x64xf32>
    %dot_general3A_67 = tpu.matmul %convert_element_type3A_65, %get3A_4, %dot_general3A_66 {dimension_numbers = #tpu.dot_dimension_numbers<[1], [0], [0], [1], [0, 0, 1, 1], [], []>, transpose_lhs_hint = false} : vector<256x128xbf16>, vector<128x64xbf16>, vector<256x64xf32> -> vector<256x64xf32>
    %get3A_68 = arith.constant 0 : index
    %get3A_69 = arith.constant 0 : index
    %get3A_70 = vector.load %arg4[%get3A_68, %get3A_69] : memref<1x64xf32, #tpu.memory_space<vmem>>, vector<1x64xf32>
    %get3A_71 = arith.constant 0 : index
    %get3A_72 = arith.constant 0 : index
    %get3A_73 = vector.load %arg5[%get3A_71, %get3A_72] : memref<1x64xf32, #tpu.memory_space<vmem>>, vector<1x64xf32>
    %mul3A_74 = vector.broadcast %get3A_70 : vector<1x64xf32> to vector<256x64xf32>
    %mul3A_75 = arith.mulf %mul3A_74, %dot_general3A_67 : vector<256x64xf32>
    %div3A_76 = arith.constant 1.00000501 : f32
    %div3A_77 = vector.broadcast %div3A_76 : f32 to vector<256x64xf32>
    %div3A_78 = arith.divf %mul3A_75, %div3A_77 : vector<256x64xf32>
    %add3A_79 = vector.broadcast %get3A_73 : vector<1x64xf32> to vector<256x64xf32>
    %add3A_80 = arith.addf %div3A_78, %add3A_79 : vector<256x64xf32>
    %ge3A_81 = arith.constant 0.000000e+00 : f32
    %ge3A_82 = vector.broadcast %ge3A_81 : f32 to vector<256x64xf32>
    %ge3A_83 = arith.cmpf oge, %add3A_80, %ge3A_82 : vector<256x64xf32>
    %mul3A_84 = arith.constant 2.000000e-01 : f32
    %mul3A_85 = vector.broadcast %mul3A_84 : f32 to vector<256x64xf32>
    %mul3A_86 = arith.mulf %mul3A_85, %add3A_80 : vector<256x64xf32>
    %select_n3A_87 = arith.select %ge3A_83, %add3A_80, %mul3A_86 : vector<256x64xi1>, vector<256x64xf32>
    %max3A_88 = arith.maximumf %max3A, %select_n3A_87 : vector<256x64xf32>
    %get3A_89 = arith.constant 3 : index
    %get3A_90 = arith.constant 0 : index
    %get3A_91 = arith.constant 0 : index
    %get3A_92 = vector.load %arg1[%get3A_89, %get3A_90, %get3A_91] : memref<10x256x128xf32, #tpu.memory_space<vmem>>, vector<1x256x128xf32>
    %get3A_93 = vector.shape_cast %get3A_92 : vector<1x256x128xf32> to vector<256x128xf32>
    %slice3A_94 = vector.extract_strided_slice %get3A_93 {offsets = [0, 0], sizes = [256, 64], strides = [1, 1]} : vector<256x128xf32> to vector<256x64xf32>
    %sub3A_95 = arith.subf %slice3A_94, %get3A_1 : vector<256x64xf32>
    %concatenate3A_96 = tpu.concatenate %sub3A_95, %get3A_1 in 1 : vector<256x64xf32>, vector<256x64xf32> -> vector<256x128xf32>
    %convert_element_type3A_97 = arith.truncf %concatenate3A_96 : vector<256x128xf32> to vector<256x128xbf16>
    %dot_general3A_98 = arith.constant dense<0.000000e+00> : vector<256x64xf32>
    %dot_general3A_99 = tpu.matmul %convert_element_type3A_97, %get3A_4, %dot_general3A_98 {dimension_numbers = #tpu.dot_dimension_numbers<[1], [0], [0], [1], [0, 0, 1, 1], [], []>, transpose_lhs_hint = false} : vector<256x128xbf16>, vector<128x64xbf16>, vector<256x64xf32> -> vector<256x64xf32>
    %get3A_100 = arith.constant 0 : index
    %get3A_101 = arith.constant 0 : index
    %get3A_102 = vector.load %arg4[%get3A_100, %get3A_101] : memref<1x64xf32, #tpu.memory_space<vmem>>, vector<1x64xf32>
    %get3A_103 = arith.constant 0 : index
    %get3A_104 = arith.constant 0 : index
    %get3A_105 = vector.load %arg5[%get3A_103, %get3A_104] : memref<1x64xf32, #tpu.memory_space<vmem>>, vector<1x64xf32>
    %mul3A_106 = vector.broadcast %get3A_102 : vector<1x64xf32> to vector<256x64xf32>
    %mul3A_107 = arith.mulf %mul3A_106, %dot_general3A_99 : vector<256x64xf32>
    %div3A_108 = arith.constant 1.00000501 : f32
    %div3A_109 = vector.broadcast %div3A_108 : f32 to vector<256x64xf32>
    %div3A_110 = arith.divf %mul3A_107, %div3A_109 : vector<256x64xf32>
    %add3A_111 = vector.broadcast %get3A_105 : vector<1x64xf32> to vector<256x64xf32>
    %add3A_112 = arith.addf %div3A_110, %add3A_111 : vector<256x64xf32>
    %ge3A_113 = arith.constant 0.000000e+00 : f32
    %ge3A_114 = vector.broadcast %ge3A_113 : f32 to vector<256x64xf32>
    %ge3A_115 = arith.cmpf oge, %add3A_112, %ge3A_114 : vector<256x64xf32>
    %mul3A_116 = arith.constant 2.000000e-01 : f32
    %mul3A_117 = vector.broadcast %mul3A_116 : f32 to vector<256x64xf32>
    %mul3A_118 = arith.mulf %mul3A_117, %add3A_112 : vector<256x64xf32>
    %select_n3A_119 = arith.select %ge3A_115, %add3A_112, %mul3A_118 : vector<256x64xi1>, vector<256x64xf32>
    %max3A_120 = arith.maximumf %max3A_88, %select_n3A_119 : vector<256x64xf32>
    %get3A_121 = arith.constant 4 : index
    %get3A_122 = arith.constant 0 : index
    %get3A_123 = arith.constant 0 : index
    %get3A_124 = vector.load %arg1[%get3A_121, %get3A_122, %get3A_123] : memref<10x256x128xf32, #tpu.memory_space<vmem>>, vector<1x256x128xf32>
    %get3A_125 = vector.shape_cast %get3A_124 : vector<1x256x128xf32> to vector<256x128xf32>
    %slice3A_126 = vector.extract_strided_slice %get3A_125 {offsets = [0, 0], sizes = [256, 64], strides = [1, 1]} : vector<256x128xf32> to vector<256x64xf32>
    %sub3A_127 = arith.subf %slice3A_126, %get3A_1 : vector<256x64xf32>
    %concatenate3A_128 = tpu.concatenate %sub3A_127, %get3A_1 in 1 : vector<256x64xf32>, vector<256x64xf32> -> vector<256x128xf32>
    %convert_element_type3A_129 = arith.truncf %concatenate3A_128 : vector<256x128xf32> to vector<256x128xbf16>
    %dot_general3A_130 = arith.constant dense<0.000000e+00> : vector<256x64xf32>
    %dot_general3A_131 = tpu.matmul %convert_element_type3A_129, %get3A_4, %dot_general3A_130 {dimension_numbers = #tpu.dot_dimension_numbers<[1], [0], [0], [1], [0, 0, 1, 1], [], []>, transpose_lhs_hint = false} : vector<256x128xbf16>, vector<128x64xbf16>, vector<256x64xf32> -> vector<256x64xf32>
    %get3A_132 = arith.constant 0 : index
    %get3A_133 = arith.constant 0 : index
    %get3A_134 = vector.load %arg4[%get3A_132, %get3A_133] : memref<1x64xf32, #tpu.memory_space<vmem>>, vector<1x64xf32>
    %get3A_135 = arith.constant 0 : index
    %get3A_136 = arith.constant 0 : index
    %get3A_137 = vector.load %arg5[%get3A_135, %get3A_136] : memref<1x64xf32, #tpu.memory_space<vmem>>, vector<1x64xf32>
    %mul3A_138 = vector.broadcast %get3A_134 : vector<1x64xf32> to vector<256x64xf32>
    %mul3A_139 = arith.mulf %mul3A_138, %dot_general3A_131 : vector<256x64xf32>
    %div3A_140 = arith.constant 1.00000501 : f32
    %div3A_141 = vector.broadcast %div3A_140 : f32 to vector<256x64xf32>
    %div3A_142 = arith.divf %mul3A_139, %div3A_141 : vector<256x64xf32>
    %add3A_143 = vector.broadcast %get3A_137 : vector<1x64xf32> to vector<256x64xf32>
    %add3A_144 = arith.addf %div3A_142, %add3A_143 : vector<256x64xf32>
    %ge3A_145 = arith.constant 0.000000e+00 : f32
    %ge3A_146 = vector.broadcast %ge3A_145 : f32 to vector<256x64xf32>
    %ge3A_147 = arith.cmpf oge, %add3A_144, %ge3A_146 : vector<256x64xf32>
    %mul3A_148 = arith.constant 2.000000e-01 : f32
    %mul3A_149 = vector.broadcast %mul3A_148 : f32 to vector<256x64xf32>
    %mul3A_150 = arith.mulf %mul3A_149, %add3A_144 : vector<256x64xf32>
    %select_n3A_151 = arith.select %ge3A_147, %add3A_144, %mul3A_150 : vector<256x64xi1>, vector<256x64xf32>
    %max3A_152 = arith.maximumf %max3A_120, %select_n3A_151 : vector<256x64xf32>
    %get3A_153 = arith.constant 5 : index
    %get3A_154 = arith.constant 0 : index
    %get3A_155 = arith.constant 0 : index
    %get3A_156 = vector.load %arg1[%get3A_153, %get3A_154, %get3A_155] : memref<10x256x128xf32, #tpu.memory_space<vmem>>, vector<1x256x128xf32>
    %get3A_157 = vector.shape_cast %get3A_156 : vector<1x256x128xf32> to vector<256x128xf32>
    %slice3A_158 = vector.extract_strided_slice %get3A_157 {offsets = [0, 0], sizes = [256, 64], strides = [1, 1]} : vector<256x128xf32> to vector<256x64xf32>
    %sub3A_159 = arith.subf %slice3A_158, %get3A_1 : vector<256x64xf32>
    %concatenate3A_160 = tpu.concatenate %sub3A_159, %get3A_1 in 1 : vector<256x64xf32>, vector<256x64xf32> -> vector<256x128xf32>
    %convert_element_type3A_161 = arith.truncf %concatenate3A_160 : vector<256x128xf32> to vector<256x128xbf16>
    %dot_general3A_162 = arith.constant dense<0.000000e+00> : vector<256x64xf32>
    %dot_general3A_163 = tpu.matmul %convert_element_type3A_161, %get3A_4, %dot_general3A_162 {dimension_numbers = #tpu.dot_dimension_numbers<[1], [0], [0], [1], [0, 0, 1, 1], [], []>, transpose_lhs_hint = false} : vector<256x128xbf16>, vector<128x64xbf16>, vector<256x64xf32> -> vector<256x64xf32>
    %get3A_164 = arith.constant 0 : index
    %get3A_165 = arith.constant 0 : index
    %get3A_166 = vector.load %arg4[%get3A_164, %get3A_165] : memref<1x64xf32, #tpu.memory_space<vmem>>, vector<1x64xf32>
    %get3A_167 = arith.constant 0 : index
    %get3A_168 = arith.constant 0 : index
    %get3A_169 = vector.load %arg5[%get3A_167, %get3A_168] : memref<1x64xf32, #tpu.memory_space<vmem>>, vector<1x64xf32>
    %mul3A_170 = vector.broadcast %get3A_166 : vector<1x64xf32> to vector<256x64xf32>
    %mul3A_171 = arith.mulf %mul3A_170, %dot_general3A_163 : vector<256x64xf32>
    %div3A_172 = arith.constant 1.00000501 : f32
    %div3A_173 = vector.broadcast %div3A_172 : f32 to vector<256x64xf32>
    %div3A_174 = arith.divf %mul3A_171, %div3A_173 : vector<256x64xf32>
    %add3A_175 = vector.broadcast %get3A_169 : vector<1x64xf32> to vector<256x64xf32>
    %add3A_176 = arith.addf %div3A_174, %add3A_175 : vector<256x64xf32>
    %ge3A_177 = arith.constant 0.000000e+00 : f32
    %ge3A_178 = vector.broadcast %ge3A_177 : f32 to vector<256x64xf32>
    %ge3A_179 = arith.cmpf oge, %add3A_176, %ge3A_178 : vector<256x64xf32>
    %mul3A_180 = arith.constant 2.000000e-01 : f32
    %mul3A_181 = vector.broadcast %mul3A_180 : f32 to vector<256x64xf32>
    %mul3A_182 = arith.mulf %mul3A_181, %add3A_176 : vector<256x64xf32>
    %select_n3A_183 = arith.select %ge3A_179, %add3A_176, %mul3A_182 : vector<256x64xi1>, vector<256x64xf32>
    %max3A_184 = arith.maximumf %max3A_152, %select_n3A_183 : vector<256x64xf32>
    %get3A_185 = arith.constant 6 : index
    %get3A_186 = arith.constant 0 : index
    %get3A_187 = arith.constant 0 : index
    %get3A_188 = vector.load %arg1[%get3A_185, %get3A_186, %get3A_187] : memref<10x256x128xf32, #tpu.memory_space<vmem>>, vector<1x256x128xf32>
    %get3A_189 = vector.shape_cast %get3A_188 : vector<1x256x128xf32> to vector<256x128xf32>
    %slice3A_190 = vector.extract_strided_slice %get3A_189 {offsets = [0, 0], sizes = [256, 64], strides = [1, 1]} : vector<256x128xf32> to vector<256x64xf32>
    %sub3A_191 = arith.subf %slice3A_190, %get3A_1 : vector<256x64xf32>
    %concatenate3A_192 = tpu.concatenate %sub3A_191, %get3A_1 in 1 : vector<256x64xf32>, vector<256x64xf32> -> vector<256x128xf32>
    %convert_element_type3A_193 = arith.truncf %concatenate3A_192 : vector<256x128xf32> to vector<256x128xbf16>
    %dot_general3A_194 = arith.constant dense<0.000000e+00> : vector<256x64xf32>
    %dot_general3A_195 = tpu.matmul %convert_element_type3A_193, %get3A_4, %dot_general3A_194 {dimension_numbers = #tpu.dot_dimension_numbers<[1], [0], [0], [1], [0, 0, 1, 1], [], []>, transpose_lhs_hint = false} : vector<256x128xbf16>, vector<128x64xbf16>, vector<256x64xf32> -> vector<256x64xf32>
    %get3A_196 = arith.constant 0 : index
    %get3A_197 = arith.constant 0 : index
    %get3A_198 = vector.load %arg4[%get3A_196, %get3A_197] : memref<1x64xf32, #tpu.memory_space<vmem>>, vector<1x64xf32>
    %get3A_199 = arith.constant 0 : index
    %get3A_200 = arith.constant 0 : index
    %get3A_201 = vector.load %arg5[%get3A_199, %get3A_200] : memref<1x64xf32, #tpu.memory_space<vmem>>, vector<1x64xf32>
    %mul3A_202 = vector.broadcast %get3A_198 : vector<1x64xf32> to vector<256x64xf32>
    %mul3A_203 = arith.mulf %mul3A_202, %dot_general3A_195 : vector<256x64xf32>
    %div3A_204 = arith.constant 1.00000501 : f32
    %div3A_205 = vector.broadcast %div3A_204 : f32 to vector<256x64xf32>
    %div3A_206 = arith.divf %mul3A_203, %div3A_205 : vector<256x64xf32>
    %add3A_207 = vector.broadcast %get3A_201 : vector<1x64xf32> to vector<256x64xf32>
    %add3A_208 = arith.addf %div3A_206, %add3A_207 : vector<256x64xf32>
    %ge3A_209 = arith.constant 0.000000e+00 : f32
    %ge3A_210 = vector.broadcast %ge3A_209 : f32 to vector<256x64xf32>
    %ge3A_211 = arith.cmpf oge, %add3A_208, %ge3A_210 : vector<256x64xf32>
    %mul3A_212 = arith.constant 2.000000e-01 : f32
    %mul3A_213 = vector.broadcast %mul3A_212 : f32 to vector<256x64xf32>
    %mul3A_214 = arith.mulf %mul3A_213, %add3A_208 : vector<256x64xf32>
    %select_n3A_215 = arith.select %ge3A_211, %add3A_208, %mul3A_214 : vector<256x64xi1>, vector<256x64xf32>
    %max3A_216 = arith.maximumf %max3A_184, %select_n3A_215 : vector<256x64xf32>
    %get3A_217 = arith.constant 7 : index
    %get3A_218 = arith.constant 0 : index
    %get3A_219 = arith.constant 0 : index
    %get3A_220 = vector.load %arg1[%get3A_217, %get3A_218, %get3A_219] : memref<10x256x128xf32, #tpu.memory_space<vmem>>, vector<1x256x128xf32>
    %get3A_221 = vector.shape_cast %get3A_220 : vector<1x256x128xf32> to vector<256x128xf32>
    %slice3A_222 = vector.extract_strided_slice %get3A_221 {offsets = [0, 0], sizes = [256, 64], strides = [1, 1]} : vector<256x128xf32> to vector<256x64xf32>
    %sub3A_223 = arith.subf %slice3A_222, %get3A_1 : vector<256x64xf32>
    %concatenate3A_224 = tpu.concatenate %sub3A_223, %get3A_1 in 1 : vector<256x64xf32>, vector<256x64xf32> -> vector<256x128xf32>
    %convert_element_type3A_225 = arith.truncf %concatenate3A_224 : vector<256x128xf32> to vector<256x128xbf16>
    %dot_general3A_226 = arith.constant dense<0.000000e+00> : vector<256x64xf32>
    %dot_general3A_227 = tpu.matmul %convert_element_type3A_225, %get3A_4, %dot_general3A_226 {dimension_numbers = #tpu.dot_dimension_numbers<[1], [0], [0], [1], [0, 0, 1, 1], [], []>, transpose_lhs_hint = false} : vector<256x128xbf16>, vector<128x64xbf16>, vector<256x64xf32> -> vector<256x64xf32>
    %get3A_228 = arith.constant 0 : index
    %get3A_229 = arith.constant 0 : index
    %get3A_230 = vector.load %arg4[%get3A_228, %get3A_229] : memref<1x64xf32, #tpu.memory_space<vmem>>, vector<1x64xf32>
    %get3A_231 = arith.constant 0 : index
    %get3A_232 = arith.constant 0 : index
    %get3A_233 = vector.load %arg5[%get3A_231, %get3A_232] : memref<1x64xf32, #tpu.memory_space<vmem>>, vector<1x64xf32>
    %mul3A_234 = vector.broadcast %get3A_230 : vector<1x64xf32> to vector<256x64xf32>
    %mul3A_235 = arith.mulf %mul3A_234, %dot_general3A_227 : vector<256x64xf32>
    %div3A_236 = arith.constant 1.00000501 : f32
    %div3A_237 = vector.broadcast %div3A_236 : f32 to vector<256x64xf32>
    %div3A_238 = arith.divf %mul3A_235, %div3A_237 : vector<256x64xf32>
    %add3A_239 = vector.broadcast %get3A_233 : vector<1x64xf32> to vector<256x64xf32>
    %add3A_240 = arith.addf %div3A_238, %add3A_239 : vector<256x64xf32>
    %ge3A_241 = arith.constant 0.000000e+00 : f32
    %ge3A_242 = vector.broadcast %ge3A_241 : f32 to vector<256x64xf32>
    %ge3A_243 = arith.cmpf oge, %add3A_240, %ge3A_242 : vector<256x64xf32>
    %mul3A_244 = arith.constant 2.000000e-01 : f32
    %mul3A_245 = vector.broadcast %mul3A_244 : f32 to vector<256x64xf32>
    %mul3A_246 = arith.mulf %mul3A_245, %add3A_240 : vector<256x64xf32>
    %select_n3A_247 = arith.select %ge3A_243, %add3A_240, %mul3A_246 : vector<256x64xi1>, vector<256x64xf32>
    %max3A_248 = arith.maximumf %max3A_216, %select_n3A_247 : vector<256x64xf32>
    %get3A_249 = arith.constant 8 : index
    %get3A_250 = arith.constant 0 : index
    %get3A_251 = arith.constant 0 : index
    %get3A_252 = vector.load %arg1[%get3A_249, %get3A_250, %get3A_251] : memref<10x256x128xf32, #tpu.memory_space<vmem>>, vector<1x256x128xf32>
    %get3A_253 = vector.shape_cast %get3A_252 : vector<1x256x128xf32> to vector<256x128xf32>
    %slice3A_254 = vector.extract_strided_slice %get3A_253 {offsets = [0, 0], sizes = [256, 64], strides = [1, 1]} : vector<256x128xf32> to vector<256x64xf32>
    %sub3A_255 = arith.subf %slice3A_254, %get3A_1 : vector<256x64xf32>
    %concatenate3A_256 = tpu.concatenate %sub3A_255, %get3A_1 in 1 : vector<256x64xf32>, vector<256x64xf32> -> vector<256x128xf32>
    %convert_element_type3A_257 = arith.truncf %concatenate3A_256 : vector<256x128xf32> to vector<256x128xbf16>
    %dot_general3A_258 = arith.constant dense<0.000000e+00> : vector<256x64xf32>
    %dot_general3A_259 = tpu.matmul %convert_element_type3A_257, %get3A_4, %dot_general3A_258 {dimension_numbers = #tpu.dot_dimension_numbers<[1], [0], [0], [1], [0, 0, 1, 1], [], []>, transpose_lhs_hint = false} : vector<256x128xbf16>, vector<128x64xbf16>, vector<256x64xf32> -> vector<256x64xf32>
    %get3A_260 = arith.constant 0 : index
    %get3A_261 = arith.constant 0 : index
    %get3A_262 = vector.load %arg4[%get3A_260, %get3A_261] : memref<1x64xf32, #tpu.memory_space<vmem>>, vector<1x64xf32>
    %get3A_263 = arith.constant 0 : index
    %get3A_264 = arith.constant 0 : index
    %get3A_265 = vector.load %arg5[%get3A_263, %get3A_264] : memref<1x64xf32, #tpu.memory_space<vmem>>, vector<1x64xf32>
    %mul3A_266 = vector.broadcast %get3A_262 : vector<1x64xf32> to vector<256x64xf32>
    %mul3A_267 = arith.mulf %mul3A_266, %dot_general3A_259 : vector<256x64xf32>
    %div3A_268 = arith.constant 1.00000501 : f32
    %div3A_269 = vector.broadcast %div3A_268 : f32 to vector<256x64xf32>
    %div3A_270 = arith.divf %mul3A_267, %div3A_269 : vector<256x64xf32>
    %add3A_271 = vector.broadcast %get3A_265 : vector<1x64xf32> to vector<256x64xf32>
    %add3A_272 = arith.addf %div3A_270, %add3A_271 : vector<256x64xf32>
    %ge3A_273 = arith.constant 0.000000e+00 : f32
    %ge3A_274 = vector.broadcast %ge3A_273 : f32 to vector<256x64xf32>
    %ge3A_275 = arith.cmpf oge, %add3A_272, %ge3A_274 : vector<256x64xf32>
    %mul3A_276 = arith.constant 2.000000e-01 : f32
    %mul3A_277 = vector.broadcast %mul3A_276 : f32 to vector<256x64xf32>
    %mul3A_278 = arith.mulf %mul3A_277, %add3A_272 : vector<256x64xf32>
    %select_n3A_279 = arith.select %ge3A_275, %add3A_272, %mul3A_278 : vector<256x64xi1>, vector<256x64xf32>
    %max3A_280 = arith.maximumf %max3A_248, %select_n3A_279 : vector<256x64xf32>
    %get3A_281 = arith.constant 9 : index
    %get3A_282 = arith.constant 0 : index
    %get3A_283 = arith.constant 0 : index
    %get3A_284 = vector.load %arg1[%get3A_281, %get3A_282, %get3A_283] : memref<10x256x128xf32, #tpu.memory_space<vmem>>, vector<1x256x128xf32>
    %get3A_285 = vector.shape_cast %get3A_284 : vector<1x256x128xf32> to vector<256x128xf32>
    %slice3A_286 = vector.extract_strided_slice %get3A_285 {offsets = [0, 0], sizes = [256, 64], strides = [1, 1]} : vector<256x128xf32> to vector<256x64xf32>
    %sub3A_287 = arith.subf %slice3A_286, %get3A_1 : vector<256x64xf32>
    %concatenate3A_288 = tpu.concatenate %sub3A_287, %get3A_1 in 1 : vector<256x64xf32>, vector<256x64xf32> -> vector<256x128xf32>
    %convert_element_type3A_289 = arith.truncf %concatenate3A_288 : vector<256x128xf32> to vector<256x128xbf16>
    %dot_general3A_290 = arith.constant dense<0.000000e+00> : vector<256x64xf32>
    %dot_general3A_291 = tpu.matmul %convert_element_type3A_289, %get3A_4, %dot_general3A_290 {dimension_numbers = #tpu.dot_dimension_numbers<[1], [0], [0], [1], [0, 0, 1, 1], [], []>, transpose_lhs_hint = false} : vector<256x128xbf16>, vector<128x64xbf16>, vector<256x64xf32> -> vector<256x64xf32>
    %get3A_292 = arith.constant 0 : index
    %get3A_293 = arith.constant 0 : index
    %get3A_294 = vector.load %arg4[%get3A_292, %get3A_293] : memref<1x64xf32, #tpu.memory_space<vmem>>, vector<1x64xf32>
    %get3A_295 = arith.constant 0 : index
    %get3A_296 = arith.constant 0 : index
    %get3A_297 = vector.load %arg5[%get3A_295, %get3A_296] : memref<1x64xf32, #tpu.memory_space<vmem>>, vector<1x64xf32>
    %mul3A_298 = vector.broadcast %get3A_294 : vector<1x64xf32> to vector<256x64xf32>
    %mul3A_299 = arith.mulf %mul3A_298, %dot_general3A_291 : vector<256x64xf32>
    %div3A_300 = arith.constant 1.00000501 : f32
    %div3A_301 = vector.broadcast %div3A_300 : f32 to vector<256x64xf32>
    %div3A_302 = arith.divf %mul3A_299, %div3A_301 : vector<256x64xf32>
    %add3A_303 = vector.broadcast %get3A_297 : vector<1x64xf32> to vector<256x64xf32>
    %add3A_304 = arith.addf %div3A_302, %add3A_303 : vector<256x64xf32>
    %ge3A_305 = arith.constant 0.000000e+00 : f32
    %ge3A_306 = vector.broadcast %ge3A_305 : f32 to vector<256x64xf32>
    %ge3A_307 = arith.cmpf oge, %add3A_304, %ge3A_306 : vector<256x64xf32>
    %mul3A_308 = arith.constant 2.000000e-01 : f32
    %mul3A_309 = vector.broadcast %mul3A_308 : f32 to vector<256x64xf32>
    %mul3A_310 = arith.mulf %mul3A_309, %add3A_304 : vector<256x64xf32>
    %select_n3A_311 = arith.select %ge3A_307, %add3A_304, %mul3A_310 : vector<256x64xi1>, vector<256x64xf32>
    %max3A_312 = arith.maximumf %max3A_280, %select_n3A_311 : vector<256x64xf32>
    %swap3A = arith.constant 0 : index
    %swap3A_313 = arith.constant 0 : index
    %swap3A_314 = vector.load %arg6[%swap3A, %swap3A_313] : memref<256x64xf32, #tpu.memory_space<vmem>>, vector<256x64xf32>
    tpu.vector_store %arg6[%swap3A, %swap3A_313], %max3A_312 {strides = array<i32>} : memref<256x64xf32, #tpu.memory_space<vmem>>, vector<256x64xf32>,
    return
  }
  func.func @transform_0(%arg0: i32) -> (i32, i32, i32) {
    %c0_i32 = arith.constant 0 : i32
    %c0_i32_0 = arith.constant 0 : i32
    %c0_i32_1 = arith.constant 0 : i32
    return %c0_i32, %arg0, %c0_i32_0 : i32, i32, i32
  }
  func.func @transform_1(%arg0: i32) -> (i32, i32) {
    %c0_i32 = arith.constant 0 : i32
    %c0_i32_0 = arith.constant 0 : i32
    return %arg0, %c0_i32 : i32, i32
  }
  func.func @transform_2(%arg0: i32) -> (i32, i32) {
    %c0_i32 = arith.constant 0 : i32
    %c0_i32_0 = arith.constant 0 : i32
    %c0_i32_1 = arith.constant 0 : i32
    return %c0_i32, %c0_i32_0 : i32, i32
  }
  func.func @transform_3(%arg0: i32) -> (i32, i32) {
    %c0_i32 = arith.constant 0 : i32
    %c0_i32_0 = arith.constant 0 : i32
    %c0_i32_1 = arith.constant 0 : i32
    return %c0_i32, %c0_i32_0 : i32, i32
  }
  func.func @transform_4(%arg0: i32) -> (i32, i32) {
    %c0_i32 = arith.constant 0 : i32
    %c0_i32_0 = arith.constant 0 : i32
    %c0_i32_1 = arith.constant 0 : i32
    return %c0_i32, %c0_i32_0 : i32, i32
  }
  func.func @transform_5(%arg0: i32) -> (i32, i32) {
    %c0_i32 = arith.constant 0 : i32
    %c0_i32_0 = arith.constant 0 : i32
    return %arg0, %c0_i32 : i32, i32
  }
}

module attributes {stable_mosaic.version = 14 : i64} {
  func.func @_edge_body(%arg0: i32, %arg1: memref<10x256x128xf32, #tpu.memory_space<vmem>>, %arg2: memref<256x64xf32, #tpu.memory_space<vmem>>, %arg3: memref<128x128xbf16, #tpu.memory_space<vmem>>, %arg4: memref<1x128xf32, #tpu.memory_space<vmem>>, %arg5: memref<1x128xf32, #tpu.memory_space<vmem>>, %arg6: memref<256x128xf32, #tpu.memory_space<vmem>>) attributes {dimension_semantics = [#tpu.dimension_semantics<arbitrary>], iteration_bounds = array<i64: 32>, scalar_prefetch = 0 : i64, scratch_operands = 0 : i64, tpu.core_type = #tpu.core_type<tc>, window_params = [{transform_indices = @transform_0, window_bounds = array<i64: 10, 256, 128>}, {transform_indices = @transform_1, window_bounds = array<i64: 256, 64>}, {pipeline_mode = #tpu.pipeline_mode<synchronous>, transform_indices = @transform_2, window_bounds = array<i64: 128, 128>}, {pipeline_mode = #tpu.pipeline_mode<synchronous>, transform_indices = @transform_3, window_bounds = array<i64: 1, 128>}, {pipeline_mode = #tpu.pipeline_mode<synchronous>, transform_indices = @transform_4, window_bounds = array<i64: 1, 128>}, {transform_indices = @transform_5, window_bounds = array<i64: 256, 128>}]} {
    %get3A = arith.constant 0 : index
    %get3A_0 = arith.constant 0 : index
    %get3A_1 = vector.load %arg2[%get3A, %get3A_0] : memref<256x64xf32, #tpu.memory_space<vmem>>, vector<256x64xf32>
    %get3A_2 = arith.constant 0 : index
    %get3A_3 = arith.constant 0 : index
    %get3A_4 = vector.load %arg3[%get3A_2, %get3A_3] : memref<128x128xbf16, #tpu.memory_space<vmem>>, vector<128x128xbf16>
    %get3A_5 = arith.constant 0 : index
    %get3A_6 = arith.constant 0 : index
    %get3A_7 = arith.constant 0 : index
    %get3A_8 = vector.load %arg1[%get3A_5, %get3A_6, %get3A_7] : memref<10x256x128xf32, #tpu.memory_space<vmem>>, vector<1x256x128xf32>
    %get3A_9 = vector.shape_cast %get3A_8 : vector<1x256x128xf32> to vector<256x128xf32>
    %slice3A = vector.extract_strided_slice %get3A_9 {offsets = [0, 0], sizes = [256, 64], strides = [1, 1]} : vector<256x128xf32> to vector<256x64xf32>
    %sub3A = arith.subf %slice3A, %get3A_1 : vector<256x64xf32>
    %concatenate3A = tpu.concatenate %sub3A, %get3A_1 in 1 : vector<256x64xf32>, vector<256x64xf32> -> vector<256x128xf32>
    %convert_element_type3A = arith.truncf %concatenate3A : vector<256x128xf32> to vector<256x128xbf16>
    %dot_general3A = arith.constant dense<0.000000e+00> : vector<256x128xf32>
    %dot_general3A_10 = tpu.matmul %convert_element_type3A, %get3A_4, %dot_general3A {dimension_numbers = #tpu.dot_dimension_numbers<[1], [0], [0], [1], [0, 0, 1, 1], [], []>, transpose_lhs_hint = false} : vector<256x128xbf16>, vector<128x128xbf16>, vector<256x128xf32> -> vector<256x128xf32>
    %get3A_11 = arith.constant 0 : index
    %get3A_12 = arith.constant 0 : index
    %get3A_13 = vector.load %arg4[%get3A_11, %get3A_12] : memref<1x128xf32, #tpu.memory_space<vmem>>, vector<1x128xf32>
    %get3A_14 = arith.constant 0 : index
    %get3A_15 = arith.constant 0 : index
    %get3A_16 = vector.load %arg5[%get3A_14, %get3A_15] : memref<1x128xf32, #tpu.memory_space<vmem>>, vector<1x128xf32>
    %mul3A = vector.broadcast %get3A_13 : vector<1x128xf32> to vector<256x128xf32>
    %mul3A_17 = arith.mulf %mul3A, %dot_general3A_10 : vector<256x128xf32>
    %div3A = arith.constant 1.00000501 : f32
    %div3A_18 = vector.broadcast %div3A : f32 to vector<256x128xf32>
    %div3A_19 = arith.divf %mul3A_17, %div3A_18 : vector<256x128xf32>
    %add3A = vector.broadcast %get3A_16 : vector<1x128xf32> to vector<256x128xf32>
    %add3A_20 = arith.addf %div3A_19, %add3A : vector<256x128xf32>
    %ge3A = arith.constant 0.000000e+00 : f32
    %ge3A_21 = vector.broadcast %ge3A : f32 to vector<256x128xf32>
    %ge3A_22 = arith.cmpf oge, %add3A_20, %ge3A_21 : vector<256x128xf32>
    %mul3A_23 = arith.constant 2.000000e-01 : f32
    %mul3A_24 = vector.broadcast %mul3A_23 : f32 to vector<256x128xf32>
    %mul3A_25 = arith.mulf %mul3A_24, %add3A_20 : vector<256x128xf32>
    %select_n3A = arith.select %ge3A_22, %add3A_20, %mul3A_25 : vector<256x128xi1>, vector<256x128xf32>
    %get3A_26 = arith.constant 1 : index
    %get3A_27 = arith.constant 0 : index
    %get3A_28 = arith.constant 0 : index
    %get3A_29 = vector.load %arg1[%get3A_26, %get3A_27, %get3A_28] : memref<10x256x128xf32, #tpu.memory_space<vmem>>, vector<1x256x128xf32>
    %get3A_30 = vector.shape_cast %get3A_29 : vector<1x256x128xf32> to vector<256x128xf32>
    %slice3A_31 = vector.extract_strided_slice %get3A_30 {offsets = [0, 0], sizes = [256, 64], strides = [1, 1]} : vector<256x128xf32> to vector<256x64xf32>
    %sub3A_32 = arith.subf %slice3A_31, %get3A_1 : vector<256x64xf32>
    %concatenate3A_33 = tpu.concatenate %sub3A_32, %get3A_1 in 1 : vector<256x64xf32>, vector<256x64xf32> -> vector<256x128xf32>
    %convert_element_type3A_34 = arith.truncf %concatenate3A_33 : vector<256x128xf32> to vector<256x128xbf16>
    %dot_general3A_35 = arith.constant dense<0.000000e+00> : vector<256x128xf32>
    %dot_general3A_36 = tpu.matmul %convert_element_type3A_34, %get3A_4, %dot_general3A_35 {dimension_numbers = #tpu.dot_dimension_numbers<[1], [0], [0], [1], [0, 0, 1, 1], [], []>, transpose_lhs_hint = false} : vector<256x128xbf16>, vector<128x128xbf16>, vector<256x128xf32> -> vector<256x128xf32>
    %get3A_37 = arith.constant 0 : index
    %get3A_38 = arith.constant 0 : index
    %get3A_39 = vector.load %arg4[%get3A_37, %get3A_38] : memref<1x128xf32, #tpu.memory_space<vmem>>, vector<1x128xf32>
    %get3A_40 = arith.constant 0 : index
    %get3A_41 = arith.constant 0 : index
    %get3A_42 = vector.load %arg5[%get3A_40, %get3A_41] : memref<1x128xf32, #tpu.memory_space<vmem>>, vector<1x128xf32>
    %mul3A_43 = vector.broadcast %get3A_39 : vector<1x128xf32> to vector<256x128xf32>
    %mul3A_44 = arith.mulf %mul3A_43, %dot_general3A_36 : vector<256x128xf32>
    %div3A_45 = arith.constant 1.00000501 : f32
    %div3A_46 = vector.broadcast %div3A_45 : f32 to vector<256x128xf32>
    %div3A_47 = arith.divf %mul3A_44, %div3A_46 : vector<256x128xf32>
    %add3A_48 = vector.broadcast %get3A_42 : vector<1x128xf32> to vector<256x128xf32>
    %add3A_49 = arith.addf %div3A_47, %add3A_48 : vector<256x128xf32>
    %ge3A_50 = arith.constant 0.000000e+00 : f32
    %ge3A_51 = vector.broadcast %ge3A_50 : f32 to vector<256x128xf32>
    %ge3A_52 = arith.cmpf oge, %add3A_49, %ge3A_51 : vector<256x128xf32>
    %mul3A_53 = arith.constant 2.000000e-01 : f32
    %mul3A_54 = vector.broadcast %mul3A_53 : f32 to vector<256x128xf32>
    %mul3A_55 = arith.mulf %mul3A_54, %add3A_49 : vector<256x128xf32>
    %select_n3A_56 = arith.select %ge3A_52, %add3A_49, %mul3A_55 : vector<256x128xi1>, vector<256x128xf32>
    %max3A = arith.maximumf %select_n3A, %select_n3A_56 : vector<256x128xf32>
    %get3A_57 = arith.constant 2 : index
    %get3A_58 = arith.constant 0 : index
    %get3A_59 = arith.constant 0 : index
    %get3A_60 = vector.load %arg1[%get3A_57, %get3A_58, %get3A_59] : memref<10x256x128xf32, #tpu.memory_space<vmem>>, vector<1x256x128xf32>
    %get3A_61 = vector.shape_cast %get3A_60 : vector<1x256x128xf32> to vector<256x128xf32>
    %slice3A_62 = vector.extract_strided_slice %get3A_61 {offsets = [0, 0], sizes = [256, 64], strides = [1, 1]} : vector<256x128xf32> to vector<256x64xf32>
    %sub3A_63 = arith.subf %slice3A_62, %get3A_1 : vector<256x64xf32>
    %concatenate3A_64 = tpu.concatenate %sub3A_63, %get3A_1 in 1 : vector<256x64xf32>, vector<256x64xf32> -> vector<256x128xf32>
    %convert_element_type3A_65 = arith.truncf %concatenate3A_64 : vector<256x128xf32> to vector<256x128xbf16>
    %dot_general3A_66 = arith.constant dense<0.000000e+00> : vector<256x128xf32>
    %dot_general3A_67 = tpu.matmul %convert_element_type3A_65, %get3A_4, %dot_general3A_66 {dimension_numbers = #tpu.dot_dimension_numbers<[1], [0], [0], [1], [0, 0, 1, 1], [], []>, transpose_lhs_hint = false} : vector<256x128xbf16>, vector<128x128xbf16>, vector<256x128xf32> -> vector<256x128xf32>
    %get3A_68 = arith.constant 0 : index
    %get3A_69 = arith.constant 0 : index
    %get3A_70 = vector.load %arg4[%get3A_68, %get3A_69] : memref<1x128xf32, #tpu.memory_space<vmem>>, vector<1x128xf32>
    %get3A_71 = arith.constant 0 : index
    %get3A_72 = arith.constant 0 : index
    %get3A_73 = vector.load %arg5[%get3A_71, %get3A_72] : memref<1x128xf32, #tpu.memory_space<vmem>>, vector<1x128xf32>
    %mul3A_74 = vector.broadcast %get3A_70 : vector<1x128xf32> to vector<256x128xf32>
    %mul3A_75 = arith.mulf %mul3A_74, %dot_general3A_67 : vector<256x128xf32>
    %div3A_76 = arith.constant 1.00000501 : f32
    %div3A_77 = vector.broadcast %div3A_76 : f32 to vector<256x128xf32>
    %div3A_78 = arith.divf %mul3A_75, %div3A_77 : vector<256x128xf32>
    %add3A_79 = vector.broadcast %get3A_73 : vector<1x128xf32> to vector<256x128xf32>
    %add3A_80 = arith.addf %div3A_78, %add3A_79 : vector<256x128xf32>
    %ge3A_81 = arith.constant 0.000000e+00 : f32
    %ge3A_82 = vector.broadcast %ge3A_81 : f32 to vector<256x128xf32>
    %ge3A_83 = arith.cmpf oge, %add3A_80, %ge3A_82 : vector<256x128xf32>
    %mul3A_84 = arith.constant 2.000000e-01 : f32
    %mul3A_85 = vector.broadcast %mul3A_84 : f32 to vector<256x128xf32>
    %mul3A_86 = arith.mulf %mul3A_85, %add3A_80 : vector<256x128xf32>
    %select_n3A_87 = arith.select %ge3A_83, %add3A_80, %mul3A_86 : vector<256x128xi1>, vector<256x128xf32>
    %max3A_88 = arith.maximumf %max3A, %select_n3A_87 : vector<256x128xf32>
    %get3A_89 = arith.constant 3 : index
    %get3A_90 = arith.constant 0 : index
    %get3A_91 = arith.constant 0 : index
    %get3A_92 = vector.load %arg1[%get3A_89, %get3A_90, %get3A_91] : memref<10x256x128xf32, #tpu.memory_space<vmem>>, vector<1x256x128xf32>
    %get3A_93 = vector.shape_cast %get3A_92 : vector<1x256x128xf32> to vector<256x128xf32>
    %slice3A_94 = vector.extract_strided_slice %get3A_93 {offsets = [0, 0], sizes = [256, 64], strides = [1, 1]} : vector<256x128xf32> to vector<256x64xf32>
    %sub3A_95 = arith.subf %slice3A_94, %get3A_1 : vector<256x64xf32>
    %concatenate3A_96 = tpu.concatenate %sub3A_95, %get3A_1 in 1 : vector<256x64xf32>, vector<256x64xf32> -> vector<256x128xf32>
    %convert_element_type3A_97 = arith.truncf %concatenate3A_96 : vector<256x128xf32> to vector<256x128xbf16>
    %dot_general3A_98 = arith.constant dense<0.000000e+00> : vector<256x128xf32>
    %dot_general3A_99 = tpu.matmul %convert_element_type3A_97, %get3A_4, %dot_general3A_98 {dimension_numbers = #tpu.dot_dimension_numbers<[1], [0], [0], [1], [0, 0, 1, 1], [], []>, transpose_lhs_hint = false} : vector<256x128xbf16>, vector<128x128xbf16>, vector<256x128xf32> -> vector<256x128xf32>
    %get3A_100 = arith.constant 0 : index
    %get3A_101 = arith.constant 0 : index
    %get3A_102 = vector.load %arg4[%get3A_100, %get3A_101] : memref<1x128xf32, #tpu.memory_space<vmem>>, vector<1x128xf32>
    %get3A_103 = arith.constant 0 : index
    %get3A_104 = arith.constant 0 : index
    %get3A_105 = vector.load %arg5[%get3A_103, %get3A_104] : memref<1x128xf32, #tpu.memory_space<vmem>>, vector<1x128xf32>
    %mul3A_106 = vector.broadcast %get3A_102 : vector<1x128xf32> to vector<256x128xf32>
    %mul3A_107 = arith.mulf %mul3A_106, %dot_general3A_99 : vector<256x128xf32>
    %div3A_108 = arith.constant 1.00000501 : f32
    %div3A_109 = vector.broadcast %div3A_108 : f32 to vector<256x128xf32>
    %div3A_110 = arith.divf %mul3A_107, %div3A_109 : vector<256x128xf32>
    %add3A_111 = vector.broadcast %get3A_105 : vector<1x128xf32> to vector<256x128xf32>
    %add3A_112 = arith.addf %div3A_110, %add3A_111 : vector<256x128xf32>
    %ge3A_113 = arith.constant 0.000000e+00 : f32
    %ge3A_114 = vector.broadcast %ge3A_113 : f32 to vector<256x128xf32>
    %ge3A_115 = arith.cmpf oge, %add3A_112, %ge3A_114 : vector<256x128xf32>
    %mul3A_116 = arith.constant 2.000000e-01 : f32
    %mul3A_117 = vector.broadcast %mul3A_116 : f32 to vector<256x128xf32>
    %mul3A_118 = arith.mulf %mul3A_117, %add3A_112 : vector<256x128xf32>
    %select_n3A_119 = arith.select %ge3A_115, %add3A_112, %mul3A_118 : vector<256x128xi1>, vector<256x128xf32>
    %max3A_120 = arith.maximumf %max3A_88, %select_n3A_119 : vector<256x128xf32>
    %get3A_121 = arith.constant 4 : index
    %get3A_122 = arith.constant 0 : index
    %get3A_123 = arith.constant 0 : index
    %get3A_124 = vector.load %arg1[%get3A_121, %get3A_122, %get3A_123] : memref<10x256x128xf32, #tpu.memory_space<vmem>>, vector<1x256x128xf32>
    %get3A_125 = vector.shape_cast %get3A_124 : vector<1x256x128xf32> to vector<256x128xf32>
    %slice3A_126 = vector.extract_strided_slice %get3A_125 {offsets = [0, 0], sizes = [256, 64], strides = [1, 1]} : vector<256x128xf32> to vector<256x64xf32>
    %sub3A_127 = arith.subf %slice3A_126, %get3A_1 : vector<256x64xf32>
    %concatenate3A_128 = tpu.concatenate %sub3A_127, %get3A_1 in 1 : vector<256x64xf32>, vector<256x64xf32> -> vector<256x128xf32>
    %convert_element_type3A_129 = arith.truncf %concatenate3A_128 : vector<256x128xf32> to vector<256x128xbf16>
    %dot_general3A_130 = arith.constant dense<0.000000e+00> : vector<256x128xf32>
    %dot_general3A_131 = tpu.matmul %convert_element_type3A_129, %get3A_4, %dot_general3A_130 {dimension_numbers = #tpu.dot_dimension_numbers<[1], [0], [0], [1], [0, 0, 1, 1], [], []>, transpose_lhs_hint = false} : vector<256x128xbf16>, vector<128x128xbf16>, vector<256x128xf32> -> vector<256x128xf32>
    %get3A_132 = arith.constant 0 : index
    %get3A_133 = arith.constant 0 : index
    %get3A_134 = vector.load %arg4[%get3A_132, %get3A_133] : memref<1x128xf32, #tpu.memory_space<vmem>>, vector<1x128xf32>
    %get3A_135 = arith.constant 0 : index
    %get3A_136 = arith.constant 0 : index
    %get3A_137 = vector.load %arg5[%get3A_135, %get3A_136] : memref<1x128xf32, #tpu.memory_space<vmem>>, vector<1x128xf32>
    %mul3A_138 = vector.broadcast %get3A_134 : vector<1x128xf32> to vector<256x128xf32>
    %mul3A_139 = arith.mulf %mul3A_138, %dot_general3A_131 : vector<256x128xf32>
    %div3A_140 = arith.constant 1.00000501 : f32
    %div3A_141 = vector.broadcast %div3A_140 : f32 to vector<256x128xf32>
    %div3A_142 = arith.divf %mul3A_139, %div3A_141 : vector<256x128xf32>
    %add3A_143 = vector.broadcast %get3A_137 : vector<1x128xf32> to vector<256x128xf32>
    %add3A_144 = arith.addf %div3A_142, %add3A_143 : vector<256x128xf32>
    %ge3A_145 = arith.constant 0.000000e+00 : f32
    %ge3A_146 = vector.broadcast %ge3A_145 : f32 to vector<256x128xf32>
    %ge3A_147 = arith.cmpf oge, %add3A_144, %ge3A_146 : vector<256x128xf32>
    %mul3A_148 = arith.constant 2.000000e-01 : f32
    %mul3A_149 = vector.broadcast %mul3A_148 : f32 to vector<256x128xf32>
    %mul3A_150 = arith.mulf %mul3A_149, %add3A_144 : vector<256x128xf32>
    %select_n3A_151 = arith.select %ge3A_147, %add3A_144, %mul3A_150 : vector<256x128xi1>, vector<256x128xf32>
    %max3A_152 = arith.maximumf %max3A_120, %select_n3A_151 : vector<256x128xf32>
    %get3A_153 = arith.constant 5 : index
    %get3A_154 = arith.constant 0 : index
    %get3A_155 = arith.constant 0 : index
    %get3A_156 = vector.load %arg1[%get3A_153, %get3A_154, %get3A_155] : memref<10x256x128xf32, #tpu.memory_space<vmem>>, vector<1x256x128xf32>
    %get3A_157 = vector.shape_cast %get3A_156 : vector<1x256x128xf32> to vector<256x128xf32>
    %slice3A_158 = vector.extract_strided_slice %get3A_157 {offsets = [0, 0], sizes = [256, 64], strides = [1, 1]} : vector<256x128xf32> to vector<256x64xf32>
    %sub3A_159 = arith.subf %slice3A_158, %get3A_1 : vector<256x64xf32>
    %concatenate3A_160 = tpu.concatenate %sub3A_159, %get3A_1 in 1 : vector<256x64xf32>, vector<256x64xf32> -> vector<256x128xf32>
    %convert_element_type3A_161 = arith.truncf %concatenate3A_160 : vector<256x128xf32> to vector<256x128xbf16>
    %dot_general3A_162 = arith.constant dense<0.000000e+00> : vector<256x128xf32>
    %dot_general3A_163 = tpu.matmul %convert_element_type3A_161, %get3A_4, %dot_general3A_162 {dimension_numbers = #tpu.dot_dimension_numbers<[1], [0], [0], [1], [0, 0, 1, 1], [], []>, transpose_lhs_hint = false} : vector<256x128xbf16>, vector<128x128xbf16>, vector<256x128xf32> -> vector<256x128xf32>
    %get3A_164 = arith.constant 0 : index
    %get3A_165 = arith.constant 0 : index
    %get3A_166 = vector.load %arg4[%get3A_164, %get3A_165] : memref<1x128xf32, #tpu.memory_space<vmem>>, vector<1x128xf32>
    %get3A_167 = arith.constant 0 : index
    %get3A_168 = arith.constant 0 : index
    %get3A_169 = vector.load %arg5[%get3A_167, %get3A_168] : memref<1x128xf32, #tpu.memory_space<vmem>>, vector<1x128xf32>
    %mul3A_170 = vector.broadcast %get3A_166 : vector<1x128xf32> to vector<256x128xf32>
    %mul3A_171 = arith.mulf %mul3A_170, %dot_general3A_163 : vector<256x128xf32>
    %div3A_172 = arith.constant 1.00000501 : f32
    %div3A_173 = vector.broadcast %div3A_172 : f32 to vector<256x128xf32>
    %div3A_174 = arith.divf %mul3A_171, %div3A_173 : vector<256x128xf32>
    %add3A_175 = vector.broadcast %get3A_169 : vector<1x128xf32> to vector<256x128xf32>
    %add3A_176 = arith.addf %div3A_174, %add3A_175 : vector<256x128xf32>
    %ge3A_177 = arith.constant 0.000000e+00 : f32
    %ge3A_178 = vector.broadcast %ge3A_177 : f32 to vector<256x128xf32>
    %ge3A_179 = arith.cmpf oge, %add3A_176, %ge3A_178 : vector<256x128xf32>
    %mul3A_180 = arith.constant 2.000000e-01 : f32
    %mul3A_181 = vector.broadcast %mul3A_180 : f32 to vector<256x128xf32>
    %mul3A_182 = arith.mulf %mul3A_181, %add3A_176 : vector<256x128xf32>
    %select_n3A_183 = arith.select %ge3A_179, %add3A_176, %mul3A_182 : vector<256x128xi1>, vector<256x128xf32>
    %max3A_184 = arith.maximumf %max3A_152, %select_n3A_183 : vector<256x128xf32>
    %get3A_185 = arith.constant 6 : index
    %get3A_186 = arith.constant 0 : index
    %get3A_187 = arith.constant 0 : index
    %get3A_188 = vector.load %arg1[%get3A_185, %get3A_186, %get3A_187] : memref<10x256x128xf32, #tpu.memory_space<vmem>>, vector<1x256x128xf32>
    %get3A_189 = vector.shape_cast %get3A_188 : vector<1x256x128xf32> to vector<256x128xf32>
    %slice3A_190 = vector.extract_strided_slice %get3A_189 {offsets = [0, 0], sizes = [256, 64], strides = [1, 1]} : vector<256x128xf32> to vector<256x64xf32>
    %sub3A_191 = arith.subf %slice3A_190, %get3A_1 : vector<256x64xf32>
    %concatenate3A_192 = tpu.concatenate %sub3A_191, %get3A_1 in 1 : vector<256x64xf32>, vector<256x64xf32> -> vector<256x128xf32>
    %convert_element_type3A_193 = arith.truncf %concatenate3A_192 : vector<256x128xf32> to vector<256x128xbf16>
    %dot_general3A_194 = arith.constant dense<0.000000e+00> : vector<256x128xf32>
    %dot_general3A_195 = tpu.matmul %convert_element_type3A_193, %get3A_4, %dot_general3A_194 {dimension_numbers = #tpu.dot_dimension_numbers<[1], [0], [0], [1], [0, 0, 1, 1], [], []>, transpose_lhs_hint = false} : vector<256x128xbf16>, vector<128x128xbf16>, vector<256x128xf32> -> vector<256x128xf32>
    %get3A_196 = arith.constant 0 : index
    %get3A_197 = arith.constant 0 : index
    %get3A_198 = vector.load %arg4[%get3A_196, %get3A_197] : memref<1x128xf32, #tpu.memory_space<vmem>>, vector<1x128xf32>
    %get3A_199 = arith.constant 0 : index
    %get3A_200 = arith.constant 0 : index
    %get3A_201 = vector.load %arg5[%get3A_199, %get3A_200] : memref<1x128xf32, #tpu.memory_space<vmem>>, vector<1x128xf32>
    %mul3A_202 = vector.broadcast %get3A_198 : vector<1x128xf32> to vector<256x128xf32>
    %mul3A_203 = arith.mulf %mul3A_202, %dot_general3A_195 : vector<256x128xf32>
    %div3A_204 = arith.constant 1.00000501 : f32
    %div3A_205 = vector.broadcast %div3A_204 : f32 to vector<256x128xf32>
    %div3A_206 = arith.divf %mul3A_203, %div3A_205 : vector<256x128xf32>
    %add3A_207 = vector.broadcast %get3A_201 : vector<1x128xf32> to vector<256x128xf32>
    %add3A_208 = arith.addf %div3A_206, %add3A_207 : vector<256x128xf32>
    %ge3A_209 = arith.constant 0.000000e+00 : f32
    %ge3A_210 = vector.broadcast %ge3A_209 : f32 to vector<256x128xf32>
    %ge3A_211 = arith.cmpf oge, %add3A_208, %ge3A_210 : vector<256x128xf32>
    %mul3A_212 = arith.constant 2.000000e-01 : f32
    %mul3A_213 = vector.broadcast %mul3A_212 : f32 to vector<256x128xf32>
    %mul3A_214 = arith.mulf %mul3A_213, %add3A_208 : vector<256x128xf32>
    %select_n3A_215 = arith.select %ge3A_211, %add3A_208, %mul3A_214 : vector<256x128xi1>, vector<256x128xf32>
    %max3A_216 = arith.maximumf %max3A_184, %select_n3A_215 : vector<256x128xf32>
    %get3A_217 = arith.constant 7 : index
    %get3A_218 = arith.constant 0 : index
    %get3A_219 = arith.constant 0 : index
    %get3A_220 = vector.load %arg1[%get3A_217, %get3A_218, %get3A_219] : memref<10x256x128xf32, #tpu.memory_space<vmem>>, vector<1x256x128xf32>
    %get3A_221 = vector.shape_cast %get3A_220 : vector<1x256x128xf32> to vector<256x128xf32>
    %slice3A_222 = vector.extract_strided_slice %get3A_221 {offsets = [0, 0], sizes = [256, 64], strides = [1, 1]} : vector<256x128xf32> to vector<256x64xf32>
    %sub3A_223 = arith.subf %slice3A_222, %get3A_1 : vector<256x64xf32>
    %concatenate3A_224 = tpu.concatenate %sub3A_223, %get3A_1 in 1 : vector<256x64xf32>, vector<256x64xf32> -> vector<256x128xf32>
    %convert_element_type3A_225 = arith.truncf %concatenate3A_224 : vector<256x128xf32> to vector<256x128xbf16>
    %dot_general3A_226 = arith.constant dense<0.000000e+00> : vector<256x128xf32>
    %dot_general3A_227 = tpu.matmul %convert_element_type3A_225, %get3A_4, %dot_general3A_226 {dimension_numbers = #tpu.dot_dimension_numbers<[1], [0], [0], [1], [0, 0, 1, 1], [], []>, transpose_lhs_hint = false} : vector<256x128xbf16>, vector<128x128xbf16>, vector<256x128xf32> -> vector<256x128xf32>
    %get3A_228 = arith.constant 0 : index
    %get3A_229 = arith.constant 0 : index
    %get3A_230 = vector.load %arg4[%get3A_228, %get3A_229] : memref<1x128xf32, #tpu.memory_space<vmem>>, vector<1x128xf32>
    %get3A_231 = arith.constant 0 : index
    %get3A_232 = arith.constant 0 : index
    %get3A_233 = vector.load %arg5[%get3A_231, %get3A_232] : memref<1x128xf32, #tpu.memory_space<vmem>>, vector<1x128xf32>
    %mul3A_234 = vector.broadcast %get3A_230 : vector<1x128xf32> to vector<256x128xf32>
    %mul3A_235 = arith.mulf %mul3A_234, %dot_general3A_227 : vector<256x128xf32>
    %div3A_236 = arith.constant 1.00000501 : f32
    %div3A_237 = vector.broadcast %div3A_236 : f32 to vector<256x128xf32>
    %div3A_238 = arith.divf %mul3A_235, %div3A_237 : vector<256x128xf32>
    %add3A_239 = vector.broadcast %get3A_233 : vector<1x128xf32> to vector<256x128xf32>
    %add3A_240 = arith.addf %div3A_238, %add3A_239 : vector<256x128xf32>
    %ge3A_241 = arith.constant 0.000000e+00 : f32
    %ge3A_242 = vector.broadcast %ge3A_241 : f32 to vector<256x128xf32>
    %ge3A_243 = arith.cmpf oge, %add3A_240, %ge3A_242 : vector<256x128xf32>
    %mul3A_244 = arith.constant 2.000000e-01 : f32
    %mul3A_245 = vector.broadcast %mul3A_244 : f32 to vector<256x128xf32>
    %mul3A_246 = arith.mulf %mul3A_245, %add3A_240 : vector<256x128xf32>
    %select_n3A_247 = arith.select %ge3A_243, %add3A_240, %mul3A_246 : vector<256x128xi1>, vector<256x128xf32>
    %max3A_248 = arith.maximumf %max3A_216, %select_n3A_247 : vector<256x128xf32>
    %get3A_249 = arith.constant 8 : index
    %get3A_250 = arith.constant 0 : index
    %get3A_251 = arith.constant 0 : index
    %get3A_252 = vector.load %arg1[%get3A_249, %get3A_250, %get3A_251] : memref<10x256x128xf32, #tpu.memory_space<vmem>>, vector<1x256x128xf32>
    %get3A_253 = vector.shape_cast %get3A_252 : vector<1x256x128xf32> to vector<256x128xf32>
    %slice3A_254 = vector.extract_strided_slice %get3A_253 {offsets = [0, 0], sizes = [256, 64], strides = [1, 1]} : vector<256x128xf32> to vector<256x64xf32>
    %sub3A_255 = arith.subf %slice3A_254, %get3A_1 : vector<256x64xf32>
    %concatenate3A_256 = tpu.concatenate %sub3A_255, %get3A_1 in 1 : vector<256x64xf32>, vector<256x64xf32> -> vector<256x128xf32>
    %convert_element_type3A_257 = arith.truncf %concatenate3A_256 : vector<256x128xf32> to vector<256x128xbf16>
    %dot_general3A_258 = arith.constant dense<0.000000e+00> : vector<256x128xf32>
    %dot_general3A_259 = tpu.matmul %convert_element_type3A_257, %get3A_4, %dot_general3A_258 {dimension_numbers = #tpu.dot_dimension_numbers<[1], [0], [0], [1], [0, 0, 1, 1], [], []>, transpose_lhs_hint = false} : vector<256x128xbf16>, vector<128x128xbf16>, vector<256x128xf32> -> vector<256x128xf32>
    %get3A_260 = arith.constant 0 : index
    %get3A_261 = arith.constant 0 : index
    %get3A_262 = vector.load %arg4[%get3A_260, %get3A_261] : memref<1x128xf32, #tpu.memory_space<vmem>>, vector<1x128xf32>
    %get3A_263 = arith.constant 0 : index
    %get3A_264 = arith.constant 0 : index
    %get3A_265 = vector.load %arg5[%get3A_263, %get3A_264] : memref<1x128xf32, #tpu.memory_space<vmem>>, vector<1x128xf32>
    %mul3A_266 = vector.broadcast %get3A_262 : vector<1x128xf32> to vector<256x128xf32>
    %mul3A_267 = arith.mulf %mul3A_266, %dot_general3A_259 : vector<256x128xf32>
    %div3A_268 = arith.constant 1.00000501 : f32
    %div3A_269 = vector.broadcast %div3A_268 : f32 to vector<256x128xf32>
    %div3A_270 = arith.divf %mul3A_267, %div3A_269 : vector<256x128xf32>
    %add3A_271 = vector.broadcast %get3A_265 : vector<1x128xf32> to vector<256x128xf32>
    %add3A_272 = arith.addf %div3A_270, %add3A_271 : vector<256x128xf32>
    %ge3A_273 = arith.constant 0.000000e+00 : f32
    %ge3A_274 = vector.broadcast %ge3A_273 : f32 to vector<256x128xf32>
    %ge3A_275 = arith.cmpf oge, %add3A_272, %ge3A_274 : vector<256x128xf32>
    %mul3A_276 = arith.constant 2.000000e-01 : f32
    %mul3A_277 = vector.broadcast %mul3A_276 : f32 to vector<256x128xf32>
    %mul3A_278 = arith.mulf %mul3A_277, %add3A_272 : vector<256x128xf32>
    %select_n3A_279 = arith.select %ge3A_275, %add3A_272, %mul3A_278 : vector<256x128xi1>, vector<256x128xf32>
    %max3A_280 = arith.maximumf %max3A_248, %select_n3A_279 : vector<256x128xf32>
    %get3A_281 = arith.constant 9 : index
    %get3A_282 = arith.constant 0 : index
    %get3A_283 = arith.constant 0 : index
    %get3A_284 = vector.load %arg1[%get3A_281, %get3A_282, %get3A_283] : memref<10x256x128xf32, #tpu.memory_space<vmem>>, vector<1x256x128xf32>
    %get3A_285 = vector.shape_cast %get3A_284 : vector<1x256x128xf32> to vector<256x128xf32>
    %slice3A_286 = vector.extract_strided_slice %get3A_285 {offsets = [0, 0], sizes = [256, 64], strides = [1, 1]} : vector<256x128xf32> to vector<256x64xf32>
    %sub3A_287 = arith.subf %slice3A_286, %get3A_1 : vector<256x64xf32>
    %concatenate3A_288 = tpu.concatenate %sub3A_287, %get3A_1 in 1 : vector<256x64xf32>, vector<256x64xf32> -> vector<256x128xf32>
    %convert_element_type3A_289 = arith.truncf %concatenate3A_288 : vector<256x128xf32> to vector<256x128xbf16>
    %dot_general3A_290 = arith.constant dense<0.000000e+00> : vector<256x128xf32>
    %dot_general3A_291 = tpu.matmul %convert_element_type3A_289, %get3A_4, %dot_general3A_290 {dimension_numbers = #tpu.dot_dimension_numbers<[1], [0], [0], [1], [0, 0, 1, 1], [], []>, transpose_lhs_hint = false} : vector<256x128xbf16>, vector<128x128xbf16>, vector<256x128xf32> -> vector<256x128xf32>
    %get3A_292 = arith.constant 0 : index
    %get3A_293 = arith.constant 0 : index
    %get3A_294 = vector.load %arg4[%get3A_292, %get3A_293] : memref<1x128xf32, #tpu.memory_space<vmem>>, vector<1x128xf32>
    %get3A_295 = arith.constant 0 : index
    %get3A_296 = arith.constant 0 : index
    %get3A_297 = vector.load %arg5[%get3A_295, %get3A_296] : memref<1x128xf32, #tpu.memory_space<vmem>>, vector<1x128xf32>
    %mul3A_298 = vector.broadcast %get3A_294 : vector<1x128xf32> to vector<256x128xf32>
    %mul3A_299 = arith.mulf %mul3A_298, %dot_general3A_291 : vector<256x128xf32>
    %div3A_300 = arith.constant 1.00000501 : f32
    %div3A_301 = vector.broadcast %div3A_300 : f32 to vector<256x128xf32>
    %div3A_302 = arith.divf %mul3A_299, %div3A_301 : vector<256x128xf32>
    %add3A_303 = vector.broadcast %get3A_297 : vector<1x128xf32> to vector<256x128xf32>
    %add3A_304 = arith.addf %div3A_302, %add3A_303 : vector<256x128xf32>
    %ge3A_305 = arith.constant 0.000000e+00 : f32
    %ge3A_306 = vector.broadcast %ge3A_305 : f32 to vector<256x128xf32>
    %ge3A_307 = arith.cmpf oge, %add3A_304, %ge3A_306 : vector<256x128xf32>
    %mul3A_308 = arith.constant 2.000000e-01 : f32
    %mul3A_309 = vector.broadcast %mul3A_308 : f32 to vector<256x128xf32>
    %mul3A_310 = arith.mulf %mul3A_309, %add3A_304 : vector<256x128xf32>
    %select_n3A_311 = arith.select %ge3A_307, %add3A_304, %mul3A_310 : vector<256x128xi1>, vector<256x128xf32>
    %max3A_312 = arith.maximumf %max3A_280, %select_n3A_311 : vector<256x128xf32>
    %swap3A = arith.constant 0 : index
    %swap3A_313 = arith.constant 0 : index
    %swap3A_314 = vector.load %arg6[%swap3A, %swap3A_313] : memref<256x128xf32, #tpu.memory_space<vmem>>, vector<256x128xf32>
    tpu.vector_store %arg6[%swap3A, %swap3A_313], %max3A_312 {strides = array<i32>} : memref<256x128xf32, #tpu.memory_space<vmem>>, vector<256x128xf32>,
    return
  }
  func.func @transform_0(%arg0: i32) -> (i32, i32, i32) {
    %c0_i32 = arith.constant 0 : i32
    %c0_i32_0 = arith.constant 0 : i32
    %c0_i32_1 = arith.constant 0 : i32
    return %c0_i32, %arg0, %c0_i32_0 : i32, i32, i32
  }
  func.func @transform_1(%arg0: i32) -> (i32, i32) {
    %c0_i32 = arith.constant 0 : i32
    %c0_i32_0 = arith.constant 0 : i32
    return %arg0, %c0_i32 : i32, i32
  }
  func.func @transform_2(%arg0: i32) -> (i32, i32) {
    %c0_i32 = arith.constant 0 : i32
    %c0_i32_0 = arith.constant 0 : i32
    %c0_i32_1 = arith.constant 0 : i32
    return %c0_i32, %c0_i32_0 : i32, i32
  }
  func.func @transform_3(%arg0: i32) -> (i32, i32) {
    %c0_i32 = arith.constant 0 : i32
    %c0_i32_0 = arith.constant 0 : i32
    %c0_i32_1 = arith.constant 0 : i32
    return %c0_i32, %c0_i32_0 : i32, i32
  }
  func.func @transform_4(%arg0: i32) -> (i32, i32) {
    %c0_i32 = arith.constant 0 : i32
    %c0_i32_0 = arith.constant 0 : i32
    %c0_i32_1 = arith.constant 0 : i32
    return %c0_i32, %c0_i32_0 : i32, i32
  }
  func.func @transform_5(%arg0: i32) -> (i32, i32) {
    %c0_i32 = arith.constant 0 : i32
    %c0_i32_0 = arith.constant 0 : i32
    return %arg0, %c0_i32 : i32, i32
  }
}

module attributes {stable_mosaic.version = 14 : i64} {
  func.func @_knn_body(%arg0: i32, %arg1: i32, %arg2: memref<1x256x128xf32, #tpu.memory_space<vmem>>, %arg3: memref<1x128x4096xf32, #tpu.memory_space<vmem>>, %arg4: memref<1x256x10xi32, #tpu.memory_space<vmem>>) attributes {dimension_semantics = [#tpu.dimension_semantics<arbitrary>, #tpu.dimension_semantics<arbitrary>], iteration_bounds = array<i64: 2, 16>, scalar_prefetch = 0 : i64, scratch_operands = 0 : i64, tpu.core_type = #tpu.core_type<tc>, window_params = [{transform_indices = @transform_0, window_bounds = array<i64: 1, 256, 128>}, {transform_indices = @transform_1, window_bounds = array<i64: 1, 128, 4096>}, {transform_indices = @transform_2, window_bounds = array<i64: 1, 256, 10>}]} {
    %get3A = arith.constant 0 : index
    %get3A_0 = arith.constant 0 : index
    %get3A_1 = arith.constant 0 : index
    %get3A_2 = vector.load %arg2[%get3A, %get3A_0, %get3A_1] : memref<1x256x128xf32, #tpu.memory_space<vmem>>, vector<1x256x128xf32>
    %get3A_3 = vector.shape_cast %get3A_2 : vector<1x256x128xf32> to vector<256x128xf32>
    %get3A_4 = arith.constant 0 : index
    %get3A_5 = arith.constant 0 : index
    %get3A_6 = arith.constant 0 : index
    %get3A_7 = vector.load %arg3[%get3A_4, %get3A_5, %get3A_6] : memref<1x128x4096xf32, #tpu.memory_space<vmem>>, vector<1x128x4096xf32>
    %get3A_8 = vector.shape_cast %get3A_7 : vector<1x128x4096xf32> to vector<128x4096xf32>
    %convert_element_type3A = arith.truncf %get3A_3 : vector<256x128xf32> to vector<256x128xbf16>
    %convert_element_type3A_9 = arith.truncf %get3A_8 : vector<128x4096xf32> to vector<128x4096xbf16>
    %dot_general3A = arith.constant dense<0.000000e+00> : vector<256x4096xf32>
    %dot_general3A_10 = tpu.matmul %convert_element_type3A, %convert_element_type3A_9, %dot_general3A {dimension_numbers = #tpu.dot_dimension_numbers<[1], [0], [0], [1], [0, 0, 1, 1], [], []>, transpose_lhs_hint = false} : vector<256x128xbf16>, vector<128x4096xbf16>, vector<256x4096xf32> -> vector<256x4096xf32>
    %mul3A = arith.mulf %get3A_3, %get3A_3 : vector<256x128xf32>
    %reduce_sum3A = arith.constant dense<0.000000e+00> : vector<256xf32>
    %reduce_sum3A_11 = vector.multi_reduction <add>, %mul3A, %reduce_sum3A [1] : vector<256x128xf32> to vector<256xf32>
    %broadcast_in_dim3A = vector.shape_cast %reduce_sum3A_11 : vector<256xf32> to vector<256x1xf32>
    %mul3A_12 = arith.mulf %get3A_8, %get3A_8 : vector<128x4096xf32>
    %reduce_sum3A_13 = arith.constant dense<0.000000e+00> : vector<4096xf32>
    %reduce_sum3A_14 = vector.multi_reduction <add>, %mul3A_12, %reduce_sum3A_13 [0] : vector<128x4096xf32> to vector<4096xf32>
    %broadcast_in_dim3A_15 = vector.shape_cast %reduce_sum3A_14 : vector<4096xf32> to vector<1x4096xf32>
    %neg3A = arith.constant 0.000000e+00 : f32
    %neg3A_16 = vector.broadcast %neg3A : f32 to vector<256x1xf32>
    %neg3A_17 = arith.subf %neg3A_16, %broadcast_in_dim3A : vector<256x1xf32>
    %mul3A_18 = arith.constant -2.000000e+00 : f32
    %mul3A_19 = vector.broadcast %mul3A_18 : f32 to vector<256x4096xf32>
    %mul3A_20 = arith.mulf %mul3A_19, %dot_general3A_10 : vector<256x4096xf32>
    %sub3A = vector.broadcast %neg3A_17 : vector<256x1xf32> to vector<256x4096xf32>
    %sub3A_21 = arith.subf %sub3A, %mul3A_20 : vector<256x4096xf32>
    %sub3A_22 = vector.broadcast %broadcast_in_dim3A_15 : vector<1x4096xf32> to vector<256x4096xf32>
    %sub3A_23 = arith.subf %sub3A_21, %sub3A_22 : vector<256x4096xf32>
    %iota3A = tpu.iota {dimensions = array<i32: 1>} : vector<256x4096xi32>
    %convert_element_type3A_24 = arith.sitofp %iota3A : vector<256x4096xi32> to vector<256x4096xf32>
    %reduce_max3A = arith.constant dense<0xFF800000> : vector<256xf32>
    %reduce_max3A_25 = vector.multi_reduction <maximumf>, %sub3A_23, %reduce_max3A [1] : vector<256x4096xf32> to vector<256xf32>
    %broadcast_in_dim3A_26 = vector.shape_cast %reduce_max3A_25 : vector<256xf32> to vector<256x1xf32>
    %ge3A = vector.broadcast %broadcast_in_dim3A_26 : vector<256x1xf32> to vector<256x4096xf32>
    %ge3A_27 = arith.cmpf oge, %sub3A_23, %ge3A : vector<256x4096xf32>
    %jit3A = arith.constant 4.096000e+03 : f32
    %broadcast_in_dim3A_28 = vector.broadcast %jit3A : f32 to vector<256x4096xf32>
    %select_n3A = arith.select %ge3A_27, %convert_element_type3A_24, %broadcast_in_dim3A_28 : vector<256x4096xi1>, vector<256x4096xf32>
    %reduce_min3A = arith.constant dense<0x7F800000> : vector<256xf32>
    %reduce_min3A_29 = vector.multi_reduction <minimumf>, %select_n3A, %reduce_min3A [1] : vector<256x4096xf32> to vector<256xf32>
    %broadcast_in_dim3A_30 = vector.shape_cast %reduce_min3A_29 : vector<256xf32> to vector<256x1xf32>
    %jit3A_31 = arith.constant -3.000000e+38 : f32
    %broadcast_in_dim3A_32 = vector.broadcast %jit3A_31 : f32 to vector<256x4096xf32>
    %select_n3A_33 = arith.select %ge3A_27, %broadcast_in_dim3A_32, %sub3A_23 : vector<256x4096xi1>, vector<256x4096xf32>
    %reduce_max3A_34 = arith.constant dense<0xFF800000> : vector<256xf32>
    %reduce_max3A_35 = vector.multi_reduction <maximumf>, %select_n3A_33, %reduce_max3A_34 [1] : vector<256x4096xf32> to vector<256xf32>
    %broadcast_in_dim3A_36 = vector.shape_cast %reduce_max3A_35 : vector<256xf32> to vector<256x1xf32>
    %ge3A_37 = vector.broadcast %broadcast_in_dim3A_36 : vector<256x1xf32> to vector<256x4096xf32>
    %ge3A_38 = arith.cmpf oge, %select_n3A_33, %ge3A_37 : vector<256x4096xf32>
    %jit3A_39 = arith.constant 4.096000e+03 : f32
    %broadcast_in_dim3A_40 = vector.broadcast %jit3A_39 : f32 to vector<256x4096xf32>
    %select_n3A_41 = arith.select %ge3A_38, %convert_element_type3A_24, %broadcast_in_dim3A_40 : vector<256x4096xi1>, vector<256x4096xf32>
    %reduce_min3A_42 = arith.constant dense<0x7F800000> : vector<256xf32>
    %reduce_min3A_43 = vector.multi_reduction <minimumf>, %select_n3A_41, %reduce_min3A_42 [1] : vector<256x4096xf32> to vector<256xf32>
    %broadcast_in_dim3A_44 = vector.shape_cast %reduce_min3A_43 : vector<256xf32> to vector<256x1xf32>
    %jit3A_45 = arith.constant -3.000000e+38 : f32
    %broadcast_in_dim3A_46 = vector.broadcast %jit3A_45 : f32 to vector<256x4096xf32>
    %select_n3A_47 = arith.select %ge3A_38, %broadcast_in_dim3A_46, %select_n3A_33 : vector<256x4096xi1>, vector<256x4096xf32>
    %reduce_max3A_48 = arith.constant dense<0xFF800000> : vector<256xf32>
    %reduce_max3A_49 = vector.multi_reduction <maximumf>, %select_n3A_47, %reduce_max3A_48 [1] : vector<256x4096xf32> to vector<256xf32>
    %broadcast_in_dim3A_50 = vector.shape_cast %reduce_max3A_49 : vector<256xf32> to vector<256x1xf32>
    %ge3A_51 = vector.broadcast %broadcast_in_dim3A_50 : vector<256x1xf32> to vector<256x4096xf32>
    %ge3A_52 = arith.cmpf oge, %select_n3A_47, %ge3A_51 : vector<256x4096xf32>
    %jit3A_53 = arith.constant 4.096000e+03 : f32
    %broadcast_in_dim3A_54 = vector.broadcast %jit3A_53 : f32 to vector<256x4096xf32>
    %select_n3A_55 = arith.select %ge3A_52, %convert_element_type3A_24, %broadcast_in_dim3A_54 : vector<256x4096xi1>, vector<256x4096xf32>
    %reduce_min3A_56 = arith.constant dense<0x7F800000> : vector<256xf32>
    %reduce_min3A_57 = vector.multi_reduction <minimumf>, %select_n3A_55, %reduce_min3A_56 [1] : vector<256x4096xf32> to vector<256xf32>
    %broadcast_in_dim3A_58 = vector.shape_cast %reduce_min3A_57 : vector<256xf32> to vector<256x1xf32>
    %jit3A_59 = arith.constant -3.000000e+38 : f32
    %broadcast_in_dim3A_60 = vector.broadcast %jit3A_59 : f32 to vector<256x4096xf32>
    %select_n3A_61 = arith.select %ge3A_52, %broadcast_in_dim3A_60, %select_n3A_47 : vector<256x4096xi1>, vector<256x4096xf32>
    %reduce_max3A_62 = arith.constant dense<0xFF800000> : vector<256xf32>
    %reduce_max3A_63 = vector.multi_reduction <maximumf>, %select_n3A_61, %reduce_max3A_62 [1] : vector<256x4096xf32> to vector<256xf32>
    %broadcast_in_dim3A_64 = vector.shape_cast %reduce_max3A_63 : vector<256xf32> to vector<256x1xf32>
    %ge3A_65 = vector.broadcast %broadcast_in_dim3A_64 : vector<256x1xf32> to vector<256x4096xf32>
    %ge3A_66 = arith.cmpf oge, %select_n3A_61, %ge3A_65 : vector<256x4096xf32>
    %jit3A_67 = arith.constant 4.096000e+03 : f32
    %broadcast_in_dim3A_68 = vector.broadcast %jit3A_67 : f32 to vector<256x4096xf32>
    %select_n3A_69 = arith.select %ge3A_66, %convert_element_type3A_24, %broadcast_in_dim3A_68 : vector<256x4096xi1>, vector<256x4096xf32>
    %reduce_min3A_70 = arith.constant dense<0x7F800000> : vector<256xf32>
    %reduce_min3A_71 = vector.multi_reduction <minimumf>, %select_n3A_69, %reduce_min3A_70 [1] : vector<256x4096xf32> to vector<256xf32>
    %broadcast_in_dim3A_72 = vector.shape_cast %reduce_min3A_71 : vector<256xf32> to vector<256x1xf32>
    %jit3A_73 = arith.constant -3.000000e+38 : f32
    %broadcast_in_dim3A_74 = vector.broadcast %jit3A_73 : f32 to vector<256x4096xf32>
    %select_n3A_75 = arith.select %ge3A_66, %broadcast_in_dim3A_74, %select_n3A_61 : vector<256x4096xi1>, vector<256x4096xf32>
    %reduce_max3A_76 = arith.constant dense<0xFF800000> : vector<256xf32>
    %reduce_max3A_77 = vector.multi_reduction <maximumf>, %select_n3A_75, %reduce_max3A_76 [1] : vector<256x4096xf32> to vector<256xf32>
    %broadcast_in_dim3A_78 = vector.shape_cast %reduce_max3A_77 : vector<256xf32> to vector<256x1xf32>
    %ge3A_79 = vector.broadcast %broadcast_in_dim3A_78 : vector<256x1xf32> to vector<256x4096xf32>
    %ge3A_80 = arith.cmpf oge, %select_n3A_75, %ge3A_79 : vector<256x4096xf32>
    %jit3A_81 = arith.constant 4.096000e+03 : f32
    %broadcast_in_dim3A_82 = vector.broadcast %jit3A_81 : f32 to vector<256x4096xf32>
    %select_n3A_83 = arith.select %ge3A_80, %convert_element_type3A_24, %broadcast_in_dim3A_82 : vector<256x4096xi1>, vector<256x4096xf32>
    %reduce_min3A_84 = arith.constant dense<0x7F800000> : vector<256xf32>
    %reduce_min3A_85 = vector.multi_reduction <minimumf>, %select_n3A_83, %reduce_min3A_84 [1] : vector<256x4096xf32> to vector<256xf32>
    %broadcast_in_dim3A_86 = vector.shape_cast %reduce_min3A_85 : vector<256xf32> to vector<256x1xf32>
    %jit3A_87 = arith.constant -3.000000e+38 : f32
    %broadcast_in_dim3A_88 = vector.broadcast %jit3A_87 : f32 to vector<256x4096xf32>
    %select_n3A_89 = arith.select %ge3A_80, %broadcast_in_dim3A_88, %select_n3A_75 : vector<256x4096xi1>, vector<256x4096xf32>
    %reduce_max3A_90 = arith.constant dense<0xFF800000> : vector<256xf32>
    %reduce_max3A_91 = vector.multi_reduction <maximumf>, %select_n3A_89, %reduce_max3A_90 [1] : vector<256x4096xf32> to vector<256xf32>
    %broadcast_in_dim3A_92 = vector.shape_cast %reduce_max3A_91 : vector<256xf32> to vector<256x1xf32>
    %ge3A_93 = vector.broadcast %broadcast_in_dim3A_92 : vector<256x1xf32> to vector<256x4096xf32>
    %ge3A_94 = arith.cmpf oge, %select_n3A_89, %ge3A_93 : vector<256x4096xf32>
    %jit3A_95 = arith.constant 4.096000e+03 : f32
    %broadcast_in_dim3A_96 = vector.broadcast %jit3A_95 : f32 to vector<256x4096xf32>
    %select_n3A_97 = arith.select %ge3A_94, %convert_element_type3A_24, %broadcast_in_dim3A_96 : vector<256x4096xi1>, vector<256x4096xf32>
    %reduce_min3A_98 = arith.constant dense<0x7F800000> : vector<256xf32>
    %reduce_min3A_99 = vector.multi_reduction <minimumf>, %select_n3A_97, %reduce_min3A_98 [1] : vector<256x4096xf32> to vector<256xf32>
    %broadcast_in_dim3A_100 = vector.shape_cast %reduce_min3A_99 : vector<256xf32> to vector<256x1xf32>
    %jit3A_101 = arith.constant -3.000000e+38 : f32
    %broadcast_in_dim3A_102 = vector.broadcast %jit3A_101 : f32 to vector<256x4096xf32>
    %select_n3A_103 = arith.select %ge3A_94, %broadcast_in_dim3A_102, %select_n3A_89 : vector<256x4096xi1>, vector<256x4096xf32>
    %reduce_max3A_104 = arith.constant dense<0xFF800000> : vector<256xf32>
    %reduce_max3A_105 = vector.multi_reduction <maximumf>, %select_n3A_103, %reduce_max3A_104 [1] : vector<256x4096xf32> to vector<256xf32>
    %broadcast_in_dim3A_106 = vector.shape_cast %reduce_max3A_105 : vector<256xf32> to vector<256x1xf32>
    %ge3A_107 = vector.broadcast %broadcast_in_dim3A_106 : vector<256x1xf32> to vector<256x4096xf32>
    %ge3A_108 = arith.cmpf oge, %select_n3A_103, %ge3A_107 : vector<256x4096xf32>
    %jit3A_109 = arith.constant 4.096000e+03 : f32
    %broadcast_in_dim3A_110 = vector.broadcast %jit3A_109 : f32 to vector<256x4096xf32>
    %select_n3A_111 = arith.select %ge3A_108, %convert_element_type3A_24, %broadcast_in_dim3A_110 : vector<256x4096xi1>, vector<256x4096xf32>
    %reduce_min3A_112 = arith.constant dense<0x7F800000> : vector<256xf32>
    %reduce_min3A_113 = vector.multi_reduction <minimumf>, %select_n3A_111, %reduce_min3A_112 [1] : vector<256x4096xf32> to vector<256xf32>
    %broadcast_in_dim3A_114 = vector.shape_cast %reduce_min3A_113 : vector<256xf32> to vector<256x1xf32>
    %jit3A_115 = arith.constant -3.000000e+38 : f32
    %broadcast_in_dim3A_116 = vector.broadcast %jit3A_115 : f32 to vector<256x4096xf32>
    %select_n3A_117 = arith.select %ge3A_108, %broadcast_in_dim3A_116, %select_n3A_103 : vector<256x4096xi1>, vector<256x4096xf32>
    %reduce_max3A_118 = arith.constant dense<0xFF800000> : vector<256xf32>
    %reduce_max3A_119 = vector.multi_reduction <maximumf>, %select_n3A_117, %reduce_max3A_118 [1] : vector<256x4096xf32> to vector<256xf32>
    %broadcast_in_dim3A_120 = vector.shape_cast %reduce_max3A_119 : vector<256xf32> to vector<256x1xf32>
    %ge3A_121 = vector.broadcast %broadcast_in_dim3A_120 : vector<256x1xf32> to vector<256x4096xf32>
    %ge3A_122 = arith.cmpf oge, %select_n3A_117, %ge3A_121 : vector<256x4096xf32>
    %jit3A_123 = arith.constant 4.096000e+03 : f32
    %broadcast_in_dim3A_124 = vector.broadcast %jit3A_123 : f32 to vector<256x4096xf32>
    %select_n3A_125 = arith.select %ge3A_122, %convert_element_type3A_24, %broadcast_in_dim3A_124 : vector<256x4096xi1>, vector<256x4096xf32>
    %reduce_min3A_126 = arith.constant dense<0x7F800000> : vector<256xf32>
    %reduce_min3A_127 = vector.multi_reduction <minimumf>, %select_n3A_125, %reduce_min3A_126 [1] : vector<256x4096xf32> to vector<256xf32>
    %broadcast_in_dim3A_128 = vector.shape_cast %reduce_min3A_127 : vector<256xf32> to vector<256x1xf32>
    %jit3A_129 = arith.constant -3.000000e+38 : f32
    %broadcast_in_dim3A_130 = vector.broadcast %jit3A_129 : f32 to vector<256x4096xf32>
    %select_n3A_131 = arith.select %ge3A_122, %broadcast_in_dim3A_130, %select_n3A_117 : vector<256x4096xi1>, vector<256x4096xf32>
    %reduce_max3A_132 = arith.constant dense<0xFF800000> : vector<256xf32>
    %reduce_max3A_133 = vector.multi_reduction <maximumf>, %select_n3A_131, %reduce_max3A_132 [1] : vector<256x4096xf32> to vector<256xf32>
    %broadcast_in_dim3A_134 = vector.shape_cast %reduce_max3A_133 : vector<256xf32> to vector<256x1xf32>
    %ge3A_135 = vector.broadcast %broadcast_in_dim3A_134 : vector<256x1xf32> to vector<256x4096xf32>
    %ge3A_136 = arith.cmpf oge, %select_n3A_131, %ge3A_135 : vector<256x4096xf32>
    %jit3A_137 = arith.constant 4.096000e+03 : f32
    %broadcast_in_dim3A_138 = vector.broadcast %jit3A_137 : f32 to vector<256x4096xf32>
    %select_n3A_139 = arith.select %ge3A_136, %convert_element_type3A_24, %broadcast_in_dim3A_138 : vector<256x4096xi1>, vector<256x4096xf32>
    %reduce_min3A_140 = arith.constant dense<0x7F800000> : vector<256xf32>
    %reduce_min3A_141 = vector.multi_reduction <minimumf>, %select_n3A_139, %reduce_min3A_140 [1] : vector<256x4096xf32> to vector<256xf32>
    %broadcast_in_dim3A_142 = vector.shape_cast %reduce_min3A_141 : vector<256xf32> to vector<256x1xf32>
    %jit3A_143 = arith.constant -3.000000e+38 : f32
    %broadcast_in_dim3A_144 = vector.broadcast %jit3A_143 : f32 to vector<256x4096xf32>
    %select_n3A_145 = arith.select %ge3A_136, %broadcast_in_dim3A_144, %select_n3A_131 : vector<256x4096xi1>, vector<256x4096xf32>
    %reduce_max3A_146 = arith.constant dense<0xFF800000> : vector<256xf32>
    %reduce_max3A_147 = vector.multi_reduction <maximumf>, %select_n3A_145, %reduce_max3A_146 [1] : vector<256x4096xf32> to vector<256xf32>
    %broadcast_in_dim3A_148 = vector.shape_cast %reduce_max3A_147 : vector<256xf32> to vector<256x1xf32>
    %ge3A_149 = vector.broadcast %broadcast_in_dim3A_148 : vector<256x1xf32> to vector<256x4096xf32>
    %ge3A_150 = arith.cmpf oge, %select_n3A_145, %ge3A_149 : vector<256x4096xf32>
    %jit3A_151 = arith.constant 4.096000e+03 : f32
    %broadcast_in_dim3A_152 = vector.broadcast %jit3A_151 : f32 to vector<256x4096xf32>
    %select_n3A_153 = arith.select %ge3A_150, %convert_element_type3A_24, %broadcast_in_dim3A_152 : vector<256x4096xi1>, vector<256x4096xf32>
    %reduce_min3A_154 = arith.constant dense<0x7F800000> : vector<256xf32>
    %reduce_min3A_155 = vector.multi_reduction <minimumf>, %select_n3A_153, %reduce_min3A_154 [1] : vector<256x4096xf32> to vector<256xf32>
    %broadcast_in_dim3A_156 = vector.shape_cast %reduce_min3A_155 : vector<256xf32> to vector<256x1xf32>
    %concatenate3A = tpu.concatenate %broadcast_in_dim3A_30, %broadcast_in_dim3A_44, %broadcast_in_dim3A_58, %broadcast_in_dim3A_72, %broadcast_in_dim3A_86, %broadcast_in_dim3A_100, %broadcast_in_dim3A_114, %broadcast_in_dim3A_128, %broadcast_in_dim3A_142, %broadcast_in_dim3A_156 in 1 : vector<256x1xf32>, vector<256x1xf32>, vector<256x1xf32>, vector<256x1xf32>, vector<256x1xf32>, vector<256x1xf32>, vector<256x1xf32>, vector<256x1xf32>, vector<256x1xf32>, vector<256x1xf32> -> vector<256x10xf32>
    %convert_element_type3A_157 = arith.fptosi %concatenate3A : vector<256x10xf32> to vector<256x10xi32>
    %mul3A_158 = arith.constant 4096 : i32
    %mul3A_159 = arith.muli %arg0, %mul3A_158 : i32
    %add3A = vector.broadcast %mul3A_159 : i32 to vector<256x10xi32>
    %add3A_160 = arith.addi %convert_element_type3A_157, %add3A : vector<256x10xi32>
    %swap3A = arith.constant 0 : index
    %swap3A_161 = arith.constant 0 : index
    %swap3A_162 = arith.constant 0 : index
    %swap3A_163 = vector.load %arg4[%swap3A, %swap3A_161, %swap3A_162] : memref<1x256x10xi32, #tpu.memory_space<vmem>>, vector<1x256x10xi32>
    %swap3A_164 = vector.shape_cast %swap3A_163 : vector<1x256x10xi32> to vector<256x10xi32>
    %swap3A_165 = vector.shape_cast %add3A_160 : vector<256x10xi32> to vector<1x256x10xi32>
    tpu.vector_store %arg4[%swap3A, %swap3A_161, %swap3A_162], %swap3A_165 {strides = array<i32>} : memref<1x256x10xi32, #tpu.memory_space<vmem>>, vector<1x256x10xi32>,
    return
  }
  func.func @transform_0(%arg0: i32, %arg1: i32) -> (i32, i32, i32) {
    %c0_i32 = arith.constant 0 : i32
    %c0_i32_0 = arith.constant 0 : i32
    return %arg0, %arg1, %c0_i32 : i32, i32, i32
  }
  func.func @transform_1(%arg0: i32, %arg1: i32) -> (i32, i32, i32) {
    %c0_i32 = arith.constant 0 : i32
    %c0_i32_0 = arith.constant 0 : i32
    %c0_i32_1 = arith.constant 0 : i32
    return %arg0, %c0_i32, %c0_i32_0 : i32, i32, i32
  }
  func.func @transform_2(%arg0: i32, %arg1: i32) -> (i32, i32, i32) {
    %c0_i32 = arith.constant 0 : i32
    %c0_i32_0 = arith.constant 0 : i32
    return %arg0, %arg1, %c0_i32 : i32, i32, i32
  }
}

module attributes {stable_mosaic.version = 14 : i64} {
  func.func @_edge_body(%arg0: i32, %arg1: memref<10x256x128xf32, #tpu.memory_space<vmem>>, %arg2: memref<256x128xf32, #tpu.memory_space<vmem>>, %arg3: memref<256x256xbf16, #tpu.memory_space<vmem>>, %arg4: memref<1x256xf32, #tpu.memory_space<vmem>>, %arg5: memref<1x256xf32, #tpu.memory_space<vmem>>, %arg6: memref<256x256xf32, #tpu.memory_space<vmem>>) attributes {dimension_semantics = [#tpu.dimension_semantics<arbitrary>], iteration_bounds = array<i64: 32>, scalar_prefetch = 0 : i64, scratch_operands = 0 : i64, tpu.core_type = #tpu.core_type<tc>, window_params = [{transform_indices = @transform_0, window_bounds = array<i64: 10, 256, 128>}, {transform_indices = @transform_1, window_bounds = array<i64: 256, 128>}, {pipeline_mode = #tpu.pipeline_mode<synchronous>, transform_indices = @transform_2, window_bounds = array<i64: 256, 256>}, {pipeline_mode = #tpu.pipeline_mode<synchronous>, transform_indices = @transform_3, window_bounds = array<i64: 1, 256>}, {pipeline_mode = #tpu.pipeline_mode<synchronous>, transform_indices = @transform_4, window_bounds = array<i64: 1, 256>}, {transform_indices = @transform_5, window_bounds = array<i64: 256, 256>}]} {
    %get3A = arith.constant 0 : index
    %get3A_0 = arith.constant 0 : index
    %get3A_1 = vector.load %arg2[%get3A, %get3A_0] : memref<256x128xf32, #tpu.memory_space<vmem>>, vector<256x128xf32>
    %get3A_2 = arith.constant 0 : index
    %get3A_3 = arith.constant 0 : index
    %get3A_4 = vector.load %arg3[%get3A_2, %get3A_3] : memref<256x256xbf16, #tpu.memory_space<vmem>>, vector<256x256xbf16>
    %get3A_5 = arith.constant 0 : index
    %get3A_6 = arith.constant 0 : index
    %get3A_7 = arith.constant 0 : index
    %get3A_8 = vector.load %arg1[%get3A_5, %get3A_6, %get3A_7] : memref<10x256x128xf32, #tpu.memory_space<vmem>>, vector<1x256x128xf32>
    %get3A_9 = vector.shape_cast %get3A_8 : vector<1x256x128xf32> to vector<256x128xf32>
    %sub3A = arith.subf %get3A_9, %get3A_1 : vector<256x128xf32>
    %concatenate3A = tpu.concatenate %sub3A, %get3A_1 in 1 : vector<256x128xf32>, vector<256x128xf32> -> vector<256x256xf32>
    %convert_element_type3A = arith.truncf %concatenate3A : vector<256x256xf32> to vector<256x256xbf16>
    %dot_general3A = arith.constant dense<0.000000e+00> : vector<256x256xf32>
    %dot_general3A_10 = tpu.matmul %convert_element_type3A, %get3A_4, %dot_general3A {dimension_numbers = #tpu.dot_dimension_numbers<[1], [0], [0], [1], [0, 0, 1, 1], [], []>, transpose_lhs_hint = false} : vector<256x256xbf16>, vector<256x256xbf16>, vector<256x256xf32> -> vector<256x256xf32>
    %get3A_11 = arith.constant 0 : index
    %get3A_12 = arith.constant 0 : index
    %get3A_13 = vector.load %arg4[%get3A_11, %get3A_12] : memref<1x256xf32, #tpu.memory_space<vmem>>, vector<1x256xf32>
    %get3A_14 = arith.constant 0 : index
    %get3A_15 = arith.constant 0 : index
    %get3A_16 = vector.load %arg5[%get3A_14, %get3A_15] : memref<1x256xf32, #tpu.memory_space<vmem>>, vector<1x256xf32>
    %mul3A = vector.broadcast %get3A_13 : vector<1x256xf32> to vector<256x256xf32>
    %mul3A_17 = arith.mulf %mul3A, %dot_general3A_10 : vector<256x256xf32>
    %div3A = arith.constant 1.00000501 : f32
    %div3A_18 = vector.broadcast %div3A : f32 to vector<256x256xf32>
    %div3A_19 = arith.divf %mul3A_17, %div3A_18 : vector<256x256xf32>
    %add3A = vector.broadcast %get3A_16 : vector<1x256xf32> to vector<256x256xf32>
    %add3A_20 = arith.addf %div3A_19, %add3A : vector<256x256xf32>
    %ge3A = arith.constant 0.000000e+00 : f32
    %ge3A_21 = vector.broadcast %ge3A : f32 to vector<256x256xf32>
    %ge3A_22 = arith.cmpf oge, %add3A_20, %ge3A_21 : vector<256x256xf32>
    %mul3A_23 = arith.constant 2.000000e-01 : f32
    %mul3A_24 = vector.broadcast %mul3A_23 : f32 to vector<256x256xf32>
    %mul3A_25 = arith.mulf %mul3A_24, %add3A_20 : vector<256x256xf32>
    %select_n3A = arith.select %ge3A_22, %add3A_20, %mul3A_25 : vector<256x256xi1>, vector<256x256xf32>
    %get3A_26 = arith.constant 1 : index
    %get3A_27 = arith.constant 0 : index
    %get3A_28 = arith.constant 0 : index
    %get3A_29 = vector.load %arg1[%get3A_26, %get3A_27, %get3A_28] : memref<10x256x128xf32, #tpu.memory_space<vmem>>, vector<1x256x128xf32>
    %get3A_30 = vector.shape_cast %get3A_29 : vector<1x256x128xf32> to vector<256x128xf32>
    %sub3A_31 = arith.subf %get3A_30, %get3A_1 : vector<256x128xf32>
    %concatenate3A_32 = tpu.concatenate %sub3A_31, %get3A_1 in 1 : vector<256x128xf32>, vector<256x128xf32> -> vector<256x256xf32>
    %convert_element_type3A_33 = arith.truncf %concatenate3A_32 : vector<256x256xf32> to vector<256x256xbf16>
    %dot_general3A_34 = arith.constant dense<0.000000e+00> : vector<256x256xf32>
    %dot_general3A_35 = tpu.matmul %convert_element_type3A_33, %get3A_4, %dot_general3A_34 {dimension_numbers = #tpu.dot_dimension_numbers<[1], [0], [0], [1], [0, 0, 1, 1], [], []>, transpose_lhs_hint = false} : vector<256x256xbf16>, vector<256x256xbf16>, vector<256x256xf32> -> vector<256x256xf32>
    %get3A_36 = arith.constant 0 : index
    %get3A_37 = arith.constant 0 : index
    %get3A_38 = vector.load %arg4[%get3A_36, %get3A_37] : memref<1x256xf32, #tpu.memory_space<vmem>>, vector<1x256xf32>
    %get3A_39 = arith.constant 0 : index
    %get3A_40 = arith.constant 0 : index
    %get3A_41 = vector.load %arg5[%get3A_39, %get3A_40] : memref<1x256xf32, #tpu.memory_space<vmem>>, vector<1x256xf32>
    %mul3A_42 = vector.broadcast %get3A_38 : vector<1x256xf32> to vector<256x256xf32>
    %mul3A_43 = arith.mulf %mul3A_42, %dot_general3A_35 : vector<256x256xf32>
    %div3A_44 = arith.constant 1.00000501 : f32
    %div3A_45 = vector.broadcast %div3A_44 : f32 to vector<256x256xf32>
    %div3A_46 = arith.divf %mul3A_43, %div3A_45 : vector<256x256xf32>
    %add3A_47 = vector.broadcast %get3A_41 : vector<1x256xf32> to vector<256x256xf32>
    %add3A_48 = arith.addf %div3A_46, %add3A_47 : vector<256x256xf32>
    %ge3A_49 = arith.constant 0.000000e+00 : f32
    %ge3A_50 = vector.broadcast %ge3A_49 : f32 to vector<256x256xf32>
    %ge3A_51 = arith.cmpf oge, %add3A_48, %ge3A_50 : vector<256x256xf32>
    %mul3A_52 = arith.constant 2.000000e-01 : f32
    %mul3A_53 = vector.broadcast %mul3A_52 : f32 to vector<256x256xf32>
    %mul3A_54 = arith.mulf %mul3A_53, %add3A_48 : vector<256x256xf32>
    %select_n3A_55 = arith.select %ge3A_51, %add3A_48, %mul3A_54 : vector<256x256xi1>, vector<256x256xf32>
    %max3A = arith.maximumf %select_n3A, %select_n3A_55 : vector<256x256xf32>
    %get3A_56 = arith.constant 2 : index
    %get3A_57 = arith.constant 0 : index
    %get3A_58 = arith.constant 0 : index
    %get3A_59 = vector.load %arg1[%get3A_56, %get3A_57, %get3A_58] : memref<10x256x128xf32, #tpu.memory_space<vmem>>, vector<1x256x128xf32>
    %get3A_60 = vector.shape_cast %get3A_59 : vector<1x256x128xf32> to vector<256x128xf32>
    %sub3A_61 = arith.subf %get3A_60, %get3A_1 : vector<256x128xf32>
    %concatenate3A_62 = tpu.concatenate %sub3A_61, %get3A_1 in 1 : vector<256x128xf32>, vector<256x128xf32> -> vector<256x256xf32>
    %convert_element_type3A_63 = arith.truncf %concatenate3A_62 : vector<256x256xf32> to vector<256x256xbf16>
    %dot_general3A_64 = arith.constant dense<0.000000e+00> : vector<256x256xf32>
    %dot_general3A_65 = tpu.matmul %convert_element_type3A_63, %get3A_4, %dot_general3A_64 {dimension_numbers = #tpu.dot_dimension_numbers<[1], [0], [0], [1], [0, 0, 1, 1], [], []>, transpose_lhs_hint = false} : vector<256x256xbf16>, vector<256x256xbf16>, vector<256x256xf32> -> vector<256x256xf32>
    %get3A_66 = arith.constant 0 : index
    %get3A_67 = arith.constant 0 : index
    %get3A_68 = vector.load %arg4[%get3A_66, %get3A_67] : memref<1x256xf32, #tpu.memory_space<vmem>>, vector<1x256xf32>
    %get3A_69 = arith.constant 0 : index
    %get3A_70 = arith.constant 0 : index
    %get3A_71 = vector.load %arg5[%get3A_69, %get3A_70] : memref<1x256xf32, #tpu.memory_space<vmem>>, vector<1x256xf32>
    %mul3A_72 = vector.broadcast %get3A_68 : vector<1x256xf32> to vector<256x256xf32>
    %mul3A_73 = arith.mulf %mul3A_72, %dot_general3A_65 : vector<256x256xf32>
    %div3A_74 = arith.constant 1.00000501 : f32
    %div3A_75 = vector.broadcast %div3A_74 : f32 to vector<256x256xf32>
    %div3A_76 = arith.divf %mul3A_73, %div3A_75 : vector<256x256xf32>
    %add3A_77 = vector.broadcast %get3A_71 : vector<1x256xf32> to vector<256x256xf32>
    %add3A_78 = arith.addf %div3A_76, %add3A_77 : vector<256x256xf32>
    %ge3A_79 = arith.constant 0.000000e+00 : f32
    %ge3A_80 = vector.broadcast %ge3A_79 : f32 to vector<256x256xf32>
    %ge3A_81 = arith.cmpf oge, %add3A_78, %ge3A_80 : vector<256x256xf32>
    %mul3A_82 = arith.constant 2.000000e-01 : f32
    %mul3A_83 = vector.broadcast %mul3A_82 : f32 to vector<256x256xf32>
    %mul3A_84 = arith.mulf %mul3A_83, %add3A_78 : vector<256x256xf32>
    %select_n3A_85 = arith.select %ge3A_81, %add3A_78, %mul3A_84 : vector<256x256xi1>, vector<256x256xf32>
    %max3A_86 = arith.maximumf %max3A, %select_n3A_85 : vector<256x256xf32>
    %get3A_87 = arith.constant 3 : index
    %get3A_88 = arith.constant 0 : index
    %get3A_89 = arith.constant 0 : index
    %get3A_90 = vector.load %arg1[%get3A_87, %get3A_88, %get3A_89] : memref<10x256x128xf32, #tpu.memory_space<vmem>>, vector<1x256x128xf32>
    %get3A_91 = vector.shape_cast %get3A_90 : vector<1x256x128xf32> to vector<256x128xf32>
    %sub3A_92 = arith.subf %get3A_91, %get3A_1 : vector<256x128xf32>
    %concatenate3A_93 = tpu.concatenate %sub3A_92, %get3A_1 in 1 : vector<256x128xf32>, vector<256x128xf32> -> vector<256x256xf32>
    %convert_element_type3A_94 = arith.truncf %concatenate3A_93 : vector<256x256xf32> to vector<256x256xbf16>
    %dot_general3A_95 = arith.constant dense<0.000000e+00> : vector<256x256xf32>
    %dot_general3A_96 = tpu.matmul %convert_element_type3A_94, %get3A_4, %dot_general3A_95 {dimension_numbers = #tpu.dot_dimension_numbers<[1], [0], [0], [1], [0, 0, 1, 1], [], []>, transpose_lhs_hint = false} : vector<256x256xbf16>, vector<256x256xbf16>, vector<256x256xf32> -> vector<256x256xf32>
    %get3A_97 = arith.constant 0 : index
    %get3A_98 = arith.constant 0 : index
    %get3A_99 = vector.load %arg4[%get3A_97, %get3A_98] : memref<1x256xf32, #tpu.memory_space<vmem>>, vector<1x256xf32>
    %get3A_100 = arith.constant 0 : index
    %get3A_101 = arith.constant 0 : index
    %get3A_102 = vector.load %arg5[%get3A_100, %get3A_101] : memref<1x256xf32, #tpu.memory_space<vmem>>, vector<1x256xf32>
    %mul3A_103 = vector.broadcast %get3A_99 : vector<1x256xf32> to vector<256x256xf32>
    %mul3A_104 = arith.mulf %mul3A_103, %dot_general3A_96 : vector<256x256xf32>
    %div3A_105 = arith.constant 1.00000501 : f32
    %div3A_106 = vector.broadcast %div3A_105 : f32 to vector<256x256xf32>
    %div3A_107 = arith.divf %mul3A_104, %div3A_106 : vector<256x256xf32>
    %add3A_108 = vector.broadcast %get3A_102 : vector<1x256xf32> to vector<256x256xf32>
    %add3A_109 = arith.addf %div3A_107, %add3A_108 : vector<256x256xf32>
    %ge3A_110 = arith.constant 0.000000e+00 : f32
    %ge3A_111 = vector.broadcast %ge3A_110 : f32 to vector<256x256xf32>
    %ge3A_112 = arith.cmpf oge, %add3A_109, %ge3A_111 : vector<256x256xf32>
    %mul3A_113 = arith.constant 2.000000e-01 : f32
    %mul3A_114 = vector.broadcast %mul3A_113 : f32 to vector<256x256xf32>
    %mul3A_115 = arith.mulf %mul3A_114, %add3A_109 : vector<256x256xf32>
    %select_n3A_116 = arith.select %ge3A_112, %add3A_109, %mul3A_115 : vector<256x256xi1>, vector<256x256xf32>
    %max3A_117 = arith.maximumf %max3A_86, %select_n3A_116 : vector<256x256xf32>
    %get3A_118 = arith.constant 4 : index
    %get3A_119 = arith.constant 0 : index
    %get3A_120 = arith.constant 0 : index
    %get3A_121 = vector.load %arg1[%get3A_118, %get3A_119, %get3A_120] : memref<10x256x128xf32, #tpu.memory_space<vmem>>, vector<1x256x128xf32>
    %get3A_122 = vector.shape_cast %get3A_121 : vector<1x256x128xf32> to vector<256x128xf32>
    %sub3A_123 = arith.subf %get3A_122, %get3A_1 : vector<256x128xf32>
    %concatenate3A_124 = tpu.concatenate %sub3A_123, %get3A_1 in 1 : vector<256x128xf32>, vector<256x128xf32> -> vector<256x256xf32>
    %convert_element_type3A_125 = arith.truncf %concatenate3A_124 : vector<256x256xf32> to vector<256x256xbf16>
    %dot_general3A_126 = arith.constant dense<0.000000e+00> : vector<256x256xf32>
    %dot_general3A_127 = tpu.matmul %convert_element_type3A_125, %get3A_4, %dot_general3A_126 {dimension_numbers = #tpu.dot_dimension_numbers<[1], [0], [0], [1], [0, 0, 1, 1], [], []>, transpose_lhs_hint = false} : vector<256x256xbf16>, vector<256x256xbf16>, vector<256x256xf32> -> vector<256x256xf32>
    %get3A_128 = arith.constant 0 : index
    %get3A_129 = arith.constant 0 : index
    %get3A_130 = vector.load %arg4[%get3A_128, %get3A_129] : memref<1x256xf32, #tpu.memory_space<vmem>>, vector<1x256xf32>
    %get3A_131 = arith.constant 0 : index
    %get3A_132 = arith.constant 0 : index
    %get3A_133 = vector.load %arg5[%get3A_131, %get3A_132] : memref<1x256xf32, #tpu.memory_space<vmem>>, vector<1x256xf32>
    %mul3A_134 = vector.broadcast %get3A_130 : vector<1x256xf32> to vector<256x256xf32>
    %mul3A_135 = arith.mulf %mul3A_134, %dot_general3A_127 : vector<256x256xf32>
    %div3A_136 = arith.constant 1.00000501 : f32
    %div3A_137 = vector.broadcast %div3A_136 : f32 to vector<256x256xf32>
    %div3A_138 = arith.divf %mul3A_135, %div3A_137 : vector<256x256xf32>
    %add3A_139 = vector.broadcast %get3A_133 : vector<1x256xf32> to vector<256x256xf32>
    %add3A_140 = arith.addf %div3A_138, %add3A_139 : vector<256x256xf32>
    %ge3A_141 = arith.constant 0.000000e+00 : f32
    %ge3A_142 = vector.broadcast %ge3A_141 : f32 to vector<256x256xf32>
    %ge3A_143 = arith.cmpf oge, %add3A_140, %ge3A_142 : vector<256x256xf32>
    %mul3A_144 = arith.constant 2.000000e-01 : f32
    %mul3A_145 = vector.broadcast %mul3A_144 : f32 to vector<256x256xf32>
    %mul3A_146 = arith.mulf %mul3A_145, %add3A_140 : vector<256x256xf32>
    %select_n3A_147 = arith.select %ge3A_143, %add3A_140, %mul3A_146 : vector<256x256xi1>, vector<256x256xf32>
    %max3A_148 = arith.maximumf %max3A_117, %select_n3A_147 : vector<256x256xf32>
    %get3A_149 = arith.constant 5 : index
    %get3A_150 = arith.constant 0 : index
    %get3A_151 = arith.constant 0 : index
    %get3A_152 = vector.load %arg1[%get3A_149, %get3A_150, %get3A_151] : memref<10x256x128xf32, #tpu.memory_space<vmem>>, vector<1x256x128xf32>
    %get3A_153 = vector.shape_cast %get3A_152 : vector<1x256x128xf32> to vector<256x128xf32>
    %sub3A_154 = arith.subf %get3A_153, %get3A_1 : vector<256x128xf32>
    %concatenate3A_155 = tpu.concatenate %sub3A_154, %get3A_1 in 1 : vector<256x128xf32>, vector<256x128xf32> -> vector<256x256xf32>
    %convert_element_type3A_156 = arith.truncf %concatenate3A_155 : vector<256x256xf32> to vector<256x256xbf16>
    %dot_general3A_157 = arith.constant dense<0.000000e+00> : vector<256x256xf32>
    %dot_general3A_158 = tpu.matmul %convert_element_type3A_156, %get3A_4, %dot_general3A_157 {dimension_numbers = #tpu.dot_dimension_numbers<[1], [0], [0], [1], [0, 0, 1, 1], [], []>, transpose_lhs_hint = false} : vector<256x256xbf16>, vector<256x256xbf16>, vector<256x256xf32> -> vector<256x256xf32>
    %get3A_159 = arith.constant 0 : index
    %get3A_160 = arith.constant 0 : index
    %get3A_161 = vector.load %arg4[%get3A_159, %get3A_160] : memref<1x256xf32, #tpu.memory_space<vmem>>, vector<1x256xf32>
    %get3A_162 = arith.constant 0 : index
    %get3A_163 = arith.constant 0 : index
    %get3A_164 = vector.load %arg5[%get3A_162, %get3A_163] : memref<1x256xf32, #tpu.memory_space<vmem>>, vector<1x256xf32>
    %mul3A_165 = vector.broadcast %get3A_161 : vector<1x256xf32> to vector<256x256xf32>
    %mul3A_166 = arith.mulf %mul3A_165, %dot_general3A_158 : vector<256x256xf32>
    %div3A_167 = arith.constant 1.00000501 : f32
    %div3A_168 = vector.broadcast %div3A_167 : f32 to vector<256x256xf32>
    %div3A_169 = arith.divf %mul3A_166, %div3A_168 : vector<256x256xf32>
    %add3A_170 = vector.broadcast %get3A_164 : vector<1x256xf32> to vector<256x256xf32>
    %add3A_171 = arith.addf %div3A_169, %add3A_170 : vector<256x256xf32>
    %ge3A_172 = arith.constant 0.000000e+00 : f32
    %ge3A_173 = vector.broadcast %ge3A_172 : f32 to vector<256x256xf32>
    %ge3A_174 = arith.cmpf oge, %add3A_171, %ge3A_173 : vector<256x256xf32>
    %mul3A_175 = arith.constant 2.000000e-01 : f32
    %mul3A_176 = vector.broadcast %mul3A_175 : f32 to vector<256x256xf32>
    %mul3A_177 = arith.mulf %mul3A_176, %add3A_171 : vector<256x256xf32>
    %select_n3A_178 = arith.select %ge3A_174, %add3A_171, %mul3A_177 : vector<256x256xi1>, vector<256x256xf32>
    %max3A_179 = arith.maximumf %max3A_148, %select_n3A_178 : vector<256x256xf32>
    %get3A_180 = arith.constant 6 : index
    %get3A_181 = arith.constant 0 : index
    %get3A_182 = arith.constant 0 : index
    %get3A_183 = vector.load %arg1[%get3A_180, %get3A_181, %get3A_182] : memref<10x256x128xf32, #tpu.memory_space<vmem>>, vector<1x256x128xf32>
    %get3A_184 = vector.shape_cast %get3A_183 : vector<1x256x128xf32> to vector<256x128xf32>
    %sub3A_185 = arith.subf %get3A_184, %get3A_1 : vector<256x128xf32>
    %concatenate3A_186 = tpu.concatenate %sub3A_185, %get3A_1 in 1 : vector<256x128xf32>, vector<256x128xf32> -> vector<256x256xf32>
    %convert_element_type3A_187 = arith.truncf %concatenate3A_186 : vector<256x256xf32> to vector<256x256xbf16>
    %dot_general3A_188 = arith.constant dense<0.000000e+00> : vector<256x256xf32>
    %dot_general3A_189 = tpu.matmul %convert_element_type3A_187, %get3A_4, %dot_general3A_188 {dimension_numbers = #tpu.dot_dimension_numbers<[1], [0], [0], [1], [0, 0, 1, 1], [], []>, transpose_lhs_hint = false} : vector<256x256xbf16>, vector<256x256xbf16>, vector<256x256xf32> -> vector<256x256xf32>
    %get3A_190 = arith.constant 0 : index
    %get3A_191 = arith.constant 0 : index
    %get3A_192 = vector.load %arg4[%get3A_190, %get3A_191] : memref<1x256xf32, #tpu.memory_space<vmem>>, vector<1x256xf32>
    %get3A_193 = arith.constant 0 : index
    %get3A_194 = arith.constant 0 : index
    %get3A_195 = vector.load %arg5[%get3A_193, %get3A_194] : memref<1x256xf32, #tpu.memory_space<vmem>>, vector<1x256xf32>
    %mul3A_196 = vector.broadcast %get3A_192 : vector<1x256xf32> to vector<256x256xf32>
    %mul3A_197 = arith.mulf %mul3A_196, %dot_general3A_189 : vector<256x256xf32>
    %div3A_198 = arith.constant 1.00000501 : f32
    %div3A_199 = vector.broadcast %div3A_198 : f32 to vector<256x256xf32>
    %div3A_200 = arith.divf %mul3A_197, %div3A_199 : vector<256x256xf32>
    %add3A_201 = vector.broadcast %get3A_195 : vector<1x256xf32> to vector<256x256xf32>
    %add3A_202 = arith.addf %div3A_200, %add3A_201 : vector<256x256xf32>
    %ge3A_203 = arith.constant 0.000000e+00 : f32
    %ge3A_204 = vector.broadcast %ge3A_203 : f32 to vector<256x256xf32>
    %ge3A_205 = arith.cmpf oge, %add3A_202, %ge3A_204 : vector<256x256xf32>
    %mul3A_206 = arith.constant 2.000000e-01 : f32
    %mul3A_207 = vector.broadcast %mul3A_206 : f32 to vector<256x256xf32>
    %mul3A_208 = arith.mulf %mul3A_207, %add3A_202 : vector<256x256xf32>
    %select_n3A_209 = arith.select %ge3A_205, %add3A_202, %mul3A_208 : vector<256x256xi1>, vector<256x256xf32>
    %max3A_210 = arith.maximumf %max3A_179, %select_n3A_209 : vector<256x256xf32>
    %get3A_211 = arith.constant 7 : index
    %get3A_212 = arith.constant 0 : index
    %get3A_213 = arith.constant 0 : index
    %get3A_214 = vector.load %arg1[%get3A_211, %get3A_212, %get3A_213] : memref<10x256x128xf32, #tpu.memory_space<vmem>>, vector<1x256x128xf32>
    %get3A_215 = vector.shape_cast %get3A_214 : vector<1x256x128xf32> to vector<256x128xf32>
    %sub3A_216 = arith.subf %get3A_215, %get3A_1 : vector<256x128xf32>
    %concatenate3A_217 = tpu.concatenate %sub3A_216, %get3A_1 in 1 : vector<256x128xf32>, vector<256x128xf32> -> vector<256x256xf32>
    %convert_element_type3A_218 = arith.truncf %concatenate3A_217 : vector<256x256xf32> to vector<256x256xbf16>
    %dot_general3A_219 = arith.constant dense<0.000000e+00> : vector<256x256xf32>
    %dot_general3A_220 = tpu.matmul %convert_element_type3A_218, %get3A_4, %dot_general3A_219 {dimension_numbers = #tpu.dot_dimension_numbers<[1], [0], [0], [1], [0, 0, 1, 1], [], []>, transpose_lhs_hint = false} : vector<256x256xbf16>, vector<256x256xbf16>, vector<256x256xf32> -> vector<256x256xf32>
    %get3A_221 = arith.constant 0 : index
    %get3A_222 = arith.constant 0 : index
    %get3A_223 = vector.load %arg4[%get3A_221, %get3A_222] : memref<1x256xf32, #tpu.memory_space<vmem>>, vector<1x256xf32>
    %get3A_224 = arith.constant 0 : index
    %get3A_225 = arith.constant 0 : index
    %get3A_226 = vector.load %arg5[%get3A_224, %get3A_225] : memref<1x256xf32, #tpu.memory_space<vmem>>, vector<1x256xf32>
    %mul3A_227 = vector.broadcast %get3A_223 : vector<1x256xf32> to vector<256x256xf32>
    %mul3A_228 = arith.mulf %mul3A_227, %dot_general3A_220 : vector<256x256xf32>
    %div3A_229 = arith.constant 1.00000501 : f32
    %div3A_230 = vector.broadcast %div3A_229 : f32 to vector<256x256xf32>
    %div3A_231 = arith.divf %mul3A_228, %div3A_230 : vector<256x256xf32>
    %add3A_232 = vector.broadcast %get3A_226 : vector<1x256xf32> to vector<256x256xf32>
    %add3A_233 = arith.addf %div3A_231, %add3A_232 : vector<256x256xf32>
    %ge3A_234 = arith.constant 0.000000e+00 : f32
    %ge3A_235 = vector.broadcast %ge3A_234 : f32 to vector<256x256xf32>
    %ge3A_236 = arith.cmpf oge, %add3A_233, %ge3A_235 : vector<256x256xf32>
    %mul3A_237 = arith.constant 2.000000e-01 : f32
    %mul3A_238 = vector.broadcast %mul3A_237 : f32 to vector<256x256xf32>
    %mul3A_239 = arith.mulf %mul3A_238, %add3A_233 : vector<256x256xf32>
    %select_n3A_240 = arith.select %ge3A_236, %add3A_233, %mul3A_239 : vector<256x256xi1>, vector<256x256xf32>
    %max3A_241 = arith.maximumf %max3A_210, %select_n3A_240 : vector<256x256xf32>
    %get3A_242 = arith.constant 8 : index
    %get3A_243 = arith.constant 0 : index
    %get3A_244 = arith.constant 0 : index
    %get3A_245 = vector.load %arg1[%get3A_242, %get3A_243, %get3A_244] : memref<10x256x128xf32, #tpu.memory_space<vmem>>, vector<1x256x128xf32>
    %get3A_246 = vector.shape_cast %get3A_245 : vector<1x256x128xf32> to vector<256x128xf32>
    %sub3A_247 = arith.subf %get3A_246, %get3A_1 : vector<256x128xf32>
    %concatenate3A_248 = tpu.concatenate %sub3A_247, %get3A_1 in 1 : vector<256x128xf32>, vector<256x128xf32> -> vector<256x256xf32>
    %convert_element_type3A_249 = arith.truncf %concatenate3A_248 : vector<256x256xf32> to vector<256x256xbf16>
    %dot_general3A_250 = arith.constant dense<0.000000e+00> : vector<256x256xf32>
    %dot_general3A_251 = tpu.matmul %convert_element_type3A_249, %get3A_4, %dot_general3A_250 {dimension_numbers = #tpu.dot_dimension_numbers<[1], [0], [0], [1], [0, 0, 1, 1], [], []>, transpose_lhs_hint = false} : vector<256x256xbf16>, vector<256x256xbf16>, vector<256x256xf32> -> vector<256x256xf32>
    %get3A_252 = arith.constant 0 : index
    %get3A_253 = arith.constant 0 : index
    %get3A_254 = vector.load %arg4[%get3A_252, %get3A_253] : memref<1x256xf32, #tpu.memory_space<vmem>>, vector<1x256xf32>
    %get3A_255 = arith.constant 0 : index
    %get3A_256 = arith.constant 0 : index
    %get3A_257 = vector.load %arg5[%get3A_255, %get3A_256] : memref<1x256xf32, #tpu.memory_space<vmem>>, vector<1x256xf32>
    %mul3A_258 = vector.broadcast %get3A_254 : vector<1x256xf32> to vector<256x256xf32>
    %mul3A_259 = arith.mulf %mul3A_258, %dot_general3A_251 : vector<256x256xf32>
    %div3A_260 = arith.constant 1.00000501 : f32
    %div3A_261 = vector.broadcast %div3A_260 : f32 to vector<256x256xf32>
    %div3A_262 = arith.divf %mul3A_259, %div3A_261 : vector<256x256xf32>
    %add3A_263 = vector.broadcast %get3A_257 : vector<1x256xf32> to vector<256x256xf32>
    %add3A_264 = arith.addf %div3A_262, %add3A_263 : vector<256x256xf32>
    %ge3A_265 = arith.constant 0.000000e+00 : f32
    %ge3A_266 = vector.broadcast %ge3A_265 : f32 to vector<256x256xf32>
    %ge3A_267 = arith.cmpf oge, %add3A_264, %ge3A_266 : vector<256x256xf32>
    %mul3A_268 = arith.constant 2.000000e-01 : f32
    %mul3A_269 = vector.broadcast %mul3A_268 : f32 to vector<256x256xf32>
    %mul3A_270 = arith.mulf %mul3A_269, %add3A_264 : vector<256x256xf32>
    %select_n3A_271 = arith.select %ge3A_267, %add3A_264, %mul3A_270 : vector<256x256xi1>, vector<256x256xf32>
    %max3A_272 = arith.maximumf %max3A_241, %select_n3A_271 : vector<256x256xf32>
    %get3A_273 = arith.constant 9 : index
    %get3A_274 = arith.constant 0 : index
    %get3A_275 = arith.constant 0 : index
    %get3A_276 = vector.load %arg1[%get3A_273, %get3A_274, %get3A_275] : memref<10x256x128xf32, #tpu.memory_space<vmem>>, vector<1x256x128xf32>
    %get3A_277 = vector.shape_cast %get3A_276 : vector<1x256x128xf32> to vector<256x128xf32>
    %sub3A_278 = arith.subf %get3A_277, %get3A_1 : vector<256x128xf32>
    %concatenate3A_279 = tpu.concatenate %sub3A_278, %get3A_1 in 1 : vector<256x128xf32>, vector<256x128xf32> -> vector<256x256xf32>
    %convert_element_type3A_280 = arith.truncf %concatenate3A_279 : vector<256x256xf32> to vector<256x256xbf16>
    %dot_general3A_281 = arith.constant dense<0.000000e+00> : vector<256x256xf32>
    %dot_general3A_282 = tpu.matmul %convert_element_type3A_280, %get3A_4, %dot_general3A_281 {dimension_numbers = #tpu.dot_dimension_numbers<[1], [0], [0], [1], [0, 0, 1, 1], [], []>, transpose_lhs_hint = false} : vector<256x256xbf16>, vector<256x256xbf16>, vector<256x256xf32> -> vector<256x256xf32>
    %get3A_283 = arith.constant 0 : index
    %get3A_284 = arith.constant 0 : index
    %get3A_285 = vector.load %arg4[%get3A_283, %get3A_284] : memref<1x256xf32, #tpu.memory_space<vmem>>, vector<1x256xf32>
    %get3A_286 = arith.constant 0 : index
    %get3A_287 = arith.constant 0 : index
    %get3A_288 = vector.load %arg5[%get3A_286, %get3A_287] : memref<1x256xf32, #tpu.memory_space<vmem>>, vector<1x256xf32>
    %mul3A_289 = vector.broadcast %get3A_285 : vector<1x256xf32> to vector<256x256xf32>
    %mul3A_290 = arith.mulf %mul3A_289, %dot_general3A_282 : vector<256x256xf32>
    %div3A_291 = arith.constant 1.00000501 : f32
    %div3A_292 = vector.broadcast %div3A_291 : f32 to vector<256x256xf32>
    %div3A_293 = arith.divf %mul3A_290, %div3A_292 : vector<256x256xf32>
    %add3A_294 = vector.broadcast %get3A_288 : vector<1x256xf32> to vector<256x256xf32>
    %add3A_295 = arith.addf %div3A_293, %add3A_294 : vector<256x256xf32>
    %ge3A_296 = arith.constant 0.000000e+00 : f32
    %ge3A_297 = vector.broadcast %ge3A_296 : f32 to vector<256x256xf32>
    %ge3A_298 = arith.cmpf oge, %add3A_295, %ge3A_297 : vector<256x256xf32>
    %mul3A_299 = arith.constant 2.000000e-01 : f32
    %mul3A_300 = vector.broadcast %mul3A_299 : f32 to vector<256x256xf32>
    %mul3A_301 = arith.mulf %mul3A_300, %add3A_295 : vector<256x256xf32>
    %select_n3A_302 = arith.select %ge3A_298, %add3A_295, %mul3A_301 : vector<256x256xi1>, vector<256x256xf32>
    %max3A_303 = arith.maximumf %max3A_272, %select_n3A_302 : vector<256x256xf32>
    %swap3A = arith.constant 0 : index
    %swap3A_304 = arith.constant 0 : index
    %swap3A_305 = vector.load %arg6[%swap3A, %swap3A_304] : memref<256x256xf32, #tpu.memory_space<vmem>>, vector<256x256xf32>
    tpu.vector_store %arg6[%swap3A, %swap3A_304], %max3A_303 {strides = array<i32>} : memref<256x256xf32, #tpu.memory_space<vmem>>, vector<256x256xf32>,
    return
  }
  func.func @transform_0(%arg0: i32) -> (i32, i32, i32) {
    %c0_i32 = arith.constant 0 : i32
    %c0_i32_0 = arith.constant 0 : i32
    %c0_i32_1 = arith.constant 0 : i32
    return %c0_i32, %arg0, %c0_i32_0 : i32, i32, i32
  }
  func.func @transform_1(%arg0: i32) -> (i32, i32) {
    %c0_i32 = arith.constant 0 : i32
    %c0_i32_0 = arith.constant 0 : i32
    return %arg0, %c0_i32 : i32, i32
  }
  func.func @transform_2(%arg0: i32) -> (i32, i32) {
    %c0_i32 = arith.constant 0 : i32
    %c0_i32_0 = arith.constant 0 : i32
    %c0_i32_1 = arith.constant 0 : i32
    return %c0_i32, %c0_i32_0 : i32, i32
  }
  func.func @transform_3(%arg0: i32) -> (i32, i32) {
    %c0_i32 = arith.constant 0 : i32
    %c0_i32_0 = arith.constant 0 : i32
    %c0_i32_1 = arith.constant 0 : i32
    return %c0_i32, %c0_i32_0 : i32, i32
  }
  func.func @transform_4(%arg0: i32) -> (i32, i32) {
    %c0_i32 = arith.constant 0 : i32
    %c0_i32_0 = arith.constant 0 : i32
    %c0_i32_1 = arith.constant 0 : i32
    return %c0_i32, %c0_i32_0 : i32, i32
  }
  func.func @transform_5(%arg0: i32) -> (i32, i32) {
    %c0_i32 = arith.constant 0 : i32
    %c0_i32_0 = arith.constant 0 : i32
    return %arg0, %c0_i32 : i32, i32
  }
}

module attributes {stable_mosaic.version = 14 : i64} {
  func.func @_head_body(%arg0: i32, %arg1: i32, %arg2: memref<1x512x64xf32, #tpu.memory_space<vmem>>, %arg3: memref<1x512x64xf32, #tpu.memory_space<vmem>>, %arg4: memref<1x512x128xf32, #tpu.memory_space<vmem>>, %arg5: memref<1x512x256xf32, #tpu.memory_space<vmem>>, %arg6: memref<512x512xbf16, #tpu.memory_space<vmem>>, %arg7: memref<1x512xf32, #tpu.memory_space<vmem>>, %arg8: memref<1x512xf32, #tpu.memory_space<vmem>>, %arg9: memref<512x896xbf16, #tpu.memory_space<vmem>>, %arg10: memref<1x896xf32, #tpu.memory_space<vmem>>, %arg11: memref<1x896xf32, #tpu.memory_space<vmem>>, %arg12: memref<1x896xf32, #tpu.memory_space<vmem>>, %arg13: memref<128x20xbf16, #tpu.memory_space<vmem>>, %arg14: memref<1x20xf32, #tpu.memory_space<vmem>>, %arg15: memref<1x512x256xf32, #tpu.memory_space<vmem>>, %arg16: memref<1x512x256xf32, #tpu.memory_space<vmem>>, %arg17: memref<1x512x256xf32, #tpu.memory_space<vmem>>, %arg18: memref<1x512x128xf32, #tpu.memory_space<vmem>>, %arg19: memref<1x512x20xf32, #tpu.memory_space<vmem>>) attributes {dimension_semantics = [#tpu.dimension_semantics<arbitrary>, #tpu.dimension_semantics<arbitrary>], iteration_bounds = array<i64: 2, 8>, scalar_prefetch = 0 : i64, scratch_operands = 0 : i64, tpu.core_type = #tpu.core_type<tc>, window_params = [{transform_indices = @transform_0, window_bounds = array<i64: 1, 512, 64>}, {transform_indices = @transform_1, window_bounds = array<i64: 1, 512, 64>}, {transform_indices = @transform_2, window_bounds = array<i64: 1, 512, 128>}, {transform_indices = @transform_3, window_bounds = array<i64: 1, 512, 256>}, {pipeline_mode = #tpu.pipeline_mode<synchronous>, transform_indices = @transform_4, window_bounds = array<i64: 512, 512>}, {pipeline_mode = #tpu.pipeline_mode<synchronous>, transform_indices = @transform_5, window_bounds = array<i64: 1, 512>}, {pipeline_mode = #tpu.pipeline_mode<synchronous>, transform_indices = @transform_6, window_bounds = array<i64: 1, 512>}, {pipeline_mode = #tpu.pipeline_mode<synchronous>, transform_indices = @transform_7, window_bounds = array<i64: 512, 896>}, {pipeline_mode = #tpu.pipeline_mode<synchronous>, transform_indices = @transform_8, window_bounds = array<i64: 1, 896>}, {pipeline_mode = #tpu.pipeline_mode<synchronous>, transform_indices = @transform_9, window_bounds = array<i64: 1, 896>}, {pipeline_mode = #tpu.pipeline_mode<synchronous>, transform_indices = @transform_10, window_bounds = array<i64: 1, 896>}, {pipeline_mode = #tpu.pipeline_mode<synchronous>, transform_indices = @transform_11, window_bounds = array<i64: 128, 20>}, {pipeline_mode = #tpu.pipeline_mode<synchronous>, transform_indices = @transform_12, window_bounds = array<i64: 1, 20>}, {transform_indices = @transform_13, window_bounds = array<i64: 1, 512, 256>}, {transform_indices = @transform_14, window_bounds = array<i64: 1, 512, 256>}, {transform_indices = @transform_15, window_bounds = array<i64: 1, 512, 256>}, {transform_indices = @transform_16, window_bounds = array<i64: 1, 512, 128>}, {transform_indices = @transform_17, window_bounds = array<i64: 1, 512, 20>}]} {
    %get3A = arith.constant 0 : index
    %get3A_0 = arith.constant 0 : index
    %get3A_1 = arith.constant 0 : index
    %get3A_2 = vector.load %arg2[%get3A, %get3A_0, %get3A_1] : memref<1x512x64xf32, #tpu.memory_space<vmem>>, vector<1x512x64xf32>
    %get3A_3 = vector.shape_cast %get3A_2 : vector<1x512x64xf32> to vector<512x64xf32>
    %get3A_4 = arith.constant 0 : index
    %get3A_5 = arith.constant 0 : index
    %get3A_6 = arith.constant 0 : index
    %get3A_7 = vector.load %arg3[%get3A_4, %get3A_5, %get3A_6] : memref<1x512x64xf32, #tpu.memory_space<vmem>>, vector<1x512x64xf32>
    %get3A_8 = vector.shape_cast %get3A_7 : vector<1x512x64xf32> to vector<512x64xf32>
    %get3A_9 = arith.constant 0 : index
    %get3A_10 = arith.constant 0 : index
    %get3A_11 = arith.constant 0 : index
    %get3A_12 = vector.load %arg4[%get3A_9, %get3A_10, %get3A_11] : memref<1x512x128xf32, #tpu.memory_space<vmem>>, vector<1x512x128xf32>
    %get3A_13 = vector.shape_cast %get3A_12 : vector<1x512x128xf32> to vector<512x128xf32>
    %get3A_14 = arith.constant 0 : index
    %get3A_15 = arith.constant 0 : index
    %get3A_16 = arith.constant 0 : index
    %get3A_17 = vector.load %arg5[%get3A_14, %get3A_15, %get3A_16] : memref<1x512x256xf32, #tpu.memory_space<vmem>>, vector<1x512x256xf32>
    %get3A_18 = vector.shape_cast %get3A_17 : vector<1x512x256xf32> to vector<512x256xf32>
    %concatenate3A = tpu.concatenate %get3A_3, %get3A_8, %get3A_13, %get3A_18 in 1 : vector<512x64xf32>, vector<512x64xf32>, vector<512x128xf32>, vector<512x256xf32> -> vector<512x512xf32>
    %convert_element_type3A = arith.truncf %concatenate3A : vector<512x512xf32> to vector<512x512xbf16>
    %get3A_19 = arith.constant 0 : index
    %get3A_20 = arith.constant 0 : index
    %get3A_21 = vector.load %arg6[%get3A_19, %get3A_20] : memref<512x512xbf16, #tpu.memory_space<vmem>>, vector<512x512xbf16>
    %dot_general3A = arith.constant dense<0.000000e+00> : vector<512x512xf32>
    %dot_general3A_22 = tpu.matmul %convert_element_type3A, %get3A_21, %dot_general3A {dimension_numbers = #tpu.dot_dimension_numbers<[1], [0], [0], [1], [0, 0, 1, 1], [], []>, transpose_lhs_hint = false} : vector<512x512xbf16>, vector<512x512xbf16>, vector<512x512xf32> -> vector<512x512xf32>
    %get3A_23 = arith.constant 0 : index
    %get3A_24 = arith.constant 0 : index
    %get3A_25 = vector.load %arg7[%get3A_23, %get3A_24] : memref<1x512xf32, #tpu.memory_space<vmem>>, vector<1x512xf32>
    %get3A_26 = arith.constant 0 : index
    %get3A_27 = arith.constant 0 : index
    %get3A_28 = vector.load %arg8[%get3A_26, %get3A_27] : memref<1x512xf32, #tpu.memory_space<vmem>>, vector<1x512xf32>
    %mul3A = vector.broadcast %get3A_25 : vector<1x512xf32> to vector<512x512xf32>
    %mul3A_29 = arith.mulf %mul3A, %dot_general3A_22 : vector<512x512xf32>
    %div3A = arith.constant 1.00000501 : f32
    %div3A_30 = vector.broadcast %div3A : f32 to vector<512x512xf32>
    %div3A_31 = arith.divf %mul3A_29, %div3A_30 : vector<512x512xf32>
    %add3A = vector.broadcast %get3A_28 : vector<1x512xf32> to vector<512x512xf32>
    %add3A_32 = arith.addf %div3A_31, %add3A : vector<512x512xf32>
    %ge3A = arith.constant 0.000000e+00 : f32
    %ge3A_33 = vector.broadcast %ge3A : f32 to vector<512x512xf32>
    %ge3A_34 = arith.cmpf oge, %add3A_32, %ge3A_33 : vector<512x512xf32>
    %mul3A_35 = arith.constant 2.000000e-01 : f32
    %mul3A_36 = vector.broadcast %mul3A_35 : f32 to vector<512x512xf32>
    %mul3A_37 = arith.mulf %mul3A_36, %add3A_32 : vector<512x512xf32>
    %select_n3A = arith.select %ge3A_34, %add3A_32, %mul3A_37 : vector<512x512xi1>, vector<512x512xf32>
    %convert_element_type3A_38 = arith.truncf %select_n3A : vector<512x512xf32> to vector<512x512xbf16>
    %get3A_39 = arith.constant 0 : index
    %get3A_40 = arith.constant 0 : index
    %get3A_41 = vector.load %arg9[%get3A_39, %get3A_40] : memref<512x896xbf16, #tpu.memory_space<vmem>>, vector<512x896xbf16>
    %dot_general3A_42 = arith.constant dense<0.000000e+00> : vector<512x896xf32>
    %dot_general3A_43 = tpu.matmul %convert_element_type3A_38, %get3A_41, %dot_general3A_42 {dimension_numbers = #tpu.dot_dimension_numbers<[1], [0], [0], [1], [0, 0, 1, 1], [], []>, transpose_lhs_hint = false} : vector<512x512xbf16>, vector<512x896xbf16>, vector<512x896xf32> -> vector<512x896xf32>
    %get3A_44 = arith.constant 0 : index
    %get3A_45 = arith.constant 0 : index
    %get3A_46 = vector.load %arg10[%get3A_44, %get3A_45] : memref<1x896xf32, #tpu.memory_space<vmem>>, vector<1x896xf32>
    %add3A_47 = vector.broadcast %get3A_46 : vector<1x896xf32> to vector<512x896xf32>
    %add3A_48 = arith.addf %dot_general3A_43, %add3A_47 : vector<512x896xf32>
    %get3A_49 = arith.constant 0 : index
    %get3A_50 = arith.constant 0 : index
    %get3A_51 = vector.load %arg11[%get3A_49, %get3A_50] : memref<1x896xf32, #tpu.memory_space<vmem>>, vector<1x896xf32>
    %get3A_52 = arith.constant 0 : index
    %get3A_53 = arith.constant 0 : index
    %get3A_54 = vector.load %arg12[%get3A_52, %get3A_53] : memref<1x896xf32, #tpu.memory_space<vmem>>, vector<1x896xf32>
    %mul3A_55 = vector.broadcast %get3A_51 : vector<1x896xf32> to vector<512x896xf32>
    %mul3A_56 = arith.mulf %mul3A_55, %add3A_48 : vector<512x896xf32>
    %div3A_57 = arith.constant 1.00000501 : f32
    %div3A_58 = vector.broadcast %div3A_57 : f32 to vector<512x896xf32>
    %div3A_59 = arith.divf %mul3A_56, %div3A_58 : vector<512x896xf32>
    %add3A_60 = vector.broadcast %get3A_54 : vector<1x896xf32> to vector<512x896xf32>
    %add3A_61 = arith.addf %div3A_59, %add3A_60 : vector<512x896xf32>
    %slice3A = vector.extract_strided_slice %add3A_61 {offsets = [0, 0], sizes = [512, 256], strides = [1, 1]} : vector<512x896xf32> to vector<512x256xf32>
    %swap3A = arith.constant 0 : index
    %swap3A_62 = arith.constant 0 : index
    %swap3A_63 = arith.constant 0 : index
    %swap3A_64 = vector.load %arg15[%swap3A, %swap3A_62, %swap3A_63] : memref<1x512x256xf32, #tpu.memory_space<vmem>>, vector<1x512x256xf32>
    %swap3A_65 = vector.shape_cast %swap3A_64 : vector<1x512x256xf32> to vector<512x256xf32>
    %swap3A_66 = vector.shape_cast %slice3A : vector<512x256xf32> to vector<1x512x256xf32>
    tpu.vector_store %arg15[%swap3A, %swap3A_62, %swap3A_63], %swap3A_66 {strides = array<i32>} : memref<1x512x256xf32, #tpu.memory_space<vmem>>, vector<1x512x256xf32>,
    %slice3A_67 = vector.extract_strided_slice %add3A_61 {offsets = [0, 256], sizes = [512, 256], strides = [1, 1]} : vector<512x896xf32> to vector<512x256xf32>
    %swap3A_68 = arith.constant 0 : index
    %swap3A_69 = arith.constant 0 : index
    %swap3A_70 = arith.constant 0 : index
    %swap3A_71 = vector.load %arg16[%swap3A_68, %swap3A_69, %swap3A_70] : memref<1x512x256xf32, #tpu.memory_space<vmem>>, vector<1x512x256xf32>
    %swap3A_72 = vector.shape_cast %swap3A_71 : vector<1x512x256xf32> to vector<512x256xf32>
    %swap3A_73 = vector.shape_cast %slice3A_67 : vector<512x256xf32> to vector<1x512x256xf32>
    tpu.vector_store %arg16[%swap3A_68, %swap3A_69, %swap3A_70], %swap3A_73 {strides = array<i32>} : memref<1x512x256xf32, #tpu.memory_space<vmem>>, vector<1x512x256xf32>,
    %slice3A_74 = vector.extract_strided_slice %add3A_61 {offsets = [0, 512], sizes = [512, 256], strides = [1, 1]} : vector<512x896xf32> to vector<512x256xf32>
    %swap3A_75 = arith.constant 0 : index
    %swap3A_76 = arith.constant 0 : index
    %swap3A_77 = arith.constant 0 : index
    %swap3A_78 = vector.load %arg17[%swap3A_75, %swap3A_76, %swap3A_77] : memref<1x512x256xf32, #tpu.memory_space<vmem>>, vector<1x512x256xf32>
    %swap3A_79 = vector.shape_cast %swap3A_78 : vector<1x512x256xf32> to vector<512x256xf32>
    %swap3A_80 = vector.shape_cast %slice3A_74 : vector<512x256xf32> to vector<1x512x256xf32>
    tpu.vector_store %arg17[%swap3A_75, %swap3A_76, %swap3A_77], %swap3A_80 {strides = array<i32>} : memref<1x512x256xf32, #tpu.memory_space<vmem>>, vector<1x512x256xf32>,
    %slice3A_81 = vector.extract_strided_slice %add3A_61 {offsets = [0, 768], sizes = [512, 128], strides = [1, 1]} : vector<512x896xf32> to vector<512x128xf32>
    %swap3A_82 = arith.constant 0 : index
    %swap3A_83 = arith.constant 0 : index
    %swap3A_84 = arith.constant 0 : index
    %swap3A_85 = vector.load %arg18[%swap3A_82, %swap3A_83, %swap3A_84] : memref<1x512x128xf32, #tpu.memory_space<vmem>>, vector<1x512x128xf32>
    %swap3A_86 = vector.shape_cast %swap3A_85 : vector<1x512x128xf32> to vector<512x128xf32>
    %swap3A_87 = vector.shape_cast %slice3A_81 : vector<512x128xf32> to vector<1x512x128xf32>
    tpu.vector_store %arg18[%swap3A_82, %swap3A_83, %swap3A_84], %swap3A_87 {strides = array<i32>} : memref<1x512x128xf32, #tpu.memory_space<vmem>>, vector<1x512x128xf32>,
    %slice3A_88 = vector.extract_strided_slice %add3A_61 {offsets = [0, 768], sizes = [512, 128], strides = [1, 1]} : vector<512x896xf32> to vector<512x128xf32>
    %convert_element_type3A_89 = arith.truncf %slice3A_88 : vector<512x128xf32> to vector<512x128xbf16>
    %get3A_90 = arith.constant 0 : index
    %get3A_91 = arith.constant 0 : index
    %get3A_92 = vector.load %arg13[%get3A_90, %get3A_91] : memref<128x20xbf16, #tpu.memory_space<vmem>>, vector<128x20xbf16>
    %dot_general3A_93 = arith.constant dense<0.000000e+00> : vector<512x20xf32>
    %dot_general3A_94 = tpu.matmul %convert_element_type3A_89, %get3A_92, %dot_general3A_93 {dimension_numbers = #tpu.dot_dimension_numbers<[1], [0], [0], [1], [0, 0, 1, 1], [], []>, transpose_lhs_hint = false} : vector<512x128xbf16>, vector<128x20xbf16>, vector<512x20xf32> -> vector<512x20xf32>
    %get3A_95 = arith.constant 0 : index
    %get3A_96 = arith.constant 0 : index
    %get3A_97 = vector.load %arg14[%get3A_95, %get3A_96] : memref<1x20xf32, #tpu.memory_space<vmem>>, vector<1x20xf32>
    %add3A_98 = vector.broadcast %get3A_97 : vector<1x20xf32> to vector<512x20xf32>
    %add3A_99 = arith.addf %dot_general3A_94, %add3A_98 : vector<512x20xf32>
    %swap3A_100 = arith.constant 0 : index
    %swap3A_101 = arith.constant 0 : index
    %swap3A_102 = arith.constant 0 : index
    %swap3A_103 = vector.load %arg19[%swap3A_100, %swap3A_101, %swap3A_102] : memref<1x512x20xf32, #tpu.memory_space<vmem>>, vector<1x512x20xf32>
    %swap3A_104 = vector.shape_cast %swap3A_103 : vector<1x512x20xf32> to vector<512x20xf32>
    %swap3A_105 = vector.shape_cast %add3A_99 : vector<512x20xf32> to vector<1x512x20xf32>
    tpu.vector_store %arg19[%swap3A_100, %swap3A_101, %swap3A_102], %swap3A_105 {strides = array<i32>} : memref<1x512x20xf32, #tpu.memory_space<vmem>>, vector<1x512x20xf32>,
    return
  }
  func.func @transform_0(%arg0: i32, %arg1: i32) -> (i32, i32, i32) {
    %c0_i32 = arith.constant 0 : i32
    %c0_i32_0 = arith.constant 0 : i32
    return %arg0, %arg1, %c0_i32 : i32, i32, i32
  }
  func.func @transform_1(%arg0: i32, %arg1: i32) -> (i32, i32, i32) {
    %c0_i32 = arith.constant 0 : i32
    %c0_i32_0 = arith.constant 0 : i32
    return %arg0, %arg1, %c0_i32 : i32, i32, i32
  }
  func.func @transform_2(%arg0: i32, %arg1: i32) -> (i32, i32, i32) {
    %c0_i32 = arith.constant 0 : i32
    %c0_i32_0 = arith.constant 0 : i32
    return %arg0, %arg1, %c0_i32 : i32, i32, i32
  }
  func.func @transform_3(%arg0: i32, %arg1: i32) -> (i32, i32, i32) {
    %c0_i32 = arith.constant 0 : i32
    %c0_i32_0 = arith.constant 0 : i32
    return %arg0, %arg1, %c0_i32 : i32, i32, i32
  }
  func.func @transform_4(%arg0: i32, %arg1: i32) -> (i32, i32) {
    %c0_i32 = arith.constant 0 : i32
    %c0_i32_0 = arith.constant 0 : i32
    %c0_i32_1 = arith.constant 0 : i32
    return %c0_i32, %c0_i32_0 : i32, i32
  }
  func.func @transform_5(%arg0: i32, %arg1: i32) -> (i32, i32) {
    %c0_i32 = arith.constant 0 : i32
    %c0_i32_0 = arith.constant 0 : i32
    %c0_i32_1 = arith.constant 0 : i32
    return %c0_i32, %c0_i32_0 : i32, i32
  }
  func.func @transform_6(%arg0: i32, %arg1: i32) -> (i32, i32) {
    %c0_i32 = arith.constant 0 : i32
    %c0_i32_0 = arith.constant 0 : i32
    %c0_i32_1 = arith.constant 0 : i32
    return %c0_i32, %c0_i32_0 : i32, i32
  }
  func.func @transform_7(%arg0: i32, %arg1: i32) -> (i32, i32) {
    %c0_i32 = arith.constant 0 : i32
    %c0_i32_0 = arith.constant 0 : i32
    %c0_i32_1 = arith.constant 0 : i32
    return %c0_i32, %c0_i32_0 : i32, i32
  }
  func.func @transform_8(%arg0: i32, %arg1: i32) -> (i32, i32) {
    %c0_i32 = arith.constant 0 : i32
    %c0_i32_0 = arith.constant 0 : i32
    %c0_i32_1 = arith.constant 0 : i32
    return %c0_i32, %c0_i32_0 : i32, i32
  }
  func.func @transform_9(%arg0: i32, %arg1: i32) -> (i32, i32) {
    %c0_i32 = arith.constant 0 : i32
    %c0_i32_0 = arith.constant 0 : i32
    %c0_i32_1 = arith.constant 0 : i32
    return %c0_i32, %c0_i32_0 : i32, i32
  }
  func.func @transform_10(%arg0: i32, %arg1: i32) -> (i32, i32) {
    %c0_i32 = arith.constant 0 : i32
    %c0_i32_0 = arith.constant 0 : i32
    %c0_i32_1 = arith.constant 0 : i32
    return %c0_i32, %c0_i32_0 : i32, i32
  }
  func.func @transform_11(%arg0: i32, %arg1: i32) -> (i32, i32) {
    %c0_i32 = arith.constant 0 : i32
    %c0_i32_0 = arith.constant 0 : i32
    %c0_i32_1 = arith.constant 0 : i32
    return %c0_i32, %c0_i32_0 : i32, i32
  }
  func.func @transform_12(%arg0: i32, %arg1: i32) -> (i32, i32) {
    %c0_i32 = arith.constant 0 : i32
    %c0_i32_0 = arith.constant 0 : i32
    %c0_i32_1 = arith.constant 0 : i32
    return %c0_i32, %c0_i32_0 : i32, i32
  }
  func.func @transform_13(%arg0: i32, %arg1: i32) -> (i32, i32, i32) {
    %c0_i32 = arith.constant 0 : i32
    %c0_i32_0 = arith.constant 0 : i32
    return %arg0, %arg1, %c0_i32 : i32, i32, i32
  }
  func.func @transform_14(%arg0: i32, %arg1: i32) -> (i32, i32, i32) {
    %c0_i32 = arith.constant 0 : i32
    %c0_i32_0 = arith.constant 0 : i32
    return %arg0, %arg1, %c0_i32 : i32, i32, i32
  }
  func.func @transform_15(%arg0: i32, %arg1: i32) -> (i32, i32, i32) {
    %c0_i32 = arith.constant 0 : i32
    %c0_i32_0 = arith.constant 0 : i32
    return %arg0, %arg1, %c0_i32 : i32, i32, i32
  }
  func.func @transform_16(%arg0: i32, %arg1: i32) -> (i32, i32, i32) {
    %c0_i32 = arith.constant 0 : i32
    %c0_i32_0 = arith.constant 0 : i32
    return %arg0, %arg1, %c0_i32 : i32, i32, i32
  }
  func.func @transform_17(%arg0: i32, %arg1: i32) -> (i32, i32, i32) {
    %c0_i32 = arith.constant 0 : i32
    %c0_i32_0 = arith.constant 0 : i32
    return %arg0, %arg1, %c0_i32 : i32, i32, i32
  }
}

</mosaic_0001>

<sc_bundles>
// kernel: kernel.15.cloned.1.call-start
scs
__scs_entry_jumppad:
0x0: {  	(pc) =	sbr.rel $0x88, $3  }
0x1: {  	(tag) =	ssettag $0x0;
	lr =	simm.s32 $0x1  }
0x2: {  	[smem:$0x3F7F] =	sst lr;
	_ =	strace $0xD0000000  }
0x3: {  	_ = 	snop  }
0x4: {  	_ = 	snop  }
0x5: {  	_ = 	snop  }
0x6: {  	_ = 	snop  }
0x7: {  	_ = 	snop  }
__scs_overlays_trampoline_lowered:
0x8: {  	[smem:$0x3F8E] =	sst s0  }
0x9: {  	[smem:$0x3F8F] =	sst s1  }
0xa: {  	[smem:$0x3F90] =	sst s2  }
0xb: {  	[smem:$0x3F91] =	sst s3  }
0xc: {  	[smem:$0x3F92] =	sst s4  }
0xd: {  	[smem:$0x3F93] =	sst s5  }
0xe: {  	[smem:$0x3F94] =	sst s6  }
0xf: {  	[smem:$0x3F95] =	sst s7  }
0x10: {  	[smem:$0x3F96] =	sst s8  }
0x11: {  	[smem:$0x3F97] =	sst s9;
	s0 =	simm.s32 @!p0 $0x0  }
0x12: {  	s1 =	sld [smem:$0x3F7D];
	s0 =	simm.s32 @p0 $0x1  }
0x13: {  	[smem:$0x3F98] =	sst s0;
	s0 =	simm.s32 @!p1 $0x0  }
0x14: {  	s2 =	sld [smem:$0x3F7C];
	s0 =	simm.s32 @p1 $0x1  }
0x15: {  	[smem:$0x3F99] =	sst s0;
	s0 =	simm.s32 @!p2 $0x0  }
0x16: {  	s3 =	sld [smem:$0x3FDB];
	s0 =	simm.s32 @p2 $0x1  }
0x17: {  	s4 =	simm.s32 $0x1BF5;
	[smem:$0x3F9B] =	sst s0  }
0x18: {  	s0 =	sld [smem:$0x3F7E];
	_ =	swait.ge [sflag:s4], $0x0  }
0x19: {  	s7 =	sld [smem:$0x3F7F]  }
0x1a: {  	s8 =	sadd.s32 $0xFFFFE003, lr  }
0x1b: {  	s9 =	sadd.s32 $0xFFFFFEF7, lr;
	s5 =	simm.s32 $0xFFFFFFFF;
	p2 =	slt.u32 s8, $0xFFFFF086  }
0x1c: {  	p1 =	slt.u32 s9, $0xF7A;
	s5 =	simm.s32 @!p2 $0x0  }
0x1d: {  	s5 =	simm.s32 @p1 $0x1;
	p0 =	seq.s32 s7, s2  }
0x1e: {  	s7 =	smul.u32 @!p0 $0xF7A, s2;
	p2 =	seq.s32 @!p0 s5, $0x0  }
0x1f: {  	s9 =	smul.u32 $0xF7A, s1;
	s8 =	simm.s32 @!p0 $0x1BF5;
	p2 =	por !p2, p0  }
0x20: {  	[sflag:s8] =	ssyncset.s32 @!p0 $0xFFFFF086;
	s6 =	sadd.s32 @!p0 s3, s7;
	s7 =	simm.s32 @!p0 $0x108  }
0x21: {  	s3 =	sadd.s32 s3, s9;
	s6 =	sadd.s32 @!p0 $0x88, s6;
	s7 =	simm.s32 @p2 $0x1082  }
0x22: {  	[simem:s7], [sflag:s8] =	dma.local @!p0 [hbm:s6], $0xF7A  }
0x23: {  	s9 =	sor.u32 $0xD0000000, s2;
	s6 =	simm.s32 $0x108;
	_ =	swait.ge @!p0 [sflag:s8], $0x0  }
0x24: {  	s3 =	sadd.s32 $0x88, s3;
	s6 =	simm.s32 @!p1 $0x1082;
	[sflag:s4] =	ssyncset.s32 $0xFFFFF086  }
0x25: {  	[simem:s6], [sflag:s4] =	dma.local [hbm:s3], $0xF7A  }
0x26: {  	[smem:$0x3F7F] =	sst s1;
	(tag) =	ssettag s2;
	_ =	strace s9  }
0x27: {  	s1 =	sld [smem:$0x3F8F]  }
0x28: {  	s2 =	sld [smem:$0x3F90]  }
0x29: {  	s4 =	sld [smem:$0x3F92]  }
0x2a: {  	p0 =	seq.s32 s5, $0x0;
	s5 =	sld [smem:$0x3F93]  }
0x2b: {  	s6 =	sld [smem:$0x3F94]  }
0x2c: {  	s7 =	sld [smem:$0x3F95]  }
0x2d: {  	s3 =	simm.s32 $0x108;
	s8 =	sld [smem:$0x3F96]  }
0x2e: {  	s3 =	simm.s32 @!p0 $0x1082;
	s9 =	sld [smem:$0x3F97]  }
0x2f: {  	lr =	sadd.s32 s0, s3;
	s0 =	sld [smem:$0x3F8E]  }
0x30: {  	s3 =	sld [smem:$0x3F91]  }
0x31: {  	[smem:$0x3F9A] =	sst s10  }
0x32: {  	s10 =	sld [smem:$0x3F98];
	_ =	sdelay $0x3  }
0x33: {  	p0 =	seq.s32 s10, $0x1;
	s10 =	sld [smem:$0x3F9A];
	_ =	sdelay $0x3  }
0x34: {  	[smem:$0x3F9A] =	sst s10  }
0x35: {  	s10 =	sld [smem:$0x3F99];
	_ =	sdelay $0x3  }
0x36: {  	p1 =	seq.s32 s10, $0x1;
	s10 =	sld [smem:$0x3F9A];
	_ =	sdelay $0x3  }
0x37: {  	[smem:$0x3F9A] =	sst s10  }
0x38: {  	s10 =	sld [smem:$0x3F9B]  }
0x39: {  	_ = 	snop;
	(pc) =	sbr.ind lr, $3  }
0x3a: {  	_ = 	snop  }
0x3b: {  	_ = 	snop  }
0x3c: {  	p2 =	seq.s32 s10, $0x1;
	s10 =	sld [smem:$0x3F9A]  }
0x3d: {  	_ =	shalt  }
0x3e: {  	_ =	shalt  }
0x3f: {  	_ =	shalt  }
0x40: {  	_ =	shalt  }
0x41: {  	_ =	shalt  }
0x42: {  	_ =	shalt  }
0x43: {  	_ =	shalt  }
0x44: {  	_ =	shalt  }
0x45: {  	_ =	shalt  }
0x46: {  	_ =	shalt  }
0x47: {  	_ =	shalt  }
0x48: {  	_ =	shalt  }
0x49: {  	_ =	shalt  }
0x4a: {  	_ =	shalt  }
0x4b: {  	_ =	shalt  }
0x4c: {  	_ =	shalt  }
0x4d: {  	_ =	shalt  }
0x4e: {  	_ =	shalt  }
0x4f: {  	_ =	shalt  }
0x50: {  	_ =	shalt  }
0x51: {  	_ =	shalt  }
0x52: {  	_ =	shalt  }
0x53: {  	_ =	shalt  }
0x54: {  	_ =	shalt  }
0x55: {  	_ =	shalt  }
0x56: {  	_ =	shalt  }
0x57: {  	_ =	shalt  }
0x58: {  	_ =	shalt  }
0x59: {  	_ =	shalt  }
0x5a: {  	_ =	shalt  }
0x5b: {  	_ =	shalt  }
0x5c: {  	_ =	shalt  }
0x5d: {  	_ =	shalt  }
0x5e: {  	_ =	shalt  }
0x5f: {  	_ =	shalt  }
0x60: {  	_ =	shalt  }
0x61: {  	_ =	shalt  }
0x62: {  	_ =	shalt  }
0x63: {  	_ =	shalt  }
0x64: {  	_ =	shalt  }
0x65: {  	_ =	shalt  }
0x66: {  	_ =	shalt  }
0x67: {  	_ =	shalt  }
0x68: {  	_ =	shalt  }
0x69: {  	_ =	shalt  }
0x6a: {  	_ =	shalt  }
0x6b: {  	_ =	shalt  }
0x6c: {  	_ =	shalt  }
0x6d: {  	_ =	shalt  }
0x6e: {  	_ =	shalt  }
0x6f: {  	_ =	shalt  }
0x70: {  	_ =	shalt  }
0x71: {  	_ =	shalt  }
0x72: {  	_ =	shalt  }
0x73: {  	_ =	shalt  }
0x74: {  	_ =	shalt  }
0x75: {  	_ =	shalt  }
0x76: {  	_ =	shalt  }
0x77: {  	_ =	shalt  }
0x78: {  	_ =	shalt  }
0x79: {  	_ =	shalt  }
0x7a: {  	_ =	shalt  }
0x7b: {  	_ =	shalt  }
0x7c: {  	_ =	shalt  }
0x7d: {  	_ =	shalt  }
0x7e: {  	_ =	shalt  }
0x7f: {  	_ =	shalt  }
0x80: {  	_ =	shalt  }
0x81: {  	_ =	shalt  }
0x82: {  	_ =	shalt  }
0x83: {  	_ =	shalt  }
0x84: {  	_ =	shalt  }
0x85: {  	_ =	shalt  }
0x86: {  	_ =	shalt  }
0x87: {  	_ =	shalt  }
.Lfunc_end0:
.L_simem_size_0:
called_computation_lowered:
.L_overlay_start_0:
0x88: {  	s2 =	sld [smem:$0x3FD9]  }
0x89: {  	s3 =	sld [smem:$0x3FFE];
	_ =	sdelay $0x1  }
0x8a: {  	s1 =	srdreg.scid  }
0x8b: {  	s0 =	sand.u32 $0x1, s1  }
0x8c: {  	s14 =	sshll.u32 s0, $0xA;
	s2 =	sadd.s32 s3, s2  }
0x8d: {  	s2 =	sadd.s32 s2, s14  }
0x8e: {  	[smem:$0x3FA6] =	sst s2  }
0x8f: {  	_ = 	snop  }
0x90: {  	s2 =	sld [smem:$0x3FD0];
	_ =	sdelay $0x2  }
0x91: {  	s15 =	simm.s32 $0xA;
	s4 =	simm.s32 $0x10  }
0x92: {  	[smem:s4], [sflag:s15] =	dma.local [hbm:s2], $0x1  }
0x93: {  	_ =	swait.eq [sflag:s15], $0x1  }
0x94: {  	[sflag:s15] =	ssyncset.done $0x0  }
0x95: {  	s16 =	sld [smem:$0x13];
	[sflag:s15] =	ssyncadd.s32 $0xFFFFFFFF  }
0x96: {  	s17 =	sld [smem:$0x14];
	(tm) =	ssettm $0x1  }
0x97: {  	s18 =	sld [smem:$0x3FFB];
	_ =	sdelay $0x3  }
0x98: {  	_ =	strace s18  }
0x99: {  	s4 =	sld [smem:$0x3FFC];
	_ =	sdelay $0x3  }
0x9a: {  	_ =	strace s4  }
0x9b: {  	s4 =	sld [smem:$0x3FFD];
	_ =	sdelay $0x3  }
0x9c: {  	_ =	strace s4  }
0x9d: {  	_ =	strace $0x8FFFFFFF  }
0x9e: {  	s19 =	sld [smem:$0x3FDB];
	_ =	sdelay $0x1  }
0x9f: {  	s5 =	simm.s32 $_scs_section_size  }
0xa0: {  	s6 =	simm.s32 $_size__tile_overlayer_lowered;
	s7 =	simm.s32 $_tile_overlayer_lowered  }
0xa1: {  	s22 =	simm.s32 $0x1BFF;
	s21 =	sshll.u32 s7, $0x1;
	s4 =	sadd.s32 s5, s19  }
0xa2: {  	s8 =	simm.s32 $0x0;
	s20 =	sshll.u32 s6, $0x1;
	s6 =	sadd.s32 s21, s4  }
0xa3: {  	[timem:s8], [sflag:s22] =	dma.local [hbm:s6], s20  }
0xa4: {  	_ =	swait.ge [sflag:s22], s20  }
0xa5: {  	s5 =	ssub.s32 $0x0, s20;
	[sflag:s22] =	ssyncset.done $0x0  }
0xa6: {  	[sflag:s22] =	ssyncadd.s32 s5;
	_ =	sdelay $0x1  }
0xa7: {  	s23 =	simm.s32 $0x1B8B  }
0xa8: {  	_ =	swait.ge [sflag:s23], $0x1  }
0xa9: {  	[sflag:s23] =	ssyncset.done $0x0  }
0xaa: {  	s25 =	simm.s32 $0x1B8E;
	s24 =	sld [smem:$0x3FFE];
	[sflag:s23] =	ssyncadd.s32 $0xFFFFFFFF  }
0xab: {  	s26 =	simm.s32 $execute0_lowered;
	[smem:$0x3FD2] =	sst s25  }
0xac: {  	s6 =	sshll.u32 s26, $0x1;
	_ =	strace $0x80000046;
	[dreg:$0x1] =	wrdreg $0xFFFFFFFF  }
0xad: {  	s28 =	simm.s32 $_size_execute0_lowered;
	s4 =	sadd.s32 s4, s6;
	[dreg:$0x0] =	wrdreg $0x0  }
0xae: {  	s6 =	sshll.u32 s28, $0x1;
	[dreg:$0x2] =	wrdreg s4  }
0xaf: {  	[dreg:$0x3] =	wrdreg s6  }
0xb0: {  	[dreg:$0x4] =	wrdreg $0xC0  }
0xb1: {  	_ =	task [dreg:s8], $0x5FFFF  }
0xb2: {  	[dreg:$0x1] =	wrdreg $0xFFFFFFFF  }
0xb3: {  	[dreg:$0x0] =	wrdreg $0x60  }
0xb4: {  	[dreg:$0x2] =	wrdreg s16  }
0xb5: {  	[dreg:$0x3] =	wrdreg s17  }
0xb6: {  	[dreg:$0x4] =	wrdreg s24  }
0xb7: {  	[dreg:$0x5] =	wrdreg $0x9  }
0xb8: {  	_ =	task.clear_ibuf [dreg:s8], $0x6FFFF;
	_ =	strace $0x90000046  }
0xb9: {  	s29 =	simm.s32 $0x9;
	_ =	strace $0x80000048  }
0xba: {  	_ =	swait.ge [sflag:s29], $0x1  }
0xbb: {  	[sflag:s29] =	ssyncadd.s32 $0xFFFFFFFF  }
0xbc: {  	_ =	strace $0x90000048  }
0xbd: {  	_ =	sfence  }
0xbe: {  	s30 =	sld [smem:$0x0];
	_ =	sdelay $0x2  }
0xbf: {  	s31 =	sshll.u32 s1, $0xD;
	s1 =	sshrl.u32 s1, $0x2  }
0xc0: {  	s3 =	sand.u32 $0x4000, s31;
	s1 =	sadd.s32 s1, s30  }
0xc1: {  	s0 =	sor.u32 s3, s0;
	s1 =	sshll.u32 s1, $0x11  }
0xc2: {  	s0 =	sor.u32 s1, s0  }
0xc3: {  	s0 =	sadd.s32 $0x8F2B, s0  }
0xc4: {  	[sflag:s0] =	ssyncadd.remote.s32 $0x1  }
0xc5: {  	_ =	sfence.sel $0xFFFF  }
0xc6: {  	[dreg:$0x0] =	wrdreg $0xFFFFFFFF;
	(pc) =	sbr.abs _section_cstart, $3  }
0xc7: {  	[dreg:$0x1] =	wrdreg $0xFFFFFFFF  }
0xc8: {  	_ =	task.clear_ibuf [dreg:s8], $0x2FFFF;
	_ =	strace $0x9FFFFFFF  }
0xc9: {  	(tm) =	ssettm $0x7FFFFFFF  }
tec
execute0_lowered:
.L_overlay_start_1:
0x0: {  	(tag) =	ssettag $0x1  }
0x1: {  	s2 =	rddreg [dreg:$0x0]  }
0x2: {  	s6 =	rddreg [dreg:$0x1]  }
0x3: {  	s4 =	rddreg [dreg:$0x2]  }
0x4: {  	s0 =	rddreg [dreg:$0x3];
	s1 =	stileid.u32  }
0x5: {  	s7 =	srdreg.scid;
	s5 =	smul.u32 $0x14000, s1  }
0x6: {  	s3 =	simm.s32 $0x0;
	s7 =	sand.u32 $0x1, s7;
	s8 =	smul.u32 $0x1400, s1  }
0x7: {  	[smem:$0x7FF] =	sst s3;
	s9 =	ssub.s32 $0x2, s7;
	s10 =	smul.u32 $0xA00, s7  }
0x8: {  	s7 =	smul.u32 $0xA000, s7;
	_ =	strace $0x80000047;
	s30 =	sshrl.u32 s9, $0x1  }
0x9: {  	s5 =	sadd.s32 s5, s4;
	s4 =	ssub.s32 s9, s30;
	s8 =	sadd.s32 s10, s8  }
0xa: {  	s5 =	sadd.s32 s7, s5;
	s7 =	simm.s32 $0x2;
	s9 =	simm.s32 $0x1  }
0xb: {  	s10 =	simm.s32 $0x0;
	s4 =	smax.u32 s4, $0x1;
	s31 =	sshrl.u32 s8, $0x3  }
0xc: {  	s5 =	sadd.s32 $0x7200, s5;
	s8 =	simm.s32 $0x100;
	s6 =	sadd.s32 s31, s6  }
.LBB2_1:
0xd: {  	s11 =	sadd.s32 $0x0, s6  }
0xe: {  	[tilespmem:s3], [sflag:$0x2] =	stream.linear.gather [hbm4b:s11+s3], $0x100, $0x38;
	[tilespmem:$0x8100] =	vst v63  }
0xf: {  	_ =	swait.ge [sflag:s7], $0x100  }
0x10: {  	[sflag:s7] =	ssyncset.done $0x0  }
0x11: {  	[sflag:s7] =	ssyncadd.s32 $0xFFFFFF00  }
0x12: {  	[tilespmem:s8], [sflag:$0x1] =	stream.indirect.gather [hbm4b:s2+s8], $0x80, s3, s8, $0xb8;
	[tilespmem:$0x8100] =	vst v63  }
0x13: {  	_ =	swait.ge [sflag:s9], $0x8000  }
0x14: {  	[sflag:s9] =	ssyncset.done $0x0  }
0x15: {  	[sflag:s9] =	ssyncadd.s32 $0xFFFF8000  }
0x16: {  	[hbm4b:s5+s3] =	stream.linear.scatter [tilespmem:s8], [sflag:$0x2], $0x8000, $0x38;
	[tilespmem:$0x8100] =	vst v63  }
0x17: {  	s12 =	simm.s32 $0x20;
	_ =	swait.ge [sflag:s7], $0x8000  }
0x18: {  	s13 =	simm.s32 $0x40;
	s11 =	sadd.s32 $0x1000, s5;
	[sflag:s7] =	ssyncset.done $0x0  }
.LBB2_2:
0x19: {  	s14 =	sadd.s32 s12, s6  }
0x1a: {  	[sflag:s7] =	ssyncadd.s32 $0xFFFF8000;
	s12 =	smov.u32 s13;
	s15 =	sadd.s32 $0x20, s13  }
0x1b: {  	[tilespmem:s3], [sflag:$0x2] =	stream.linear.gather [hbm4b:s14+s3], $0x100, $0x38;
	[tilespmem:$0x8100] =	vst v63  }
0x1c: {  	p0 =	sne.s32 s13, $0x120;
	_ =	swait.ge [sflag:s7], $0x100  }
0x1d: {  	[sflag:s7] =	ssyncset.done $0x0  }
0x1e: {  	[sflag:s7] =	ssyncadd.s32 $0xFFFFFF00  }
0x1f: {  	[tilespmem:s8], [sflag:$0x1] =	stream.indirect.gather [hbm4b:s2+s8], $0x80, s3, s8, $0xb8;
	[tilespmem:$0x8100] =	vst v63  }
0x20: {  	_ =	swait.ge [sflag:s9], $0x8000  }
.Ltmp0:
0x21: {  	[sflag:s9] =	ssyncset.done $0x0;
	(pc) =	sbr.rel @p0 .LBB2_2-.Ltmp0, $4  }
0x22: {  	[sflag:s9] =	ssyncadd.s32 $0xFFFF8000  }
0x23: {  	[hbm4b:s11+s3] =	stream.linear.scatter [tilespmem:s8], [sflag:$0x2], $0x8000, $0x38;
	[tilespmem:$0x8100] =	vst v63  }
0x24: {  	_ =	swait.ge [sflag:s7], $0x8000  }
0x25: {  	s13 =	smov.u32 s15;
	s11 =	sadd.s32 $0x1000, s11;
	[sflag:s7] =	ssyncset.done $0x0  }
0x26: {  	s12 =	sadd.s32 s12, s6;
	[sflag:s7] =	ssyncadd.s32 $0xFFFF8000  }
0x27: {  	[tilespmem:s3], [sflag:$0x2] =	stream.linear.gather [hbm4b:s12+s3], $0x100, $0x38;
	[tilespmem:$0x8100] =	vst v63  }
0x28: {  	_ =	swait.ge [sflag:s7], $0x100  }
0x29: {  	[sflag:s7] =	ssyncset.done $0x0  }
0x2a: {  	[sflag:s7] =	ssyncadd.s32 $0xFFFFFF00  }
0x2b: {  	[tilespmem:s8], [sflag:$0x1] =	stream.indirect.gather [hbm4b:s2+s8], $0x80, s3, s8, $0xb8;
	[tilespmem:$0x8100] =	vst v63  }
0x2c: {  	s10 =	sadd.s32 $0x1, s10;
	_ =	swait.ge [sflag:s9], $0x8000  }
0x2d: {  	p0 =	sne.s32 s10, s4;
	[sflag:s9] =	ssyncset.done $0x0  }
.Ltmp1:
0x2e: {  	[sflag:s9] =	ssyncadd.s32 $0xFFFF8000;
	(pc) =	sbr.rel @p0 .LBB2_1-.Ltmp1, $4  }
0x2f: {  	[hbm4b:s11+s3] =	stream.linear.scatter [tilespmem:s8], [sflag:$0x2], $0x8000, $0x38;
	[tilespmem:$0x8100] =	vst v63  }
0x30: {  	_ =	swait.ge [sflag:s7], $0x8000  }
0x31: {  	[sflag:s7] =	ssyncset.done $0x0  }
0x32: {  	[sflag:s7] =	ssyncadd.s32 $0xFFFF8000  }
0x33: {  	_ =	sfence.sel $0x180000  }
0x34: {  	[bflag:$0x0] =	sbarrier.arrive $0xFFFF  }
0x35: {  	p0 =	sne.s32 s1, $0x0;
	_ =	strace $0x90000047  }
0x36: {  	s0 =	sadd.s32 @!p0 $0x100000, s0;
	[bflag:$0x2] =	sbarrier.arrive $0xFFFF  }
0x37: {  	[sflag:s0] =	ssyncadd.tile.s32 @!p0 $0x1;
	_ =	shalt  }
.Lfunc_end2:
_tile_overlayer_lowered:
.L_overlay_start_2:
0x38: {  	(tag) =	ssettag $0x2  }
0x39: {  	s0 =	rddreg [dreg:$0x0];
	s2 =	stileid.u32  }
0x3a: {  	s1 =	rddreg [dreg:$0x1];
	p0 =	sne.s32 s2, $0x0  }
0x3b: {  	s3 =	rddreg [dreg:$0x2];
	[bflag:$0x3] =	sbarrier.arrive $0xFFFF;
	s2 =	simm.s32 @!p0 $0x1C02  }
0x3c: {  	[timem:s3], [sflag:s2] =	dma.local @!p0 [hbm:s0], s1  }
0x3d: {  	s0 =	simm.s32 @!p0 $0x2  }
0x3e: {  	_ =	swait.ge @!p0 [sflag:s0], s1  }
0x3f: {  	s1 =	ssub.s32 @!p0 $0x0, s1;
	[sflag:s0] =	ssyncset.done @!p0 $0x0  }
0x40: {  	[sflag:s0] =	ssyncadd.s32 @!p0 s1  }
0x41: {  	[bflag:$0x3] =	sbarrier.arrive $0xFFFF  }
0x42: {  	_ =	shalt  }

// kernel: kernel.18.cloned.1.call-start
scs
__scs_entry_jumppad:
0x0: {  	(pc) =	sbr.rel $0x88, $3  }
0x1: {  	(tag) =	ssettag $0x0;
	lr =	simm.s32 $0x1  }
0x2: {  	[smem:$0x3F7F] =	sst lr;
	_ =	strace $0xD0000000  }
0x3: {  	_ = 	snop  }
0x4: {  	_ = 	snop  }
0x5: {  	_ = 	snop  }
0x6: {  	_ = 	snop  }
0x7: {  	_ = 	snop  }
__scs_overlays_trampoline_lowered:
0x8: {  	[smem:$0x3F8E] =	sst s0  }
0x9: {  	[smem:$0x3F8F] =	sst s1  }
0xa: {  	[smem:$0x3F90] =	sst s2  }
0xb: {  	[smem:$0x3F91] =	sst s3  }
0xc: {  	[smem:$0x3F92] =	sst s4  }
0xd: {  	[smem:$0x3F93] =	sst s5  }
0xe: {  	[smem:$0x3F94] =	sst s6  }
0xf: {  	[smem:$0x3F95] =	sst s7  }
0x10: {  	[smem:$0x3F96] =	sst s8  }
0x11: {  	[smem:$0x3F97] =	sst s9;
	s0 =	simm.s32 @!p0 $0x0  }
0x12: {  	s1 =	sld [smem:$0x3F7D];
	s0 =	simm.s32 @p0 $0x1  }
0x13: {  	[smem:$0x3F98] =	sst s0;
	s0 =	simm.s32 @!p1 $0x0  }
0x14: {  	s2 =	sld [smem:$0x3F7C];
	s0 =	simm.s32 @p1 $0x1  }
0x15: {  	[smem:$0x3F99] =	sst s0;
	s0 =	simm.s32 @!p2 $0x0  }
0x16: {  	s3 =	sld [smem:$0x3FDB];
	s0 =	simm.s32 @p2 $0x1  }
0x17: {  	s4 =	simm.s32 $0x1BF5;
	[smem:$0x3F9B] =	sst s0  }
0x18: {  	s0 =	sld [smem:$0x3F7E];
	_ =	swait.ge [sflag:s4], $0x0  }
0x19: {  	s7 =	sld [smem:$0x3F7F]  }
0x1a: {  	s8 =	sadd.s32 $0xFFFFE003, lr  }
0x1b: {  	s9 =	sadd.s32 $0xFFFFFEF7, lr;
	s5 =	simm.s32 $0xFFFFFFFF;
	p2 =	slt.u32 s8, $0xFFFFF086  }
0x1c: {  	p1 =	slt.u32 s9, $0xF7A;
	s5 =	simm.s32 @!p2 $0x0  }
0x1d: {  	s5 =	simm.s32 @p1 $0x1;
	p0 =	seq.s32 s7, s2  }
0x1e: {  	s7 =	smul.u32 @!p0 $0xF7A, s2;
	p2 =	seq.s32 @!p0 s5, $0x0  }
0x1f: {  	s9 =	smul.u32 $0xF7A, s1;
	s8 =	simm.s32 @!p0 $0x1BF5;
	p2 =	por !p2, p0  }
0x20: {  	[sflag:s8] =	ssyncset.s32 @!p0 $0xFFFFF086;
	s6 =	sadd.s32 @!p0 s3, s7;
	s7 =	simm.s32 @!p0 $0x108  }
0x21: {  	s3 =	sadd.s32 s3, s9;
	s6 =	sadd.s32 @!p0 $0x88, s6;
	s7 =	simm.s32 @p2 $0x1082  }
0x22: {  	[simem:s7], [sflag:s8] =	dma.local @!p0 [hbm:s6], $0xF7A  }
0x23: {  	s9 =	sor.u32 $0xD0000000, s2;
	s6 =	simm.s32 $0x108;
	_ =	swait.ge @!p0 [sflag:s8], $0x0  }
0x24: {  	s3 =	sadd.s32 $0x88, s3;
	s6 =	simm.s32 @!p1 $0x1082;
	[sflag:s4] =	ssyncset.s32 $0xFFFFF086  }
0x25: {  	[simem:s6], [sflag:s4] =	dma.local [hbm:s3], $0xF7A  }
0x26: {  	[smem:$0x3F7F] =	sst s1;
	(tag) =	ssettag s2;
	_ =	strace s9  }
0x27: {  	s1 =	sld [smem:$0x3F8F]  }
0x28: {  	s2 =	sld [smem:$0x3F90]  }
0x29: {  	s4 =	sld [smem:$0x3F92]  }
0x2a: {  	p0 =	seq.s32 s5, $0x0;
	s5 =	sld [smem:$0x3F93]  }
0x2b: {  	s6 =	sld [smem:$0x3F94]  }
0x2c: {  	s7 =	sld [smem:$0x3F95]  }
0x2d: {  	s3 =	simm.s32 $0x108;
	s8 =	sld [smem:$0x3F96]  }
0x2e: {  	s3 =	simm.s32 @!p0 $0x1082;
	s9 =	sld [smem:$0x3F97]  }
0x2f: {  	lr =	sadd.s32 s0, s3;
	s0 =	sld [smem:$0x3F8E]  }
0x30: {  	s3 =	sld [smem:$0x3F91]  }
0x31: {  	[smem:$0x3F9A] =	sst s10  }
0x32: {  	s10 =	sld [smem:$0x3F98];
	_ =	sdelay $0x3  }
0x33: {  	p0 =	seq.s32 s10, $0x1;
	s10 =	sld [smem:$0x3F9A];
	_ =	sdelay $0x3  }
0x34: {  	[smem:$0x3F9A] =	sst s10  }
0x35: {  	s10 =	sld [smem:$0x3F99];
	_ =	sdelay $0x3  }
0x36: {  	p1 =	seq.s32 s10, $0x1;
	s10 =	sld [smem:$0x3F9A];
	_ =	sdelay $0x3  }
0x37: {  	[smem:$0x3F9A] =	sst s10  }
0x38: {  	s10 =	sld [smem:$0x3F9B]  }
0x39: {  	_ = 	snop;
	(pc) =	sbr.ind lr, $3  }
0x3a: {  	_ = 	snop  }
0x3b: {  	_ = 	snop  }
0x3c: {  	p2 =	seq.s32 s10, $0x1;
	s10 =	sld [smem:$0x3F9A]  }
0x3d: {  	_ =	shalt  }
0x3e: {  	_ =	shalt  }
0x3f: {  	_ =	shalt  }
0x40: {  	_ =	shalt  }
0x41: {  	_ =	shalt  }
0x42: {  	_ =	shalt  }
0x43: {  	_ =	shalt  }
0x44: {  	_ =	shalt  }
0x45: {  	_ =	shalt  }
0x46: {  	_ =	shalt  }
0x47: {  	_ =	shalt  }
0x48: {  	_ =	shalt  }
0x49: {  	_ =	shalt  }
0x4a: {  	_ =	shalt  }
0x4b: {  	_ =	shalt  }
0x4c: {  	_ =	shalt  }
0x4d: {  	_ =	shalt  }
0x4e: {  	_ =	shalt  }
0x4f: {  	_ =	shalt  }
0x50: {  	_ =	shalt  }
0x51: {  	_ =	shalt  }
0x52: {  	_ =	shalt  }
0x53: {  	_ =	shalt  }
0x54: {  	_ =	shalt  }
0x55: {  	_ =	shalt  }
0x56: {  	_ =	shalt  }
0x57: {  	_ =	shalt  }
0x58: {  	_ =	shalt  }
0x59: {  	_ =	shalt  }
0x5a: {  	_ =	shalt  }
0x5b: {  	_ =	shalt  }
0x5c: {  	_ =	shalt  }
0x5d: {  	_ =	shalt  }
0x5e: {  	_ =	shalt  }
0x5f: {  	_ =	shalt  }
0x60: {  	_ =	shalt  }
0x61: {  	_ =	shalt  }
0x62: {  	_ =	shalt  }
0x63: {  	_ =	shalt  }
0x64: {  	_ =	shalt  }
0x65: {  	_ =	shalt  }
0x66: {  	_ =	shalt  }
0x67: {  	_ =	shalt  }
0x68: {  	_ =	shalt  }
0x69: {  	_ =	shalt  }
0x6a: {  	_ =	shalt  }
0x6b: {  	_ =	shalt  }
0x6c: {  	_ =	shalt  }
0x6d: {  	_ =	shalt  }
0x6e: {  	_ =	shalt  }
0x6f: {  	_ =	shalt  }
0x70: {  	_ =	shalt  }
0x71: {  	_ =	shalt  }
0x72: {  	_ =	shalt  }
0x73: {  	_ =	shalt  }
0x74: {  	_ =	shalt  }
0x75: {  	_ =	shalt  }
0x76: {  	_ =	shalt  }
0x77: {  	_ =	shalt  }
0x78: {  	_ =	shalt  }
0x79: {  	_ =	shalt  }
0x7a: {  	_ =	shalt  }
0x7b: {  	_ =	shalt  }
0x7c: {  	_ =	shalt  }
0x7d: {  	_ =	shalt  }
0x7e: {  	_ =	shalt  }
0x7f: {  	_ =	shalt  }
0x80: {  	_ =	shalt  }
0x81: {  	_ =	shalt  }
0x82: {  	_ =	shalt  }
0x83: {  	_ =	shalt  }
0x84: {  	_ =	shalt  }
0x85: {  	_ =	shalt  }
0x86: {  	_ =	shalt  }
0x87: {  	_ =	shalt  }
.Lfunc_end0:
.L_simem_size_0:
called_computation.1_lowered:
.L_overlay_start_0:
0x88: {  	s2 =	sld [smem:$0x3FD9]  }
0x89: {  	s3 =	sld [smem:$0x3FFE];
	_ =	sdelay $0x1  }
0x8a: {  	s1 =	srdreg.scid  }
0x8b: {  	s0 =	sand.u32 $0x1, s1  }
0x8c: {  	s14 =	sshll.u32 s0, $0xA;
	s2 =	sadd.s32 s3, s2  }
0x8d: {  	s2 =	sadd.s32 s2, s14  }
0x8e: {  	[smem:$0x3FA6] =	sst s2  }
0x8f: {  	_ = 	snop  }
0x90: {  	s2 =	sld [smem:$0x3FD0];
	_ =	sdelay $0x2  }
0x91: {  	s15 =	simm.s32 $0xA;
	s4 =	simm.s32 $0x10  }
0x92: {  	[smem:s4], [sflag:s15] =	dma.local [hbm:s2], $0x1  }
0x93: {  	_ =	swait.eq [sflag:s15], $0x1  }
0x94: {  	[sflag:s15] =	ssyncset.done $0x0  }
0x95: {  	s16 =	sld [smem:$0x13];
	[sflag:s15] =	ssyncadd.s32 $0xFFFFFFFF  }
0x96: {  	s17 =	sld [smem:$0x14];
	(tm) =	ssettm $0x1  }
0x97: {  	s18 =	sld [smem:$0x3FFB];
	_ =	sdelay $0x3  }
0x98: {  	_ =	strace s18  }
0x99: {  	s4 =	sld [smem:$0x3FFC];
	_ =	sdelay $0x3  }
0x9a: {  	_ =	strace s4  }
0x9b: {  	s4 =	sld [smem:$0x3FFD];
	_ =	sdelay $0x3  }
0x9c: {  	_ =	strace s4  }
0x9d: {  	_ =	strace $0x8FFFFFFF  }
0x9e: {  	s19 =	sld [smem:$0x3FDB];
	_ =	sdelay $0x1  }
0x9f: {  	s5 =	simm.s32 $_scs_section_size  }
0xa0: {  	s6 =	simm.s32 $_size__tile_overlayer_lowered;
	s7 =	simm.s32 $_tile_overlayer_lowered  }
0xa1: {  	s22 =	simm.s32 $0x1BFF;
	s21 =	sshll.u32 s7, $0x1;
	s4 =	sadd.s32 s5, s19  }
0xa2: {  	s8 =	simm.s32 $0x0;
	s20 =	sshll.u32 s6, $0x1;
	s6 =	sadd.s32 s21, s4  }
0xa3: {  	[timem:s8], [sflag:s22] =	dma.local [hbm:s6], s20  }
0xa4: {  	_ =	swait.ge [sflag:s22], s20  }
0xa5: {  	s5 =	ssub.s32 $0x0, s20;
	[sflag:s22] =	ssyncset.done $0x0  }
0xa6: {  	[sflag:s22] =	ssyncadd.s32 s5;
	_ =	sdelay $0x1  }
0xa7: {  	s23 =	simm.s32 $0x1B8B  }
0xa8: {  	_ =	swait.ge [sflag:s23], $0x1  }
0xa9: {  	[sflag:s23] =	ssyncset.done $0x0  }
0xaa: {  	s25 =	simm.s32 $0x1B8E;
	s24 =	sld [smem:$0x3FFE];
	[sflag:s23] =	ssyncadd.s32 $0xFFFFFFFF  }
0xab: {  	s26 =	simm.s32 $execute0_lowered;
	[smem:$0x3FD2] =	sst s25  }
0xac: {  	s6 =	sshll.u32 s26, $0x1;
	_ =	strace $0x80000049;
	[dreg:$0x1] =	wrdreg $0xFFFFFFFF  }
0xad: {  	s28 =	simm.s32 $_size_execute0_lowered;
	s4 =	sadd.s32 s4, s6;
	[dreg:$0x0] =	wrdreg $0x0  }
0xae: {  	s6 =	sshll.u32 s28, $0x1;
	[dreg:$0x2] =	wrdreg s4  }
0xaf: {  	[dreg:$0x3] =	wrdreg s6  }
0xb0: {  	[dreg:$0x4] =	wrdreg $0xC0  }
0xb1: {  	_ =	task [dreg:s8], $0x5FFFF  }
0xb2: {  	[dreg:$0x1] =	wrdreg $0xFFFFFFFF  }
0xb3: {  	[dreg:$0x0] =	wrdreg $0x60  }
0xb4: {  	[dreg:$0x2] =	wrdreg s16  }
0xb5: {  	[dreg:$0x3] =	wrdreg s17  }
0xb6: {  	[dreg:$0x4] =	wrdreg s24  }
0xb7: {  	[dreg:$0x5] =	wrdreg $0x9  }
0xb8: {  	_ =	task.clear_ibuf [dreg:s8], $0x6FFFF;
	_ =	strace $0x90000049  }
0xb9: {  	s29 =	simm.s32 $0x9;
	_ =	strace $0x8000004B  }
0xba: {  	_ =	swait.ge [sflag:s29], $0x1  }
0xbb: {  	[sflag:s29] =	ssyncadd.s32 $0xFFFFFFFF  }
0xbc: {  	_ =	strace $0x9000004B  }
0xbd: {  	_ =	sfence  }
0xbe: {  	s30 =	sld [smem:$0x0];
	_ =	sdelay $0x2  }
0xbf: {  	s31 =	sshll.u32 s1, $0xD;
	s1 =	sshrl.u32 s1, $0x2  }
0xc0: {  	s3 =	sand.u32 $0x4000, s31;
	s1 =	sadd.s32 s1, s30  }
0xc1: {  	s0 =	sor.u32 s3, s0;
	s1 =	sshll.u32 s1, $0x11  }
0xc2: {  	s0 =	sor.u32 s1, s0  }
0xc3: {  	s0 =	sadd.s32 $0x8F2B, s0  }
0xc4: {  	[sflag:s0] =	ssyncadd.remote.s32 $0x1  }
0xc5: {  	_ =	sfence.sel $0xFFFF  }
0xc6: {  	[dreg:$0x0] =	wrdreg $0xFFFFFFFF;
	(pc) =	sbr.abs _section_cstart, $3  }
0xc7: {  	[dreg:$0x1] =	wrdreg $0xFFFFFFFF  }
0xc8: {  	_ =	task.clear_ibuf [dreg:s8], $0x2FFFF;
	_ =	strace $0x9FFFFFFF  }
0xc9: {  	(tm) =	ssettm $0x7FFFFFFF  }
tec
execute0_lowered:
.L_overlay_start_1:
0x0: {  	(tag) =	ssettag $0x1  }
0x1: {  	s2 =	rddreg [dreg:$0x0]  }
0x2: {  	s6 =	rddreg [dreg:$0x1]  }
0x3: {  	s4 =	rddreg [dreg:$0x2]  }
0x4: {  	s0 =	rddreg [dreg:$0x3];
	s1 =	stileid.u32  }
0x5: {  	s7 =	srdreg.scid;
	s5 =	smul.u32 $0x14000, s1  }
0x6: {  	s3 =	simm.s32 $0x0;
	s7 =	sand.u32 $0x1, s7;
	s8 =	smul.u32 $0x1400, s1  }
0x7: {  	[smem:$0x7FF] =	sst s3;
	s9 =	ssub.s32 $0x2, s7;
	s10 =	smul.u32 $0xA00, s7  }
0x8: {  	s7 =	smul.u32 $0xA000, s7;
	_ =	strace $0x8000004A;
	s30 =	sshrl.u32 s9, $0x1  }
0x9: {  	s5 =	sadd.s32 s5, s4;
	s4 =	ssub.s32 s9, s30;
	s8 =	sadd.s32 s10, s8  }
0xa: {  	s5 =	sadd.s32 s7, s5;
	s7 =	simm.s32 $0x2;
	s9 =	simm.s32 $0x1  }
0xb: {  	s10 =	simm.s32 $0x0;
	s4 =	smax.u32 s4, $0x1;
	s31 =	sshrl.u32 s8, $0x3  }
0xc: {  	s5 =	sadd.s32 $0x7200, s5;
	s8 =	simm.s32 $0x100;
	s6 =	sadd.s32 s31, s6  }
.LBB2_1:
0xd: {  	s11 =	sadd.s32 $0x0, s6  }
0xe: {  	[tilespmem:s3], [sflag:$0x2] =	stream.linear.gather [hbm4b:s11+s3], $0x100, $0x38;
	[tilespmem:$0x8100] =	vst v63  }
0xf: {  	_ =	swait.ge [sflag:s7], $0x100  }
0x10: {  	[sflag:s7] =	ssyncset.done $0x0  }
0x11: {  	[sflag:s7] =	ssyncadd.s32 $0xFFFFFF00  }
0x12: {  	[tilespmem:s8], [sflag:$0x1] =	stream.indirect.gather [hbm4b:s2+s8], $0x80, s3, s8, $0xb8;
	[tilespmem:$0x8100] =	vst v63  }
0x13: {  	_ =	swait.ge [sflag:s9], $0x8000  }
0x14: {  	[sflag:s9] =	ssyncset.done $0x0  }
0x15: {  	[sflag:s9] =	ssyncadd.s32 $0xFFFF8000  }
0x16: {  	[hbm4b:s5+s3] =	stream.linear.scatter [tilespmem:s8], [sflag:$0x2], $0x8000, $0x38;
	[tilespmem:$0x8100] =	vst v63  }
0x17: {  	s12 =	simm.s32 $0x20;
	_ =	swait.ge [sflag:s7], $0x8000  }
0x18: {  	s13 =	simm.s32 $0x40;
	s11 =	sadd.s32 $0x1000, s5;
	[sflag:s7] =	ssyncset.done $0x0  }
.LBB2_2:
0x19: {  	s14 =	sadd.s32 s12, s6  }
0x1a: {  	[sflag:s7] =	ssyncadd.s32 $0xFFFF8000;
	s12 =	smov.u32 s13;
	s15 =	sadd.s32 $0x20, s13  }
0x1b: {  	[tilespmem:s3], [sflag:$0x2] =	stream.linear.gather [hbm4b:s14+s3], $0x100, $0x38;
	[tilespmem:$0x8100] =	vst v63  }
0x1c: {  	p0 =	sne.s32 s13, $0x120;
	_ =	swait.ge [sflag:s7], $0x100  }
0x1d: {  	[sflag:s7] =	ssyncset.done $0x0  }
0x1e: {  	[sflag:s7] =	ssyncadd.s32 $0xFFFFFF00  }
0x1f: {  	[tilespmem:s8], [sflag:$0x1] =	stream.indirect.gather [hbm4b:s2+s8], $0x80, s3, s8, $0xb8;
	[tilespmem:$0x8100] =	vst v63  }
0x20: {  	_ =	swait.ge [sflag:s9], $0x8000  }
.Ltmp0:
0x21: {  	[sflag:s9] =	ssyncset.done $0x0;
	(pc) =	sbr.rel @p0 .LBB2_2-.Ltmp0, $4  }
0x22: {  	[sflag:s9] =	ssyncadd.s32 $0xFFFF8000  }
0x23: {  	[hbm4b:s11+s3] =	stream.linear.scatter [tilespmem:s8], [sflag:$0x2], $0x8000, $0x38;
	[tilespmem:$0x8100] =	vst v63  }
0x24: {  	_ =	swait.ge [sflag:s7], $0x8000  }
0x25: {  	s13 =	smov.u32 s15;
	s11 =	sadd.s32 $0x1000, s11;
	[sflag:s7] =	ssyncset.done $0x0  }
0x26: {  	s12 =	sadd.s32 s12, s6;
	[sflag:s7] =	ssyncadd.s32 $0xFFFF8000  }
0x27: {  	[tilespmem:s3], [sflag:$0x2] =	stream.linear.gather [hbm4b:s12+s3], $0x100, $0x38;
	[tilespmem:$0x8100] =	vst v63  }
0x28: {  	_ =	swait.ge [sflag:s7], $0x100  }
0x29: {  	[sflag:s7] =	ssyncset.done $0x0  }
0x2a: {  	[sflag:s7] =	ssyncadd.s32 $0xFFFFFF00  }
0x2b: {  	[tilespmem:s8], [sflag:$0x1] =	stream.indirect.gather [hbm4b:s2+s8], $0x80, s3, s8, $0xb8;
	[tilespmem:$0x8100] =	vst v63  }
0x2c: {  	s10 =	sadd.s32 $0x1, s10;
	_ =	swait.ge [sflag:s9], $0x8000  }
0x2d: {  	p0 =	sne.s32 s10, s4;
	[sflag:s9] =	ssyncset.done $0x0  }
.Ltmp1:
0x2e: {  	[sflag:s9] =	ssyncadd.s32 $0xFFFF8000;
	(pc) =	sbr.rel @p0 .LBB2_1-.Ltmp1, $4  }
0x2f: {  	[hbm4b:s11+s3] =	stream.linear.scatter [tilespmem:s8], [sflag:$0x2], $0x8000, $0x38;
	[tilespmem:$0x8100] =	vst v63  }
0x30: {  	_ =	swait.ge [sflag:s7], $0x8000  }
0x31: {  	[sflag:s7] =	ssyncset.done $0x0  }
0x32: {  	[sflag:s7] =	ssyncadd.s32 $0xFFFF8000  }
0x33: {  	_ =	sfence.sel $0x180000  }
0x34: {  	[bflag:$0x0] =	sbarrier.arrive $0xFFFF  }
0x35: {  	p0 =	sne.s32 s1, $0x0;
	_ =	strace $0x9000004A  }
0x36: {  	s0 =	sadd.s32 @!p0 $0x100000, s0;
	[bflag:$0x2] =	sbarrier.arrive $0xFFFF  }
0x37: {  	[sflag:s0] =	ssyncadd.tile.s32 @!p0 $0x1;
	_ =	shalt  }
.Lfunc_end2:
_tile_overlayer_lowered:
.L_overlay_start_2:
0x38: {  	(tag) =	ssettag $0x2  }
0x39: {  	s0 =	rddreg [dreg:$0x0];
	s2 =	stileid.u32  }
0x3a: {  	s1 =	rddreg [dreg:$0x1];
	p0 =	sne.s32 s2, $0x0  }
0x3b: {  	s3 =	rddreg [dreg:$0x2];
	[bflag:$0x3] =	sbarrier.arrive $0xFFFF;
	s2 =	simm.s32 @!p0 $0x1C02  }
0x3c: {  	[timem:s3], [sflag:s2] =	dma.local @!p0 [hbm:s0], s1  }
0x3d: {  	s0 =	simm.s32 @!p0 $0x2  }
0x3e: {  	_ =	swait.ge @!p0 [sflag:s0], s1  }
0x3f: {  	s1 =	ssub.s32 @!p0 $0x0, s1;
	[sflag:s0] =	ssyncset.done @!p0 $0x0  }
0x40: {  	[sflag:s0] =	ssyncadd.s32 @!p0 s1  }
0x41: {  	[bflag:$0x3] =	sbarrier.arrive $0xFFFF  }
0x42: {  	_ =	shalt  }

// kernel: kernel.21.cloned.1.call-start
scs
__scs_entry_jumppad:
0x0: {  	(pc) =	sbr.rel $0x88, $3  }
0x1: {  	(tag) =	ssettag $0x0;
	lr =	simm.s32 $0x1  }
0x2: {  	[smem:$0x3F7F] =	sst lr;
	_ =	strace $0xD0000000  }
0x3: {  	_ = 	snop  }
0x4: {  	_ = 	snop  }
0x5: {  	_ = 	snop  }
0x6: {  	_ = 	snop  }
0x7: {  	_ = 	snop  }
__scs_overlays_trampoline_lowered:
0x8: {  	[smem:$0x3F8E] =	sst s0  }
0x9: {  	[smem:$0x3F8F] =	sst s1  }
0xa: {  	[smem:$0x3F90] =	sst s2  }
0xb: {  	[smem:$0x3F91] =	sst s3  }
0xc: {  	[smem:$0x3F92] =	sst s4  }
0xd: {  	[smem:$0x3F93] =	sst s5  }
0xe: {  	[smem:$0x3F94] =	sst s6  }
0xf: {  	[smem:$0x3F95] =	sst s7  }
0x10: {  	[smem:$0x3F96] =	sst s8  }
0x11: {  	[smem:$0x3F97] =	sst s9;
	s0 =	simm.s32 @!p0 $0x0  }
0x12: {  	s1 =	sld [smem:$0x3F7D];
	s0 =	simm.s32 @p0 $0x1  }
0x13: {  	[smem:$0x3F98] =	sst s0;
	s0 =	simm.s32 @!p1 $0x0  }
0x14: {  	s2 =	sld [smem:$0x3F7C];
	s0 =	simm.s32 @p1 $0x1  }
0x15: {  	[smem:$0x3F99] =	sst s0;
	s0 =	simm.s32 @!p2 $0x0  }
0x16: {  	s3 =	sld [smem:$0x3FDB];
	s0 =	simm.s32 @p2 $0x1  }
0x17: {  	s4 =	simm.s32 $0x1BF5;
	[smem:$0x3F9B] =	sst s0  }
0x18: {  	s0 =	sld [smem:$0x3F7E];
	_ =	swait.ge [sflag:s4], $0x0  }
0x19: {  	s7 =	sld [smem:$0x3F7F]  }
0x1a: {  	s8 =	sadd.s32 $0xFFFFE003, lr  }
0x1b: {  	s9 =	sadd.s32 $0xFFFFFEF7, lr;
	s5 =	simm.s32 $0xFFFFFFFF;
	p2 =	slt.u32 s8, $0xFFFFF086  }
0x1c: {  	p1 =	slt.u32 s9, $0xF7A;
	s5 =	simm.s32 @!p2 $0x0  }
0x1d: {  	s5 =	simm.s32 @p1 $0x1;
	p0 =	seq.s32 s7, s2  }
0x1e: {  	s7 =	smul.u32 @!p0 $0xF7A, s2;
	p2 =	seq.s32 @!p0 s5, $0x0  }
0x1f: {  	s9 =	smul.u32 $0xF7A, s1;
	s8 =	simm.s32 @!p0 $0x1BF5;
	p2 =	por !p2, p0  }
0x20: {  	[sflag:s8] =	ssyncset.s32 @!p0 $0xFFFFF086;
	s6 =	sadd.s32 @!p0 s3, s7;
	s7 =	simm.s32 @!p0 $0x108  }
0x21: {  	s3 =	sadd.s32 s3, s9;
	s6 =	sadd.s32 @!p0 $0x88, s6;
	s7 =	simm.s32 @p2 $0x1082  }
0x22: {  	[simem:s7], [sflag:s8] =	dma.local @!p0 [hbm:s6], $0xF7A  }
0x23: {  	s9 =	sor.u32 $0xD0000000, s2;
	s6 =	simm.s32 $0x108;
	_ =	swait.ge @!p0 [sflag:s8], $0x0  }
0x24: {  	s3 =	sadd.s32 $0x88, s3;
	s6 =	simm.s32 @!p1 $0x1082;
	[sflag:s4] =	ssyncset.s32 $0xFFFFF086  }
0x25: {  	[simem:s6], [sflag:s4] =	dma.local [hbm:s3], $0xF7A  }
0x26: {  	[smem:$0x3F7F] =	sst s1;
	(tag) =	ssettag s2;
	_ =	strace s9  }
0x27: {  	s1 =	sld [smem:$0x3F8F]  }
0x28: {  	s2 =	sld [smem:$0x3F90]  }
0x29: {  	s4 =	sld [smem:$0x3F92]  }
0x2a: {  	p0 =	seq.s32 s5, $0x0;
	s5 =	sld [smem:$0x3F93]  }
0x2b: {  	s6 =	sld [smem:$0x3F94]  }
0x2c: {  	s7 =	sld [smem:$0x3F95]  }
0x2d: {  	s3 =	simm.s32 $0x108;
	s8 =	sld [smem:$0x3F96]  }
0x2e: {  	s3 =	simm.s32 @!p0 $0x1082;
	s9 =	sld [smem:$0x3F97]  }
0x2f: {  	lr =	sadd.s32 s0, s3;
	s0 =	sld [smem:$0x3F8E]  }
0x30: {  	s3 =	sld [smem:$0x3F91]  }
0x31: {  	[smem:$0x3F9A] =	sst s10  }
0x32: {  	s10 =	sld [smem:$0x3F98];
	_ =	sdelay $0x3  }
0x33: {  	p0 =	seq.s32 s10, $0x1;
	s10 =	sld [smem:$0x3F9A];
	_ =	sdelay $0x3  }
0x34: {  	[smem:$0x3F9A] =	sst s10  }
0x35: {  	s10 =	sld [smem:$0x3F99];
	_ =	sdelay $0x3  }
0x36: {  	p1 =	seq.s32 s10, $0x1;
	s10 =	sld [smem:$0x3F9A];
	_ =	sdelay $0x3  }
0x37: {  	[smem:$0x3F9A] =	sst s10  }
0x38: {  	s10 =	sld [smem:$0x3F9B]  }
0x39: {  	_ = 	snop;
	(pc) =	sbr.ind lr, $3  }
0x3a: {  	_ = 	snop  }
0x3b: {  	_ = 	snop  }
0x3c: {  	p2 =	seq.s32 s10, $0x1;
	s10 =	sld [smem:$0x3F9A]  }
0x3d: {  	_ =	shalt  }
0x3e: {  	_ =	shalt  }
0x3f: {  	_ =	shalt  }
0x40: {  	_ =	shalt  }
0x41: {  	_ =	shalt  }
0x42: {  	_ =	shalt  }
0x43: {  	_ =	shalt  }
0x44: {  	_ =	shalt  }
0x45: {  	_ =	shalt  }
0x46: {  	_ =	shalt  }
0x47: {  	_ =	shalt  }
0x48: {  	_ =	shalt  }
0x49: {  	_ =	shalt  }
0x4a: {  	_ =	shalt  }
0x4b: {  	_ =	shalt  }
0x4c: {  	_ =	shalt  }
0x4d: {  	_ =	shalt  }
0x4e: {  	_ =	shalt  }
0x4f: {  	_ =	shalt  }
0x50: {  	_ =	shalt  }
0x51: {  	_ =	shalt  }
0x52: {  	_ =	shalt  }
0x53: {  	_ =	shalt  }
0x54: {  	_ =	shalt  }
0x55: {  	_ =	shalt  }
0x56: {  	_ =	shalt  }
0x57: {  	_ =	shalt  }
0x58: {  	_ =	shalt  }
0x59: {  	_ =	shalt  }
0x5a: {  	_ =	shalt  }
0x5b: {  	_ =	shalt  }
0x5c: {  	_ =	shalt  }
0x5d: {  	_ =	shalt  }
0x5e: {  	_ =	shalt  }
0x5f: {  	_ =	shalt  }
0x60: {  	_ =	shalt  }
0x61: {  	_ =	shalt  }
0x62: {  	_ =	shalt  }
0x63: {  	_ =	shalt  }
0x64: {  	_ =	shalt  }
0x65: {  	_ =	shalt  }
0x66: {  	_ =	shalt  }
0x67: {  	_ =	shalt  }
0x68: {  	_ =	shalt  }
0x69: {  	_ =	shalt  }
0x6a: {  	_ =	shalt  }
0x6b: {  	_ =	shalt  }
0x6c: {  	_ =	shalt  }
0x6d: {  	_ =	shalt  }
0x6e: {  	_ =	shalt  }
0x6f: {  	_ =	shalt  }
0x70: {  	_ =	shalt  }
0x71: {  	_ =	shalt  }
0x72: {  	_ =	shalt  }
0x73: {  	_ =	shalt  }
0x74: {  	_ =	shalt  }
0x75: {  	_ =	shalt  }
0x76: {  	_ =	shalt  }
0x77: {  	_ =	shalt  }
0x78: {  	_ =	shalt  }
0x79: {  	_ =	shalt  }
0x7a: {  	_ =	shalt  }
0x7b: {  	_ =	shalt  }
0x7c: {  	_ =	shalt  }
0x7d: {  	_ =	shalt  }
0x7e: {  	_ =	shalt  }
0x7f: {  	_ =	shalt  }
0x80: {  	_ =	shalt  }
0x81: {  	_ =	shalt  }
0x82: {  	_ =	shalt  }
0x83: {  	_ =	shalt  }
0x84: {  	_ =	shalt  }
0x85: {  	_ =	shalt  }
0x86: {  	_ =	shalt  }
0x87: {  	_ =	shalt  }
.Lfunc_end0:
.L_simem_size_0:
called_computation.2_lowered:
.L_overlay_start_0:
0x88: {  	s2 =	sld [smem:$0x3FD9]  }
0x89: {  	s3 =	sld [smem:$0x3FFE];
	_ =	sdelay $0x1  }
0x8a: {  	s1 =	srdreg.scid  }
0x8b: {  	s0 =	sand.u32 $0x1, s1  }
0x8c: {  	s14 =	sshll.u32 s0, $0xA;
	s2 =	sadd.s32 s3, s2  }
0x8d: {  	s2 =	sadd.s32 s2, s14  }
0x8e: {  	[smem:$0x3FA6] =	sst s2  }
0x8f: {  	_ = 	snop  }
0x90: {  	s2 =	sld [smem:$0x3FD0];
	_ =	sdelay $0x2  }
0x91: {  	s15 =	simm.s32 $0xA;
	s4 =	simm.s32 $0x10  }
0x92: {  	[smem:s4], [sflag:s15] =	dma.local [hbm:s2], $0x1  }
0x93: {  	_ =	swait.eq [sflag:s15], $0x1  }
0x94: {  	[sflag:s15] =	ssyncset.done $0x0  }
0x95: {  	s16 =	sld [smem:$0x12];
	[sflag:s15] =	ssyncadd.s32 $0xFFFFFFFF  }
0x96: {  	s17 =	sld [smem:$0x14];
	(tm) =	ssettm $0x1  }
0x97: {  	s18 =	sld [smem:$0x3FFB];
	_ =	sdelay $0x3  }
0x98: {  	_ =	strace s18  }
0x99: {  	s4 =	sld [smem:$0x3FFC];
	_ =	sdelay $0x3  }
0x9a: {  	_ =	strace s4  }
0x9b: {  	s4 =	sld [smem:$0x3FFD];
	_ =	sdelay $0x3  }
0x9c: {  	_ =	strace s4  }
0x9d: {  	_ =	strace $0x8FFFFFFF  }
0x9e: {  	s19 =	sld [smem:$0x3FDB];
	_ =	sdelay $0x1  }
0x9f: {  	s5 =	simm.s32 $_scs_section_size  }
0xa0: {  	s6 =	simm.s32 $_size__tile_overlayer_lowered;
	s7 =	simm.s32 $_tile_overlayer_lowered  }
0xa1: {  	s22 =	simm.s32 $0x1BFF;
	s21 =	sshll.u32 s7, $0x1;
	s4 =	sadd.s32 s5, s19  }
0xa2: {  	s8 =	simm.s32 $0x0;
	s20 =	sshll.u32 s6, $0x1;
	s6 =	sadd.s32 s21, s4  }
0xa3: {  	[timem:s8], [sflag:s22] =	dma.local [hbm:s6], s20  }
0xa4: {  	_ =	swait.ge [sflag:s22], s20  }
0xa5: {  	s5 =	ssub.s32 $0x0, s20;
	[sflag:s22] =	ssyncset.done $0x0  }
0xa6: {  	[sflag:s22] =	ssyncadd.s32 s5;
	_ =	sdelay $0x1  }
0xa7: {  	s23 =	simm.s32 $0x1B8B  }
0xa8: {  	_ =	swait.ge [sflag:s23], $0x1  }
0xa9: {  	[sflag:s23] =	ssyncset.done $0x0  }
0xaa: {  	s25 =	simm.s32 $0x1B8E;
	s24 =	sld [smem:$0x3FFE];
	[sflag:s23] =	ssyncadd.s32 $0xFFFFFFFF  }
0xab: {  	s26 =	simm.s32 $execute0_lowered;
	[smem:$0x3FD2] =	sst s25  }
0xac: {  	s6 =	sshll.u32 s26, $0x1;
	_ =	strace $0x8000004C;
	[dreg:$0x1] =	wrdreg $0xFFFFFFFF  }
0xad: {  	s28 =	simm.s32 $_size_execute0_lowered;
	s4 =	sadd.s32 s4, s6;
	[dreg:$0x0] =	wrdreg $0x0  }
0xae: {  	s6 =	sshll.u32 s28, $0x1;
	[dreg:$0x2] =	wrdreg s4  }
0xaf: {  	[dreg:$0x3] =	wrdreg s6  }
0xb0: {  	[dreg:$0x4] =	wrdreg $0xC0  }
0xb1: {  	_ =	task [dreg:s8], $0x5FFFF  }
0xb2: {  	[dreg:$0x1] =	wrdreg $0xFFFFFFFF  }
0xb3: {  	[dreg:$0x0] =	wrdreg $0x60  }
0xb4: {  	[dreg:$0x2] =	wrdreg s16  }
0xb5: {  	[dreg:$0x3] =	wrdreg s17  }
0xb6: {  	[dreg:$0x4] =	wrdreg s24  }
0xb7: {  	[dreg:$0x5] =	wrdreg $0x9  }
0xb8: {  	_ =	task.clear_ibuf [dreg:s8], $0x6FFFF;
	_ =	strace $0x9000004C  }
0xb9: {  	s29 =	simm.s32 $0x9;
	_ =	strace $0x8000004E  }
0xba: {  	_ =	swait.ge [sflag:s29], $0x1  }
0xbb: {  	[sflag:s29] =	ssyncadd.s32 $0xFFFFFFFF  }
0xbc: {  	_ =	strace $0x9000004E  }
0xbd: {  	_ =	sfence  }
0xbe: {  	s30 =	sld [smem:$0x0];
	_ =	sdelay $0x2  }
0xbf: {  	s31 =	sshll.u32 s1, $0xD;
	s1 =	sshrl.u32 s1, $0x2  }
0xc0: {  	s3 =	sand.u32 $0x4000, s31;
	s1 =	sadd.s32 s1, s30  }
0xc1: {  	s0 =	sor.u32 s3, s0;
	s1 =	sshll.u32 s1, $0x11  }
0xc2: {  	s0 =	sor.u32 s1, s0  }
0xc3: {  	s0 =	sadd.s32 $0x8F2B, s0  }
0xc4: {  	[sflag:s0] =	ssyncadd.remote.s32 $0x1  }
0xc5: {  	_ =	sfence.sel $0xFFFF  }
0xc6: {  	[dreg:$0x0] =	wrdreg $0xFFFFFFFF;
	(pc) =	sbr.abs _section_cstart, $3  }
0xc7: {  	[dreg:$0x1] =	wrdreg $0xFFFFFFFF  }
0xc8: {  	_ =	task.clear_ibuf [dreg:s8], $0x2FFFF;
	_ =	strace $0x9FFFFFFF  }
0xc9: {  	(tm) =	ssettm $0x7FFFFFFF  }
tec
execute0_lowered:
.L_overlay_start_1:
0x0: {  	(tag) =	ssettag $0x1  }
0x1: {  	s2 =	rddreg [dreg:$0x0]  }
0x2: {  	s6 =	rddreg [dreg:$0x1]  }
0x3: {  	s4 =	rddreg [dreg:$0x2]  }
0x4: {  	s0 =	rddreg [dreg:$0x3];
	s1 =	stileid.u32  }
0x5: {  	s7 =	srdreg.scid;
	s5 =	smul.u32 $0x14000, s1  }
0x6: {  	s3 =	simm.s32 $0x0;
	s7 =	sand.u32 $0x1, s7;
	s8 =	smul.u32 $0x1400, s1  }
0x7: {  	[smem:$0x7FF] =	sst s3;
	s9 =	ssub.s32 $0x2, s7;
	s10 =	smul.u32 $0xA00, s7  }
0x8: {  	s7 =	smul.u32 $0xA000, s7;
	_ =	strace $0x8000004D;
	s30 =	sshrl.u32 s9, $0x1  }
0x9: {  	s5 =	sadd.s32 s5, s4;
	s4 =	ssub.s32 s9, s30;
	s8 =	sadd.s32 s10, s8  }
0xa: {  	s5 =	sadd.s32 s7, s5;
	s7 =	simm.s32 $0x2;
	s9 =	simm.s32 $0x1  }
0xb: {  	s10 =	simm.s32 $0x0;
	s4 =	smax.u32 s4, $0x1;
	s31 =	sshrl.u32 s8, $0x3  }
0xc: {  	s5 =	sadd.s32 $0x7200, s5;
	s8 =	simm.s32 $0x100;
	s6 =	sadd.s32 s31, s6  }
.LBB2_1:
0xd: {  	s11 =	sadd.s32 $0x0, s6  }
0xe: {  	[tilespmem:s3], [sflag:$0x2] =	stream.linear.gather [hbm4b:s11+s3], $0x100, $0x38;
	[tilespmem:$0x8100] =	vst v63  }
0xf: {  	_ =	swait.ge [sflag:s7], $0x100  }
0x10: {  	[sflag:s7] =	ssyncset.done $0x0  }
0x11: {  	[sflag:s7] =	ssyncadd.s32 $0xFFFFFF00  }
0x12: {  	[tilespmem:s8], [sflag:$0x1] =	stream.indirect.gather [hbm4b:s2+s8], $0x80, s3, s8, $0xb8;
	[tilespmem:$0x8100] =	vst v63  }
0x13: {  	_ =	swait.ge [sflag:s9], $0x8000  }
0x14: {  	[sflag:s9] =	ssyncset.done $0x0  }
0x15: {  	[sflag:s9] =	ssyncadd.s32 $0xFFFF8000  }
0x16: {  	[hbm4b:s5+s3] =	stream.linear.scatter [tilespmem:s8], [sflag:$0x2], $0x8000, $0x38;
	[tilespmem:$0x8100] =	vst v63  }
0x17: {  	s12 =	simm.s32 $0x20;
	_ =	swait.ge [sflag:s7], $0x8000  }
0x18: {  	s13 =	simm.s32 $0x40;
	s11 =	sadd.s32 $0x1000, s5;
	[sflag:s7] =	ssyncset.done $0x0  }
.LBB2_2:
0x19: {  	s14 =	sadd.s32 s12, s6  }
0x1a: {  	[sflag:s7] =	ssyncadd.s32 $0xFFFF8000;
	s12 =	smov.u32 s13;
	s15 =	sadd.s32 $0x20, s13  }
0x1b: {  	[tilespmem:s3], [sflag:$0x2] =	stream.linear.gather [hbm4b:s14+s3], $0x100, $0x38;
	[tilespmem:$0x8100] =	vst v63  }
0x1c: {  	p0 =	sne.s32 s13, $0x120;
	_ =	swait.ge [sflag:s7], $0x100  }
0x1d: {  	[sflag:s7] =	ssyncset.done $0x0  }
0x1e: {  	[sflag:s7] =	ssyncadd.s32 $0xFFFFFF00  }
0x1f: {  	[tilespmem:s8], [sflag:$0x1] =	stream.indirect.gather [hbm4b:s2+s8], $0x80, s3, s8, $0xb8;
	[tilespmem:$0x8100] =	vst v63  }
0x20: {  	_ =	swait.ge [sflag:s9], $0x8000  }
.Ltmp0:
0x21: {  	[sflag:s9] =	ssyncset.done $0x0;
	(pc) =	sbr.rel @p0 .LBB2_2-.Ltmp0, $4  }
0x22: {  	[sflag:s9] =	ssyncadd.s32 $0xFFFF8000  }
0x23: {  	[hbm4b:s11+s3] =	stream.linear.scatter [tilespmem:s8], [sflag:$0x2], $0x8000, $0x38;
	[tilespmem:$0x8100] =	vst v63  }
0x24: {  	_ =	swait.ge [sflag:s7], $0x8000  }
0x25: {  	s13 =	smov.u32 s15;
	s11 =	sadd.s32 $0x1000, s11;
	[sflag:s7] =	ssyncset.done $0x0  }
0x26: {  	s12 =	sadd.s32 s12, s6;
	[sflag:s7] =	ssyncadd.s32 $0xFFFF8000  }
0x27: {  	[tilespmem:s3], [sflag:$0x2] =	stream.linear.gather [hbm4b:s12+s3], $0x100, $0x38;
	[tilespmem:$0x8100] =	vst v63  }
0x28: {  	_ =	swait.ge [sflag:s7], $0x100  }
0x29: {  	[sflag:s7] =	ssyncset.done $0x0  }
0x2a: {  	[sflag:s7] =	ssyncadd.s32 $0xFFFFFF00  }
0x2b: {  	[tilespmem:s8], [sflag:$0x1] =	stream.indirect.gather [hbm4b:s2+s8], $0x80, s3, s8, $0xb8;
	[tilespmem:$0x8100] =	vst v63  }
0x2c: {  	s10 =	sadd.s32 $0x1, s10;
	_ =	swait.ge [sflag:s9], $0x8000  }
0x2d: {  	p0 =	sne.s32 s10, s4;
	[sflag:s9] =	ssyncset.done $0x0  }
.Ltmp1:
0x2e: {  	[sflag:s9] =	ssyncadd.s32 $0xFFFF8000;
	(pc) =	sbr.rel @p0 .LBB2_1-.Ltmp1, $4  }
0x2f: {  	[hbm4b:s11+s3] =	stream.linear.scatter [tilespmem:s8], [sflag:$0x2], $0x8000, $0x38;
	[tilespmem:$0x8100] =	vst v63  }
0x30: {  	_ =	swait.ge [sflag:s7], $0x8000  }
0x31: {  	[sflag:s7] =	ssyncset.done $0x0  }
0x32: {  	[sflag:s7] =	ssyncadd.s32 $0xFFFF8000  }
0x33: {  	_ =	sfence.sel $0x180000  }
0x34: {  	[bflag:$0x0] =	sbarrier.arrive $0xFFFF  }
0x35: {  	p0 =	sne.s32 s1, $0x0;
	_ =	strace $0x9000004D  }
0x36: {  	s0 =	sadd.s32 @!p0 $0x100000, s0;
	[bflag:$0x2] =	sbarrier.arrive $0xFFFF  }
0x37: {  	[sflag:s0] =	ssyncadd.tile.s32 @!p0 $0x1;
	_ =	shalt  }
.Lfunc_end2:
_tile_overlayer_lowered:
.L_overlay_start_2:
0x38: {  	(tag) =	ssettag $0x2  }
0x39: {  	s0 =	rddreg [dreg:$0x0];
	s2 =	stileid.u32  }
0x3a: {  	s1 =	rddreg [dreg:$0x1];
	p0 =	sne.s32 s2, $0x0  }
0x3b: {  	s3 =	rddreg [dreg:$0x2];
	[bflag:$0x3] =	sbarrier.arrive $0xFFFF;
	s2 =	simm.s32 @!p0 $0x1C02  }
0x3c: {  	[timem:s3], [sflag:s2] =	dma.local @!p0 [hbm:s0], s1  }
0x3d: {  	s0 =	simm.s32 @!p0 $0x2  }
0x3e: {  	_ =	swait.ge @!p0 [sflag:s0], s1  }
0x3f: {  	s1 =	ssub.s32 @!p0 $0x0, s1;
	[sflag:s0] =	ssyncset.done @!p0 $0x0  }
0x40: {  	[sflag:s0] =	ssyncadd.s32 @!p0 s1  }
0x41: {  	[bflag:$0x3] =	sbarrier.arrive $0xFFFF  }
0x42: {  	_ =	shalt  }

// kernel: kernel.24.cloned.1.call-start
scs
__scs_entry_jumppad:
0x0: {  	(pc) =	sbr.rel $0x88, $3  }
0x1: {  	(tag) =	ssettag $0x0;
	lr =	simm.s32 $0x1  }
0x2: {  	[smem:$0x3F7F] =	sst lr;
	_ =	strace $0xD0000000  }
0x3: {  	_ = 	snop  }
0x4: {  	_ = 	snop  }
0x5: {  	_ = 	snop  }
0x6: {  	_ = 	snop  }
0x7: {  	_ = 	snop  }
__scs_overlays_trampoline_lowered:
0x8: {  	[smem:$0x3F8E] =	sst s0  }
0x9: {  	[smem:$0x3F8F] =	sst s1  }
0xa: {  	[smem:$0x3F90] =	sst s2  }
0xb: {  	[smem:$0x3F91] =	sst s3  }
0xc: {  	[smem:$0x3F92] =	sst s4  }
0xd: {  	[smem:$0x3F93] =	sst s5  }
0xe: {  	[smem:$0x3F94] =	sst s6  }
0xf: {  	[smem:$0x3F95] =	sst s7  }
0x10: {  	[smem:$0x3F96] =	sst s8  }
0x11: {  	[smem:$0x3F97] =	sst s9;
	s0 =	simm.s32 @!p0 $0x0  }
0x12: {  	s1 =	sld [smem:$0x3F7D];
	s0 =	simm.s32 @p0 $0x1  }
0x13: {  	[smem:$0x3F98] =	sst s0;
	s0 =	simm.s32 @!p1 $0x0  }
0x14: {  	s2 =	sld [smem:$0x3F7C];
	s0 =	simm.s32 @p1 $0x1  }
0x15: {  	[smem:$0x3F99] =	sst s0;
	s0 =	simm.s32 @!p2 $0x0  }
0x16: {  	s3 =	sld [smem:$0x3FDB];
	s0 =	simm.s32 @p2 $0x1  }
0x17: {  	s4 =	simm.s32 $0x1BF5;
	[smem:$0x3F9B] =	sst s0  }
0x18: {  	s0 =	sld [smem:$0x3F7E];
	_ =	swait.ge [sflag:s4], $0x0  }
0x19: {  	s7 =	sld [smem:$0x3F7F]  }
0x1a: {  	s8 =	sadd.s32 $0xFFFFE003, lr  }
0x1b: {  	s9 =	sadd.s32 $0xFFFFFEF7, lr;
	s5 =	simm.s32 $0xFFFFFFFF;
	p2 =	slt.u32 s8, $0xFFFFF086  }
0x1c: {  	p1 =	slt.u32 s9, $0xF7A;
	s5 =	simm.s32 @!p2 $0x0  }
0x1d: {  	s5 =	simm.s32 @p1 $0x1;
	p0 =	seq.s32 s7, s2  }
0x1e: {  	s7 =	smul.u32 @!p0 $0xF7A, s2;
	p2 =	seq.s32 @!p0 s5, $0x0  }
0x1f: {  	s9 =	smul.u32 $0xF7A, s1;
	s8 =	simm.s32 @!p0 $0x1BF5;
	p2 =	por !p2, p0  }
0x20: {  	[sflag:s8] =	ssyncset.s32 @!p0 $0xFFFFF086;
	s6 =	sadd.s32 @!p0 s3, s7;
	s7 =	simm.s32 @!p0 $0x108  }
0x21: {  	s3 =	sadd.s32 s3, s9;
	s6 =	sadd.s32 @!p0 $0x88, s6;
	s7 =	simm.s32 @p2 $0x1082  }
0x22: {  	[simem:s7], [sflag:s8] =	dma.local @!p0 [hbm:s6], $0xF7A  }
0x23: {  	s9 =	sor.u32 $0xD0000000, s2;
	s6 =	simm.s32 $0x108;
	_ =	swait.ge @!p0 [sflag:s8], $0x0  }
0x24: {  	s3 =	sadd.s32 $0x88, s3;
	s6 =	simm.s32 @!p1 $0x1082;
	[sflag:s4] =	ssyncset.s32 $0xFFFFF086  }
0x25: {  	[simem:s6], [sflag:s4] =	dma.local [hbm:s3], $0xF7A  }
0x26: {  	[smem:$0x3F7F] =	sst s1;
	(tag) =	ssettag s2;
	_ =	strace s9  }
0x27: {  	s1 =	sld [smem:$0x3F8F]  }
0x28: {  	s2 =	sld [smem:$0x3F90]  }
0x29: {  	s4 =	sld [smem:$0x3F92]  }
0x2a: {  	p0 =	seq.s32 s5, $0x0;
	s5 =	sld [smem:$0x3F93]  }
0x2b: {  	s6 =	sld [smem:$0x3F94]  }
0x2c: {  	s7 =	sld [smem:$0x3F95]  }
0x2d: {  	s3 =	simm.s32 $0x108;
	s8 =	sld [smem:$0x3F96]  }
0x2e: {  	s3 =	simm.s32 @!p0 $0x1082;
	s9 =	sld [smem:$0x3F97]  }
0x2f: {  	lr =	sadd.s32 s0, s3;
	s0 =	sld [smem:$0x3F8E]  }
0x30: {  	s3 =	sld [smem:$0x3F91]  }
0x31: {  	[smem:$0x3F9A] =	sst s10  }
0x32: {  	s10 =	sld [smem:$0x3F98];
	_ =	sdelay $0x3  }
0x33: {  	p0 =	seq.s32 s10, $0x1;
	s10 =	sld [smem:$0x3F9A];
	_ =	sdelay $0x3  }
0x34: {  	[smem:$0x3F9A] =	sst s10  }
0x35: {  	s10 =	sld [smem:$0x3F99];
	_ =	sdelay $0x3  }
0x36: {  	p1 =	seq.s32 s10, $0x1;
	s10 =	sld [smem:$0x3F9A];
	_ =	sdelay $0x3  }
0x37: {  	[smem:$0x3F9A] =	sst s10  }
0x38: {  	s10 =	sld [smem:$0x3F9B]  }
0x39: {  	_ = 	snop;
	(pc) =	sbr.ind lr, $3  }
0x3a: {  	_ = 	snop  }
0x3b: {  	_ = 	snop  }
0x3c: {  	p2 =	seq.s32 s10, $0x1;
	s10 =	sld [smem:$0x3F9A]  }
0x3d: {  	_ =	shalt  }
0x3e: {  	_ =	shalt  }
0x3f: {  	_ =	shalt  }
0x40: {  	_ =	shalt  }
0x41: {  	_ =	shalt  }
0x42: {  	_ =	shalt  }
0x43: {  	_ =	shalt  }
0x44: {  	_ =	shalt  }
0x45: {  	_ =	shalt  }
0x46: {  	_ =	shalt  }
0x47: {  	_ =	shalt  }
0x48: {  	_ =	shalt  }
0x49: {  	_ =	shalt  }
0x4a: {  	_ =	shalt  }
0x4b: {  	_ =	shalt  }
0x4c: {  	_ =	shalt  }
0x4d: {  	_ =	shalt  }
0x4e: {  	_ =	shalt  }
0x4f: {  	_ =	shalt  }
0x50: {  	_ =	shalt  }
0x51: {  	_ =	shalt  }
0x52: {  	_ =	shalt  }
0x53: {  	_ =	shalt  }
0x54: {  	_ =	shalt  }
0x55: {  	_ =	shalt  }
0x56: {  	_ =	shalt  }
0x57: {  	_ =	shalt  }
0x58: {  	_ =	shalt  }
0x59: {  	_ =	shalt  }
0x5a: {  	_ =	shalt  }
0x5b: {  	_ =	shalt  }
0x5c: {  	_ =	shalt  }
0x5d: {  	_ =	shalt  }
0x5e: {  	_ =	shalt  }
0x5f: {  	_ =	shalt  }
0x60: {  	_ =	shalt  }
0x61: {  	_ =	shalt  }
0x62: {  	_ =	shalt  }
0x63: {  	_ =	shalt  }
0x64: {  	_ =	shalt  }
0x65: {  	_ =	shalt  }
0x66: {  	_ =	shalt  }
0x67: {  	_ =	shalt  }
0x68: {  	_ =	shalt  }
0x69: {  	_ =	shalt  }
0x6a: {  	_ =	shalt  }
0x6b: {  	_ =	shalt  }
0x6c: {  	_ =	shalt  }
0x6d: {  	_ =	shalt  }
0x6e: {  	_ =	shalt  }
0x6f: {  	_ =	shalt  }
0x70: {  	_ =	shalt  }
0x71: {  	_ =	shalt  }
0x72: {  	_ =	shalt  }
0x73: {  	_ =	shalt  }
0x74: {  	_ =	shalt  }
0x75: {  	_ =	shalt  }
0x76: {  	_ =	shalt  }
0x77: {  	_ =	shalt  }
0x78: {  	_ =	shalt  }
0x79: {  	_ =	shalt  }
0x7a: {  	_ =	shalt  }
0x7b: {  	_ =	shalt  }
0x7c: {  	_ =	shalt  }
0x7d: {  	_ =	shalt  }
0x7e: {  	_ =	shalt  }
0x7f: {  	_ =	shalt  }
0x80: {  	_ =	shalt  }
0x81: {  	_ =	shalt  }
0x82: {  	_ =	shalt  }
0x83: {  	_ =	shalt  }
0x84: {  	_ =	shalt  }
0x85: {  	_ =	shalt  }
0x86: {  	_ =	shalt  }
0x87: {  	_ =	shalt  }
.Lfunc_end0:
.L_simem_size_0:
called_computation.3_lowered:
.L_overlay_start_0:
0x88: {  	s2 =	sld [smem:$0x3FD9]  }
0x89: {  	s3 =	sld [smem:$0x3FFE];
	_ =	sdelay $0x1  }
0x8a: {  	s1 =	srdreg.scid  }
0x8b: {  	s0 =	sand.u32 $0x1, s1  }
0x8c: {  	s14 =	sshll.u32 s0, $0xA;
	s2 =	sadd.s32 s3, s2  }
0x8d: {  	s2 =	sadd.s32 s2, s14  }
0x8e: {  	[smem:$0x3FA6] =	sst s2  }
0x8f: {  	_ = 	snop  }
0x90: {  	s2 =	sld [smem:$0x3FD0];
	_ =	sdelay $0x2  }
0x91: {  	s15 =	simm.s32 $0xA;
	s4 =	simm.s32 $0x10  }
0x92: {  	[smem:s4], [sflag:s15] =	dma.local [hbm:s2], $0x1  }
0x93: {  	_ =	swait.eq [sflag:s15], $0x1  }
0x94: {  	[sflag:s15] =	ssyncset.done $0x0  }
0x95: {  	s16 =	sld [smem:$0x12];
	[sflag:s15] =	ssyncadd.s32 $0xFFFFFFFF  }
0x96: {  	s17 =	sld [smem:$0x14];
	(tm) =	ssettm $0x1  }
0x97: {  	s18 =	sld [smem:$0x3FFB];
	_ =	sdelay $0x3  }
0x98: {  	_ =	strace s18  }
0x99: {  	s4 =	sld [smem:$0x3FFC];
	_ =	sdelay $0x3  }
0x9a: {  	_ =	strace s4  }
0x9b: {  	s4 =	sld [smem:$0x3FFD];
	_ =	sdelay $0x3  }
0x9c: {  	_ =	strace s4  }
0x9d: {  	_ =	strace $0x8FFFFFFF  }
0x9e: {  	s19 =	sld [smem:$0x3FDB];
	_ =	sdelay $0x1  }
0x9f: {  	s5 =	simm.s32 $_scs_section_size  }
0xa0: {  	s6 =	simm.s32 $_size__tile_overlayer_lowered;
	s7 =	simm.s32 $_tile_overlayer_lowered  }
0xa1: {  	s22 =	simm.s32 $0x1BFF;
	s21 =	sshll.u32 s7, $0x1;
	s4 =	sadd.s32 s5, s19  }
0xa2: {  	s8 =	simm.s32 $0x0;
	s20 =	sshll.u32 s6, $0x1;
	s6 =	sadd.s32 s21, s4  }
0xa3: {  	[timem:s8], [sflag:s22] =	dma.local [hbm:s6], s20  }
0xa4: {  	_ =	swait.ge [sflag:s22], s20  }
0xa5: {  	s5 =	ssub.s32 $0x0, s20;
	[sflag:s22] =	ssyncset.done $0x0  }
0xa6: {  	[sflag:s22] =	ssyncadd.s32 s5;
	_ =	sdelay $0x1  }
0xa7: {  	s23 =	simm.s32 $0x1B8B  }
0xa8: {  	_ =	swait.ge [sflag:s23], $0x1  }
0xa9: {  	[sflag:s23] =	ssyncset.done $0x0  }
0xaa: {  	s25 =	simm.s32 $0x1B8E;
	s24 =	sld [smem:$0x3FFE];
	[sflag:s23] =	ssyncadd.s32 $0xFFFFFFFF  }
0xab: {  	s26 =	simm.s32 $execute0_lowered;
	[smem:$0x3FD2] =	sst s25  }
0xac: {  	s6 =	sshll.u32 s26, $0x1;
	_ =	strace $0x8000004F;
	[dreg:$0x1] =	wrdreg $0xFFFFFFFF  }
0xad: {  	s28 =	simm.s32 $_size_execute0_lowered;
	s4 =	sadd.s32 s4, s6;
	[dreg:$0x0] =	wrdreg $0x0  }
0xae: {  	s6 =	sshll.u32 s28, $0x1;
	[dreg:$0x2] =	wrdreg s4  }
0xaf: {  	[dreg:$0x3] =	wrdreg s6  }
0xb0: {  	[dreg:$0x4] =	wrdreg $0xC0  }
0xb1: {  	_ =	task [dreg:s8], $0x5FFFF  }
0xb2: {  	[dreg:$0x1] =	wrdreg $0xFFFFFFFF  }
0xb3: {  	[dreg:$0x0] =	wrdreg $0x60  }
0xb4: {  	[dreg:$0x2] =	wrdreg s16  }
0xb5: {  	[dreg:$0x3] =	wrdreg s17  }
0xb6: {  	[dreg:$0x4] =	wrdreg s24  }
0xb7: {  	[dreg:$0x5] =	wrdreg $0x9  }
0xb8: {  	_ =	task.clear_ibuf [dreg:s8], $0x6FFFF;
	_ =	strace $0x9000004F  }
0xb9: {  	s29 =	simm.s32 $0x9;
	_ =	strace $0x80000051  }
0xba: {  	_ =	swait.ge [sflag:s29], $0x1  }
0xbb: {  	[sflag:s29] =	ssyncadd.s32 $0xFFFFFFFF  }
0xbc: {  	_ =	strace $0x90000051  }
0xbd: {  	_ =	sfence  }
0xbe: {  	s30 =	sld [smem:$0x0];
	_ =	sdelay $0x2  }
0xbf: {  	s31 =	sshll.u32 s1, $0xD;
	s1 =	sshrl.u32 s1, $0x2  }
0xc0: {  	s3 =	sand.u32 $0x4000, s31;
	s1 =	sadd.s32 s1, s30  }
0xc1: {  	s0 =	sor.u32 s3, s0;
	s1 =	sshll.u32 s1, $0x11  }
0xc2: {  	s0 =	sor.u32 s1, s0  }
0xc3: {  	s0 =	sadd.s32 $0x8F2B, s0  }
0xc4: {  	[sflag:s0] =	ssyncadd.remote.s32 $0x1  }
0xc5: {  	_ =	sfence.sel $0xFFFF  }
0xc6: {  	[dreg:$0x0] =	wrdreg $0xFFFFFFFF;
	(pc) =	sbr.abs _section_cstart, $3  }
0xc7: {  	[dreg:$0x1] =	wrdreg $0xFFFFFFFF  }
0xc8: {  	_ =	task.clear_ibuf [dreg:s8], $0x2FFFF;
	_ =	strace $0x9FFFFFFF  }
0xc9: {  	(tm) =	ssettm $0x7FFFFFFF  }
tec
execute0_lowered:
.L_overlay_start_1:
0x0: {  	(tag) =	ssettag $0x1  }
0x1: {  	s2 =	rddreg [dreg:$0x0]  }
0x2: {  	s6 =	rddreg [dreg:$0x1]  }
0x3: {  	s4 =	rddreg [dreg:$0x2]  }
0x4: {  	s0 =	rddreg [dreg:$0x3];
	s1 =	stileid.u32  }
0x5: {  	s7 =	srdreg.scid;
	s5 =	smul.u32 $0x14000, s1  }
0x6: {  	s3 =	simm.s32 $0x0;
	s7 =	sand.u32 $0x1, s7;
	s8 =	smul.u32 $0x1400, s1  }
0x7: {  	[smem:$0x7FF] =	sst s3;
	s9 =	ssub.s32 $0x2, s7;
	s10 =	smul.u32 $0xA00, s7  }
0x8: {  	s7 =	smul.u32 $0xA000, s7;
	_ =	strace $0x80000050;
	s30 =	sshrl.u32 s9, $0x1  }
0x9: {  	s5 =	sadd.s32 s5, s4;
	s4 =	ssub.s32 s9, s30;
	s8 =	sadd.s32 s10, s8  }
0xa: {  	s5 =	sadd.s32 s7, s5;
	s7 =	simm.s32 $0x2;
	s9 =	simm.s32 $0x1  }
0xb: {  	s10 =	simm.s32 $0x0;
	s4 =	smax.u32 s4, $0x1;
	s31 =	sshrl.u32 s8, $0x3  }
0xc: {  	s5 =	sadd.s32 $0x7200, s5;
	s8 =	simm.s32 $0x100;
	s6 =	sadd.s32 s31, s6  }
.LBB2_1:
0xd: {  	s11 =	sadd.s32 $0x0, s6  }
0xe: {  	[tilespmem:s3], [sflag:$0x2] =	stream.linear.gather [hbm4b:s11+s3], $0x100, $0x38;
	[tilespmem:$0x8100] =	vst v63  }
0xf: {  	_ =	swait.ge [sflag:s7], $0x100  }
0x10: {  	[sflag:s7] =	ssyncset.done $0x0  }
0x11: {  	[sflag:s7] =	ssyncadd.s32 $0xFFFFFF00  }
0x12: {  	[tilespmem:s8], [sflag:$0x1] =	stream.indirect.gather [hbm4b:s2+s8], $0x80, s3, s8, $0xb8;
	[tilespmem:$0x8100] =	vst v63  }
0x13: {  	_ =	swait.ge [sflag:s9], $0x8000  }
0x14: {  	[sflag:s9] =	ssyncset.done $0x0  }
0x15: {  	[sflag:s9] =	ssyncadd.s32 $0xFFFF8000  }
0x16: {  	[hbm4b:s5+s3] =	stream.linear.scatter [tilespmem:s8], [sflag:$0x2], $0x8000, $0x38;
	[tilespmem:$0x8100] =	vst v63  }
0x17: {  	s12 =	simm.s32 $0x20;
	_ =	swait.ge [sflag:s7], $0x8000  }
0x18: {  	s13 =	simm.s32 $0x40;
	s11 =	sadd.s32 $0x1000, s5;
	[sflag:s7] =	ssyncset.done $0x0  }
.LBB2_2:
0x19: {  	s14 =	sadd.s32 s12, s6  }
0x1a: {  	[sflag:s7] =	ssyncadd.s32 $0xFFFF8000;
	s12 =	smov.u32 s13;
	s15 =	sadd.s32 $0x20, s13  }
0x1b: {  	[tilespmem:s3], [sflag:$0x2] =	stream.linear.gather [hbm4b:s14+s3], $0x100, $0x38;
	[tilespmem:$0x8100] =	vst v63  }
0x1c: {  	p0 =	sne.s32 s13, $0x120;
	_ =	swait.ge [sflag:s7], $0x100  }
0x1d: {  	[sflag:s7] =	ssyncset.done $0x0  }
0x1e: {  	[sflag:s7] =	ssyncadd.s32 $0xFFFFFF00  }
0x1f: {  	[tilespmem:s8], [sflag:$0x1] =	stream.indirect.gather [hbm4b:s2+s8], $0x80, s3, s8, $0xb8;
	[tilespmem:$0x8100] =	vst v63  }
0x20: {  	_ =	swait.ge [sflag:s9], $0x8000  }
.Ltmp0:
0x21: {  	[sflag:s9] =	ssyncset.done $0x0;
	(pc) =	sbr.rel @p0 .LBB2_2-.Ltmp0, $4  }
0x22: {  	[sflag:s9] =	ssyncadd.s32 $0xFFFF8000  }
0x23: {  	[hbm4b:s11+s3] =	stream.linear.scatter [tilespmem:s8], [sflag:$0x2], $0x8000, $0x38;
	[tilespmem:$0x8100] =	vst v63  }
0x24: {  	_ =	swait.ge [sflag:s7], $0x8000  }
0x25: {  	s13 =	smov.u32 s15;
	s11 =	sadd.s32 $0x1000, s11;
	[sflag:s7] =	ssyncset.done $0x0  }
0x26: {  	s12 =	sadd.s32 s12, s6;
	[sflag:s7] =	ssyncadd.s32 $0xFFFF8000  }
0x27: {  	[tilespmem:s3], [sflag:$0x2] =	stream.linear.gather [hbm4b:s12+s3], $0x100, $0x38;
	[tilespmem:$0x8100] =	vst v63  }
0x28: {  	_ =	swait.ge [sflag:s7], $0x100  }
0x29: {  	[sflag:s7] =	ssyncset.done $0x0  }
0x2a: {  	[sflag:s7] =	ssyncadd.s32 $0xFFFFFF00  }
0x2b: {  	[tilespmem:s8], [sflag:$0x1] =	stream.indirect.gather [hbm4b:s2+s8], $0x80, s3, s8, $0xb8;
	[tilespmem:$0x8100] =	vst v63  }
0x2c: {  	s10 =	sadd.s32 $0x1, s10;
	_ =	swait.ge [sflag:s9], $0x8000  }
0x2d: {  	p0 =	sne.s32 s10, s4;
	[sflag:s9] =	ssyncset.done $0x0  }
.Ltmp1:
0x2e: {  	[sflag:s9] =	ssyncadd.s32 $0xFFFF8000;
	(pc) =	sbr.rel @p0 .LBB2_1-.Ltmp1, $4  }
0x2f: {  	[hbm4b:s11+s3] =	stream.linear.scatter [tilespmem:s8], [sflag:$0x2], $0x8000, $0x38;
	[tilespmem:$0x8100] =	vst v63  }
0x30: {  	_ =	swait.ge [sflag:s7], $0x8000  }
0x31: {  	[sflag:s7] =	ssyncset.done $0x0  }
0x32: {  	[sflag:s7] =	ssyncadd.s32 $0xFFFF8000  }
0x33: {  	_ =	sfence.sel $0x180000  }
0x34: {  	[bflag:$0x0] =	sbarrier.arrive $0xFFFF  }
0x35: {  	p0 =	sne.s32 s1, $0x0;
	_ =	strace $0x90000050  }
0x36: {  	s0 =	sadd.s32 @!p0 $0x100000, s0;
	[bflag:$0x2] =	sbarrier.arrive $0xFFFF  }
0x37: {  	[sflag:s0] =	ssyncadd.tile.s32 @!p0 $0x1;
	_ =	shalt  }
.Lfunc_end2:
_tile_overlayer_lowered:
.L_overlay_start_2:
0x38: {  	(tag) =	ssettag $0x2  }
0x39: {  	s0 =	rddreg [dreg:$0x0];
	s2 =	stileid.u32  }
0x3a: {  	s1 =	rddreg [dreg:$0x1];
	p0 =	sne.s32 s2, $0x0  }
0x3b: {  	s3 =	rddreg [dreg:$0x2];
	[bflag:$0x3] =	sbarrier.arrive $0xFFFF;
	s2 =	simm.s32 @!p0 $0x1C02  }
0x3c: {  	[timem:s3], [sflag:s2] =	dma.local @!p0 [hbm:s0], s1  }
0x3d: {  	s0 =	simm.s32 @!p0 $0x2  }
0x3e: {  	_ =	swait.ge @!p0 [sflag:s0], s1  }
0x3f: {  	s1 =	ssub.s32 @!p0 $0x0, s1;
	[sflag:s0] =	ssyncset.done @!p0 $0x0  }
0x40: {  	[sflag:s0] =	ssyncadd.s32 @!p0 s1  }
0x41: {  	[bflag:$0x3] =	sbarrier.arrive $0xFFFF  }
0x42: {  	_ =	shalt  }

</sc_bundles>
